<compile_context>
chip_gen: v7x
topology: tpu7x:2x2x1
jax: 0.10.2.dev20260603
libtpu: 0.0.44.dev20260713+nightly
codegen_flags: <defaults>
</compile_context>

<pallas_src>
import functools

import jax
import jax.numpy as jnp
from jax.experimental import pallas as pl
from jax.experimental.pallas import tpu as pltpu
from jax.experimental.pallas import tpu_sc as plsc

_AEV = 1008
_AEVP = 1024
_N = 100000
_BM = 512
_NB = 204
_C = _BM * _NB
_ROWS = 8
_COLS = 12512
_NPAD = _ROWS * _COLS
_H1, _H2, _H3 = 256, 192, 160
_SW = 40
_NSUB = 32
_GW = _C // _NSUB


def _celu(x):
    return jnp.where(x > 0, x, 0.1 * (jnp.exp(x * 10.0) - 1.0))


def _cumsum(x, axis):
    n = x.shape[axis]
    k = 1
    while k < n:
        zshape = list(x.shape)
        zshape[axis] = k
        pad = jnp.zeros(zshape, x.dtype)
        if axis == 1:
            x = x + jnp.concatenate([pad, x[:, :n - k]], axis=1)
        else:
            x = x + jnp.concatenate([pad, x[:n - k, :]], axis=0)
        k *= 2
    return x


_PR = 512


def _pad_body(xt_ref, o_ref):
    o_ref[:, :_AEV] = xt_ref[...].T
    o_ref[:, _AEV:] = jnp.zeros((_PR, _AEVP - _AEV), jnp.float32)


def _pad_aev(aev_t):
    nsteps = (_N + _PR - 1) // _PR
    return pl.pallas_call(
        _pad_body,
        grid=(nsteps,),
        in_specs=[pl.BlockSpec((_AEV, _PR), lambda i: (0, i))],
        out_specs=pl.BlockSpec((_PR, _AEVP), lambda i: (i, 0)),
        out_shape=jax.ShapeDtypeStruct((_N, _AEVP), jnp.float32),
    )(aev_t)


def _route_body(s_ref, pos_ref, be_ref):
    s = s_ref[...]
    pos = jnp.zeros(s.shape, jnp.int32)
    off = jnp.int32(0)
    offs = []
    for b in range(8):
        ohb = s == b
        oh = ohb.astype(jnp.float32)
        inc = _cumsum(oh, axis=1)
        row_tot = inc[:, _COLS - 1:_COLS]
        ro = _cumsum(row_tot, axis=0) - row_tot
        rank_excl = inc + ro - oh
        cnt = (ro[7, 0] + row_tot[7, 0]).astype(jnp.int32)
        pos = jnp.where(ohb, off + rank_excl.astype(jnp.int32), pos)
        offs.append(off)
        off = off + ((cnt + _BM - 1) // _BM) * _BM
    pos_ref[...] = pos
    kidx = jax.lax.broadcasted_iota(jnp.int32, (1, 512), 1) * _BM
    be = jnp.zeros((1, 512), jnp.int32)
    for b in range(1, 8):
        be = be + (kidx >= offs[b]).astype(jnp.int32)
    be_ref[...] = be


def _mlp_body(be_ref, b4_ref, x_ref, w1_ref, b1_ref, w2_ref, b2_ref,
              w3_ref, b3_ref, w4_ref, o_ref):
    cdims = (((1,), (1,)), ((), ()))
    x = x_ref[...].astype(jnp.bfloat16)
    h = jax.lax.dot_general(x, w1_ref[0], cdims,
                            preferred_element_type=jnp.float32)
    h = _celu(h + b1_ref[0]).astype(jnp.bfloat16)
    h = jax.lax.dot_general(h, w2_ref[0], cdims,
                            preferred_element_type=jnp.float32)
    h = _celu(h + b2_ref[0]).astype(jnp.bfloat16)
    h = jax.lax.dot_general(h, w3_ref[0], cdims,
                            preferred_element_type=jnp.float32)
    h = _celu(h + b3_ref[0]).astype(jnp.bfloat16)
    y = jax.lax.dot_general(w4_ref[0], h, cdims,
                            preferred_element_type=jnp.float32)
    e = be_ref[pl.program_id(0)]
    o_ref[...] = (y + b4_ref[e]).reshape(1, 1, _BM)


def _sc_scatter_rows(aev, pos_row):
    mesh = plsc.VectorSubcoreMesh(core_axis_name="c", subcore_axis_name="s")

    @functools.partial(
        pl.kernel,
        out_type=jax.ShapeDtypeStruct((_C, _AEVP), jnp.float32),
        mesh=mesh,
        compiler_params=pltpu.CompilerParams(use_tc_tiling_on_sc=True))
    def scat(x_hbm, i_hbm, o_hbm):
        def body(x_vmem, i_vmem):
            pltpu.sync_copy(x_vmem, o_hbm.at[i_vmem.at[0]])

        pltpu.emit_pipeline(
            body,
            grid=(_N // _SW,),
            in_specs=[
                pl.BlockSpec((_SW, _AEVP), lambda i: (i, 0)),
                pl.BlockSpec((1, _SW), lambda i: (i, 0)),
            ],
            out_specs=[],
            core_axis_name=("c", "s"),
            dimension_semantics=(pltpu.PARALLEL,),
        )(x_hbm, i_hbm)

    return scat(aev, pos_row)


def _sc_gather_out(y_flat, idx_pad):
    mesh = plsc.VectorSubcoreMesh(core_axis_name="c", subcore_axis_name="s")

    @functools.partial(
        pl.kernel,
        out_type=jax.ShapeDtypeStruct((_C,), jnp.float32),
        mesh=mesh,
        compiler_params=pltpu.CompilerParams(needs_layout_passes=False),
        scratch_types=[
            pltpu.VMEM((_C,), jnp.float32),
            pltpu.VMEM((_GW,), jnp.int32),
            pltpu.VMEM((_GW,), jnp.float32),
            pltpu.SemaphoreType.DMA,
        ])
    def gat(y_hbm, i_hbm, o_hbm, y_vmem, idx_vmem, out_vmem, sem):
        c = jax.lax.axis_index("c")
        s = jax.lax.axis_index("s")
        u = c * 16 + s
        pltpu.async_copy(y_hbm, y_vmem, sem).wait()
        pltpu.async_copy(i_hbm.at[pl.ds(u * _GW, _GW)], idx_vmem, sem).wait()

        @pl.loop(0, _GW, step=16)
        def _(j):
            idx = idx_vmem[pl.ds(j, 16)]
            out_vmem[pl.ds(j, 16)] = plsc.load_gather(y_vmem, [idx])

        pltpu.async_copy(out_vmem, o_hbm.at[pl.ds(u * _GW, _GW)], sem).wait()

    return gat(y_flat, idx_pad)


def _stack_params(params):
    dims = [(_H1, _AEVP), (_H2, _H1), (_H3, _H2), (1, _H3)]
    Ws = [[] for _ in range(4)]
    bs = [[] for _ in range(4)]
    for layers in params:
        for j, (W, b) in enumerate(layers):
            ho, hi = dims[j]
            Ws[j].append(jnp.zeros((ho, hi), jnp.float32)
                         .at[:W.shape[0], :W.shape[1]].set(W))
            bs[j].append(jnp.zeros((ho,), jnp.float32).at[:b.shape[0]].set(b))
    for j, (ho, hi) in enumerate(dims):
        Ws[j].append(jnp.zeros((ho, hi), jnp.float32))
        bs[j].append(jnp.zeros((ho,), jnp.float32))
    W1s, W2s, W3s, W4s = (jnp.stack(Ws[j]).astype(jnp.bfloat16)
                          for j in range(4))
    b1s = jnp.stack(bs[0]).reshape(8, 1, _H1)
    b2s = jnp.stack(bs[1]).reshape(8, 1, _H2)
    b3s = jnp.stack(bs[2]).reshape(8, 1, _H3)
    b4s = jnp.stack(bs[3]).reshape(8)
    return W1s, b1s, W2s, b2s, W3s, b3s, W4s, b4s


def kernel(species, aev, params):
    species = species.astype(jnp.int32)
    W1s, b1s, W2s, b2s, W3s, b3s, W4s, b4s = _stack_params(params)

    species2d = jnp.concatenate(
        [species, jnp.full((_NPAD - _N,), 7, jnp.int32)]).reshape(_ROWS, _COLS)

    pos2d, be2d = pl.pallas_call(
        _route_body,
        out_shape=[
            jax.ShapeDtypeStruct((_ROWS, _COLS), jnp.int32),
            jax.ShapeDtypeStruct((1, 512), jnp.int32),
        ],
    )(species2d)

    pos_flat = pos2d.reshape(_NPAD)
    pos_sc = pos_flat[:_N].reshape(_N // _SW, _SW)
    idx_pad = jnp.concatenate(
        [pos_flat, jnp.zeros((_C - _NPAD,), jnp.int32)])
    be_flat = be2d.reshape(512)

    aev_p = _pad_aev(aev.T)
    xs = _sc_scatter_rows(aev_p, pos_sc)

    grid_spec = pltpu.PrefetchScalarGridSpec(
        num_scalar_prefetch=2,
        grid=(_NB,),
        in_specs=[
            pl.BlockSpec((_BM, _AEVP), lambda k, be, b4: (k, 0)),
            pl.BlockSpec((1, _H1, _AEVP), lambda k, be, b4: (be[k], 0, 0)),
            pl.BlockSpec((1, 1, _H1), lambda k, be, b4: (be[k], 0, 0)),
            pl.BlockSpec((1, _H2, _H1), lambda k, be, b4: (be[k], 0, 0)),
            pl.BlockSpec((1, 1, _H2), lambda k, be, b4: (be[k], 0, 0)),
            pl.BlockSpec((1, _H3, _H2), lambda k, be, b4: (be[k], 0, 0)),
            pl.BlockSpec((1, 1, _H3), lambda k, be, b4: (be[k], 0, 0)),
            pl.BlockSpec((1, 1, _H3), lambda k, be, b4: (be[k], 0, 0)),
        ],
        out_specs=pl.BlockSpec((1, 1, _BM), lambda k, be, b4: (k, 0, 0)),
    )
    y = pl.pallas_call(
        _mlp_body,
        grid_spec=grid_spec,
        out_shape=jax.ShapeDtypeStruct((_NB, 1, _BM), jnp.float32),
    )(be_flat, b4s, xs, W1s, b1s, W2s, b2s, W3s, b3s, W4s)

    out_full = _sc_gather_out(y.reshape(_C), idx_pad)
    return out_full[:_N]

# --- scband reference (transcript-rebuilt; emitter-appended) ---
"""Pipeline reference for scband-aniinteraction-47553877901499 (READ-ONLY COPY).

The authoritative reference and input builder live on the scoring server;
editing this copy changes nothing except your own understanding.
"""

import jax, jax.numpy as jnp
import numpy as np

AEV_DIM = 1008
N_ATOMS = 100000
# ModuleList order: [H, C, O, N, S, F, Cl]
HIDDEN = [(256, 192, 160), (224, 192, 160), (192, 160, 128), (192, 160, 128), (160, 128, 96), (160, 128, 96), (160, 128, 96)]


def make_params(key):
    params = []
    for (h1, h2, h3) in HIDDEN:
        dims = [AEV_DIM, h1, h2, h3, 1]
        layers = []
        for j in range(4):
            key, k1, k2 = jax.random.split(key, 3)
            fan = dims[j]
            W = jax.random.uniform(k1, (dims[j + 1], dims[j]), minval=-1.0, maxval=1.0, dtype=jnp.float32) / jnp.sqrt(fan)
            b = jax.random.uniform(k2, (dims[j + 1],), minval=-1.0, maxval=1.0, dtype=jnp.float32) / jnp.sqrt(fan)
            layers.append((W, b))
        params.append(layers)
    return params


def setup_inputs(seed: int = 0) -> dict:
    key = jax.random.key(seed)
    k1, k2, k3 = jax.random.split(key, 3)
    species = jax.random.randint(k1, (N_ATOMS,), 0, 7, dtype=jnp.int32)
    aev = jax.random.normal(k2, (N_ATOMS, AEV_DIM), dtype=jnp.float32)
    params = make_params(k3)
    return {"species": species, "aev": aev, "params": params}


def _mlp(x, layers):
    h = x
    n = len(layers)
    for idx, (W, b) in enumerate(layers):
        h = h @ W.T + b
        if idx < n - 1:
            h = jax.nn.celu(h, alpha=0.1)
    return h[:, 0]


def reference(species, aev, params):
    # Faithful translation: per-species expert MLP, scattered back into atom order.
    # Dense-compute-then-select gives identical outputs to index_select/scatter.
    out = jnp.zeros(species.shape, dtype=aev.dtype)
    for i, layers in enumerate(params):
        y = _mlp(aev, layers)
        out = jnp.where(species == i, y, out)
    return out

if __name__ == "__main__":
    import jax
    _d = setup_inputs()
    print(jax.jit(kernel)(*tuple(_d.values())))

</pallas_src>

<mosaic_0001>
#map = affine_map<(d0, d1) -> (0)>
module attributes {stable_mosaic.version = 14 : i64} {
  func.func @gat(%arg0: i32, %arg1: i32, %arg2: memref<104448xf32, #tpu.memory_space<hbm>>, %arg3: memref<104448xi32, #tpu.memory_space<hbm>>, %arg4: memref<104448xf32, #tpu.memory_space<hbm>>, %arg5: memref<104448xf32, #tpu.memory_space<vmem>>, %arg6: memref<3264xi32, #tpu.memory_space<vmem>>, %arg7: memref<3264xf32, #tpu.memory_space<vmem>>, %arg8: memref<!tpu.dma_semaphore, #tpu.memory_space<semaphore_mem>>) attributes {dimension_semantics = [#tpu.dimension_semantics<core_parallel>, #tpu.dimension_semantics<subcore_parallel>], iteration_bounds = array<i64: 2, 16>, scalar_prefetch = 0 : i64, scratch_operands = 4 : i64, tpu.core_type = #tpu.core_type<sc_vector_subcore>, window_params = [{transform_indices = #map}, {transform_indices = #map}, {transform_indices = #map}]} {
    %mul3A = arith.constant 16 : i32
    %mul3A_0 = arith.muli %arg0, %mul3A : i32
    %add3A = arith.addi %mul3A_0, %arg1 : i32
    tpu.enqueue_dma source(%arg2 : memref<104448xf32, #tpu.memory_space<hbm>>) target(%arg5 : memref<104448xf32, #tpu.memory_space<vmem>>) target_semaphore(%arg8 : memref<!tpu.dma_semaphore, #tpu.memory_space<semaphore_mem>>)
    tpu.wait_dma2 semaphore(%arg8 : memref<!tpu.dma_semaphore, #tpu.memory_space<semaphore_mem>>) src(%arg2 : memref<104448xf32, #tpu.memory_space<hbm>>) dst(%arg5 : memref<104448xf32, #tpu.memory_space<vmem>>)
    %mul3A_1 = arith.constant 3264 : i32
    %mul3A_2 = arith.muli %add3A, %mul3A_1 : i32
    %dma_start3A = tpu.memref_slice %arg3[%mul3A_2] : memref<104448xi32, #tpu.memory_space<hbm>> -> memref<3264xi32, #tpu.memory_space<hbm>>
    %dma_start3A_3 = tpu.memref_slice %arg3[%mul3A_2] : memref<104448xi32, #tpu.memory_space<hbm>> -> memref<3264xi32, #tpu.memory_space<hbm>>
    tpu.enqueue_dma source(%dma_start3A_3 : memref<3264xi32, #tpu.memory_space<hbm>>) target(%arg6 : memref<3264xi32, #tpu.memory_space<vmem>>) target_semaphore(%arg8 : memref<!tpu.dma_semaphore, #tpu.memory_space<semaphore_mem>>)
    %dma_wait3A = tpu.memref_slice %arg3[%mul3A_2] : memref<104448xi32, #tpu.memory_space<hbm>> -> memref<3264xi32, #tpu.memory_space<hbm>>
    %dma_wait3A_4 = tpu.memref_slice %arg3[%mul3A_2] : memref<104448xi32, #tpu.memory_space<hbm>> -> memref<3264xi32, #tpu.memory_space<hbm>>
    tpu.wait_dma2 semaphore(%arg8 : memref<!tpu.dma_semaphore, #tpu.memory_space<semaphore_mem>>) src(%dma_wait3A_4 : memref<3264xi32, #tpu.memory_space<hbm>>) dst(%arg6 : memref<3264xi32, #tpu.memory_space<vmem>>)
    %scan3A = arith.constant 0 : i32
    %scan3A_5 = arith.constant 204 : i32
    %scan3A_6 = arith.addi %scan3A, %scan3A_5 : i32
    %scan3A_7 = arith.constant 1 : i32
    scf.for %scan3A_15 = %scan3A to %scan3A_6 step %scan3A_7  : i32 {
      %mul3A_16 = arith.constant 16 : i32
      %mul3A_17 = arith.muli %scan3A_15, %mul3A_16 : i32
      %add3A_18 = arith.constant 0 : i32
      %add3A_19 = arith.addi %add3A_18, %mul3A_17 : i32
      %get3A = arith.index_cast %add3A_19 : i32 to index
      %get3A_20 = tpu.vector_load %arg6[%get3A] {strides = array<i32>} : memref<3264xi32, #tpu.memory_space<vmem>>, vector<16xi32>,
      %gather3A = tpu.vector_load_idx %arg5[%get3A_20] : memref<104448xf32, #tpu.memory_space<vmem>>[vector<16xi32>], vector<16xf32>,
      %swap3A = arith.index_cast %add3A_19 : i32 to index
      %swap3A_21 = tpu.vector_load %arg7[%swap3A] {strides = array<i32>} : memref<3264xf32, #tpu.memory_space<vmem>>, vector<16xf32>,
      tpu.vector_store %arg7[%swap3A], %gather3A {strides = array<i32>} : memref<3264xf32, #tpu.memory_space<vmem>>, vector<16xf32>,
    }
    %scan3A_8 = arith.constant 204 : i32
    %mul3A_9 = arith.constant 3264 : i32
    %mul3A_10 = arith.muli %add3A, %mul3A_9 : i32
    %dma_start3A_11 = tpu.memref_slice %arg4[%mul3A_10] : memref<104448xf32, #tpu.memory_space<hbm>> -> memref<3264xf32, #tpu.memory_space<hbm>>
    %dma_start3A_12 = tpu.memref_slice %arg4[%mul3A_10] : memref<104448xf32, #tpu.memory_space<hbm>> -> memref<3264xf32, #tpu.memory_space<hbm>>
    tpu.enqueue_dma source(%arg7 : memref<3264xf32, #tpu.memory_space<vmem>>) target(%dma_start3A_12 : memref<3264xf32, #tpu.memory_space<hbm>>) target_semaphore(%arg8 : memref<!tpu.dma_semaphore, #tpu.memory_space<semaphore_mem>>)
    %dma_wait3A_13 = tpu.memref_slice %arg4[%mul3A_10] : memref<104448xf32, #tpu.memory_space<hbm>> -> memref<3264xf32, #tpu.memory_space<hbm>>
    %dma_wait3A_14 = tpu.memref_slice %arg4[%mul3A_10] : memref<104448xf32, #tpu.memory_space<hbm>> -> memref<3264xf32, #tpu.memory_space<hbm>>
    tpu.wait_dma2 semaphore(%arg8 : memref<!tpu.dma_semaphore, #tpu.memory_space<semaphore_mem>>) src(%arg7 : memref<3264xf32, #tpu.memory_space<vmem>>) dst(%dma_wait3A_14 : memref<3264xf32, #tpu.memory_space<hbm>>)
    return
  }
}

#map = affine_map<(d0, d1) -> (0, 0)>
module attributes {stable_mosaic.version = 14 : i64} {
  func.func @scat(%arg0: i32, %arg1: i32, %arg2: memref<100000x1024xf32, #tpu.memory_space<hbm>>, %arg3: memref<2500x40xi32, #tpu.memory_space<hbm>>, %arg4: memref<104448x1024xf32, #tpu.memory_space<hbm>>) attributes {dimension_semantics = [#tpu.dimension_semantics<core_parallel>, #tpu.dimension_semantics<subcore_parallel>], iteration_bounds = array<i64: 2, 16>, scalar_prefetch = 0 : i64, scratch_operands = 0 : i64, tpu.core_type = #tpu.core_type<sc_vector_subcore>, window_params = [{transform_indices = #map}, {transform_indices = #map}, {transform_indices = #map}]} {
    %mul3A = arith.constant 1 : i32
    %mul3A_0 = arith.muli %arg1, %mul3A : i32
    %add3A = arith.constant 0 : i32
    %add3A_1 = arith.addi %add3A, %mul3A_0 : i32
    %mul3A_2 = arith.constant 16 : i32
    %mul3A_3 = arith.muli %arg0, %mul3A_2 : i32
    %add3A_4 = arith.addi %add3A_1, %mul3A_3 : i32
    %lt3A = arith.constant 4 : i32
    %lt3A_5 = arith.cmpi slt, %add3A_4, %lt3A : i32
    %jit3A = arith.constant 79 : i32
    %jit3A_6 = arith.constant 78 : i32
    %select_n3A = arith.select %lt3A_5, %jit3A, %jit3A_6 : i32
    %lt3A_7 = arith.constant 4 : i32
    %lt3A_8 = arith.cmpi slt, %add3A_4, %lt3A_7 : i32
    %mul3A_9 = arith.muli %add3A_4, %select_n3A : i32
    %mul3A_10 = arith.constant 78 : i32
    %mul3A_11 = arith.muli %add3A_4, %mul3A_10 : i32
    %add3A_12 = arith.constant 4 : i32
    %add3A_13 = arith.addi %mul3A_11, %add3A_12 : i32
    %select_n3A_14 = arith.select %lt3A_8, %mul3A_9, %add3A_13 : i32
    %mul3A_15 = arith.constant 1 : i32
    %mul3A_16 = arith.muli %mul3A_15, %select_n3A : i32
    "tpu.region"() ({
      %run_scoped3A = memref.alloca() : memref<2x40x1024xf32, #tpu.memory_space<vmem>>
      %run_scoped3A_17 = tpu.sem_alloc : memref<2x!tpu.dma_semaphore, #tpu.memory_space<semaphore_mem>>
      %run_scoped3A_18 = memref.alloca() : memref<2x1x40xi32, #tpu.memory_space<vmem>>
      %run_scoped3A_19 = tpu.sem_alloc : memref<2x!tpu.dma_semaphore, #tpu.memory_space<semaphore_mem>>
      %gt3A = arith.constant 0 : i32
      %gt3A_20 = arith.cmpi sgt, %mul3A_16, %gt3A : i32
      %convert_element_type3A = arith.extui %gt3A_20 : i1 to i32
      %cond3A = arith.constant 0 : i32
      %cond3A_21 = arith.cmpi ne, %convert_element_type3A, %cond3A : i32
      scf.if %cond3A_21 {
        %mul3A_22 = arith.constant 1 : i32
        %mul3A_23 = arith.muli %mul3A_22, %select_n3A : i32
        %sub3A = arith.constant 1 : i32
        %sub3A_24 = arith.subi %mul3A_23, %sub3A : i32
        %eq3A = arith.constant 0 : i32
        %eq3A_25 = arith.cmpi eq, %sub3A_24, %eq3A : i32
        %add3A_26 = arith.constant 0 : i32
        %add3A_27 = arith.addi %add3A_26, %select_n3A_14 : i32
        %select_n3A_28 = arith.constant true
        %select_n3A_29 = arith.constant 0 : i32
        %select_n3A_30 = arith.constant -1 : i32
        %select_n3A_31 = arith.select %select_n3A_28, %select_n3A_30, %select_n3A_29 : i32
        %eq3A_32 = arith.constant -1 : i32
        %eq3A_33 = arith.cmpi eq, %select_n3A_31, %eq3A_32 : i32
        %sub3A_34 = arith.constant 1 : i32
        %sub3A_35 = arith.subi %select_n3A, %sub3A_34 : i32
        %select_n3A_36 = arith.select %eq3A_33, %sub3A_35, %select_n3A_31 : i32
        %add3A_37 = arith.addi %select_n3A_36, %select_n3A_14 : i32
        %select_n3A_38 = arith.constant true
        %select_n3A_39 = arith.constant 0 : i32
        %select_n3A_40 = arith.constant 1 : i32
        %select_n3A_41 = arith.select %select_n3A_38, %select_n3A_40, %select_n3A_39 : i32
        %eq3A_42 = arith.cmpi eq, %select_n3A_41, %select_n3A : i32
        %select_n3A_43 = arith.constant 0 : i32
        %select_n3A_44 = arith.select %eq3A_42, %select_n3A_43, %select_n3A_41 : i32
        %add3A_45 = arith.addi %select_n3A_44, %select_n3A_14 : i32
        %add3A_46 = arith.constant 1 : i32
        %add3A_47 = arith.addi %select_n3A_44, %add3A_46 : i32
        %select_n3A_48 = arith.constant true
        %select_n3A_49 = arith.select %select_n3A_48, %add3A_47, %select_n3A_44 : i32
        %eq3A_50 = arith.cmpi eq, %select_n3A_49, %select_n3A : i32
        %select_n3A_51 = arith.constant 0 : i32
        %select_n3A_52 = arith.select %eq3A_50, %select_n3A_51, %select_n3A_49 : i32
        %add3A_53 = arith.addi %select_n3A_52, %select_n3A_14 : i32
        "tpu.trace_start"() <{level = 10 : i32, message = "ep_initialize_0"}> : () -> ()
        %rem3A = arith.constant 0 : i32
        %rem3A_54 = arith.constant 2 : i32
        %rem3A_55 = arith.remui %rem3A, %rem3A_54 : i32
        %mul3A_56 = arith.constant 40 : i32
        %mul3A_57 = arith.muli %mul3A_56, %add3A_27 : i32
        %dma_start3A = arith.constant 0 : i32
        %dma_start3A_58 = arith.constant 0 : i32
        %dma_start3A_59 = tpu.memref_slice %run_scoped3A[%rem3A_55, %dma_start3A, %dma_start3A_58] : memref<2x40x1024xf32, #tpu.memory_space<vmem>> -> memref<1x40x1024xf32, #tpu.memory_space<vmem>>
        %dma_start3A_60 = tpu.memref_squeeze %dma_start3A_59 : memref<1x40x1024xf32, #tpu.memory_space<vmem>> -> memref<40x1024xf32, #tpu.memory_space<vmem>>
        %dma_start3A_61 = arith.constant 0 : i32
        %dma_start3A_62 = tpu.memref_slice %arg2[%mul3A_57, %dma_start3A_61] : memref<100000x1024xf32, #tpu.memory_space<hbm>> -> memref<40x1024xf32, #tpu.memory_space<hbm>>
        %dma_start3A_63 = tpu.memref_slice %run_scoped3A_17[%rem3A_55] : memref<2x!tpu.dma_semaphore, #tpu.memory_space<semaphore_mem>> -> memref<1x!tpu.dma_semaphore, #tpu.memory_space<semaphore_mem>>
        %dma_start3A_64 = tpu.memref_squeeze %dma_start3A_63 : memref<1x!tpu.dma_semaphore, #tpu.memory_space<semaphore_mem>> -> memref<!tpu.dma_semaphore, #tpu.memory_space<semaphore_mem>>
        %dma_start3A_65 = arith.constant 0 : i32
        %dma_start3A_66 = arith.constant 0 : i32
        %dma_start3A_67 = tpu.memref_slice %run_scoped3A[%rem3A_55, %dma_start3A_65, %dma_start3A_66] : memref<2x40x1024xf32, #tpu.memory_space<vmem>> -> memref<1x40x1024xf32, #tpu.memory_space<vmem>>
        %dma_start3A_68 = tpu.memref_squeeze %dma_start3A_67 : memref<1x40x1024xf32, #tpu.memory_space<vmem>> -> memref<40x1024xf32, #tpu.memory_space<vmem>>
        %dma_start3A_69 = arith.constant 0 : i32
        %dma_start3A_70 = tpu.memref_slice %arg2[%mul3A_57, %dma_start3A_69] : memref<100000x1024xf32, #tpu.memory_space<hbm>> -> memref<40x1024xf32, #tpu.memory_space<hbm>>
        tpu.enqueue_dma source(%dma_start3A_70 : memref<40x1024xf32, #tpu.memory_space<hbm>>) target(%dma_start3A_68 : memref<40x1024xf32, #tpu.memory_space<vmem>>) target_semaphore(%dma_start3A_64 : memref<!tpu.dma_semaphore, #tpu.memory_space<semaphore_mem>>)
        %add3A_71 = arith.constant 0 : i32
        %add3A_72 = arith.constant 1 : i32
        %add3A_73 = arith.addi %add3A_71, %add3A_72 : i32
        %select_n3A_74 = arith.constant true
        %select_n3A_75 = arith.constant 0 : i32
        %select_n3A_76 = arith.select %select_n3A_74, %add3A_73, %select_n3A_75 : i32
        %rem3A_77 = arith.constant 0 : i32
        %rem3A_78 = arith.constant 2 : i32
        %rem3A_79 = arith.remui %rem3A_77, %rem3A_78 : i32
        %mul3A_80 = arith.constant 1 : i32
        %mul3A_81 = arith.muli %mul3A_80, %add3A_27 : i32
        %dma_start3A_82 = arith.constant 0 : i32
        %dma_start3A_83 = arith.constant 0 : i32
        %dma_start3A_84 = tpu.memref_slice %run_scoped3A_18[%rem3A_79, %dma_start3A_82, %dma_start3A_83] : memref<2x1x40xi32, #tpu.memory_space<vmem>> -> memref<1x1x40xi32, #tpu.memory_space<vmem>>
        %dma_start3A_85 = tpu.memref_squeeze %dma_start3A_84 : memref<1x1x40xi32, #tpu.memory_space<vmem>> -> memref<1x40xi32, #tpu.memory_space<vmem>>
        %dma_start3A_86 = arith.constant 0 : i32
        %dma_start3A_87 = tpu.memref_slice %arg3[%mul3A_81, %dma_start3A_86] : memref<2500x40xi32, #tpu.memory_space<hbm>> -> memref<1x40xi32, #tpu.memory_space<hbm>>
        %dma_start3A_88 = tpu.memref_slice %run_scoped3A_19[%rem3A_79] : memref<2x!tpu.dma_semaphore, #tpu.memory_space<semaphore_mem>> -> memref<1x!tpu.dma_semaphore, #tpu.memory_space<semaphore_mem>>
        %dma_start3A_89 = tpu.memref_squeeze %dma_start3A_88 : memref<1x!tpu.dma_semaphore, #tpu.memory_space<semaphore_mem>> -> memref<!tpu.dma_semaphore, #tpu.memory_space<semaphore_mem>>
        %dma_start3A_90 = arith.constant 0 : i32
        %dma_start3A_91 = arith.constant 0 : i32
        %dma_start3A_92 = tpu.memref_slice %run_scoped3A_18[%rem3A_79, %dma_start3A_90, %dma_start3A_91] : memref<2x1x40xi32, #tpu.memory_space<vmem>> -> memref<1x1x40xi32, #tpu.memory_space<vmem>>
        %dma_start3A_93 = tpu.memref_squeeze %dma_start3A_92 : memref<1x1x40xi32, #tpu.memory_space<vmem>> -> memref<1x40xi32, #tpu.memory_space<vmem>>
        %dma_start3A_94 = arith.constant 0 : i32
        %dma_start3A_95 = tpu.memref_slice %arg3[%mul3A_81, %dma_start3A_94] : memref<2500x40xi32, #tpu.memory_space<hbm>> -> memref<1x40xi32, #tpu.memory_space<hbm>>
        tpu.enqueue_dma source(%dma_start3A_95 : memref<1x40xi32, #tpu.memory_space<hbm>>) target(%dma_start3A_93 : memref<1x40xi32, #tpu.memory_space<vmem>>) target_semaphore(%dma_start3A_89 : memref<!tpu.dma_semaphore, #tpu.memory_space<semaphore_mem>>)
        %add3A_96 = arith.constant 0 : i32
        %add3A_97 = arith.constant 1 : i32
        %add3A_98 = arith.addi %add3A_96, %add3A_97 : i32
        %select_n3A_99 = arith.constant true
        %select_n3A_100 = arith.constant 0 : i32
        %select_n3A_101 = arith.select %select_n3A_99, %add3A_98, %select_n3A_100 : i32
        %while3A = arith.constant 0 : i32
        %while3A_102 = arith.constant 0 : i32
        %while3A_103 = arith.constant 0 : i32
        %while3A_104 = arith.constant 0 : i32
        "tpu.trace_stop"() : () -> ()
        %while3A_105 = arith.subi %mul3A_16, %while3A : i32
        %while3A_106 = arith.addi %while3A, %while3A_105 : i32
        %while3A_107 = arith.constant 1 : i32
        %while3A_108 = arith.divsi %while3A_105, %while3A_107 : i32
        %while3A_109 = arith.muli %while3A_108, %while3A_107 : i32
        %while3A_110 = arith.addi %while3A, %while3A_109 : i32
        %while3A_111 = arith.constant 1 : i32
        %while3A_112:5 = scf.for %while3A_166 = %while3A to %while3A_110 step %while3A_111 iter_args(%while3A_167 = %select_n3A_76, %while3A_168 = %while3A_102, %while3A_169 = %select_n3A_101, %while3A_170 = %while3A_103, %while3A_171 = %while3A_104) -> (i32, i32, i32, i32, i32)  : i32 {
          %mul3A_172 = arith.constant 1 : i32
          %mul3A_173 = arith.muli %mul3A_172, %select_n3A : i32
          %eq3A_174 = arith.constant 0 : i32
          %eq3A_175 = arith.cmpi eq, %while3A_166, %eq3A_174 : i32
          %sub3A_176 = arith.constant 1 : i32
          %sub3A_177 = arith.subi %mul3A_173, %sub3A_176 : i32
          %eq3A_178 = arith.cmpi eq, %while3A_166, %sub3A_177 : i32
          %add3A_179 = arith.addi %while3A_171, %select_n3A_14 : i32
          %sub3A_180 = arith.constant 1 : i32
          %sub3A_181 = arith.subi %while3A_171, %sub3A_180 : i32
          %select_n3A_182 = arith.constant true
          %select_n3A_183 = arith.select %select_n3A_182, %sub3A_181, %while3A_171 : i32
          %eq3A_184 = arith.constant -1 : i32
          %eq3A_185 = arith.cmpi eq, %select_n3A_183, %eq3A_184 : i32
          %sub3A_186 = arith.constant 1 : i32
          %sub3A_187 = arith.subi %select_n3A, %sub3A_186 : i32
          %select_n3A_188 = arith.select %eq3A_185, %sub3A_187, %select_n3A_183 : i32
          %add3A_189 = arith.addi %select_n3A_188, %select_n3A_14 : i32
          %add3A_190 = arith.constant 1 : i32
          %add3A_191 = arith.addi %while3A_171, %add3A_190 : i32
          %select_n3A_192 = arith.constant true
          %select_n3A_193 = arith.select %select_n3A_192, %add3A_191, %while3A_171 : i32
          %eq3A_194 = arith.cmpi eq, %select_n3A_193, %select_n3A : i32
          %select_n3A_195 = arith.constant 0 : i32
          %select_n3A_196 = arith.select %eq3A_194, %select_n3A_195, %select_n3A_193 : i32
          %add3A_197 = arith.addi %select_n3A_196, %select_n3A_14 : i32
          %add3A_198 = arith.constant 1 : i32
          %add3A_199 = arith.addi %select_n3A_196, %add3A_198 : i32
          %select_n3A_200 = arith.constant true
          %select_n3A_201 = arith.select %select_n3A_200, %add3A_199, %select_n3A_196 : i32
          %eq3A_202 = arith.cmpi eq, %select_n3A_201, %select_n3A : i32
          %select_n3A_203 = arith.constant 0 : i32
          %select_n3A_204 = arith.select %eq3A_202, %select_n3A_203, %select_n3A_201 : i32
          %add3A_205 = arith.addi %select_n3A_204, %select_n3A_14 : i32
          %ne3A = arith.cmpi ne, %add3A_179, %add3A_197 : i32
          %or3A = arith.constant false
          %or3A_206 = arith.ori %or3A, %ne3A : i1
          %or3A_207 = arith.constant false
          %or3A_208 = arith.ori %or3A_206, %or3A_207 : i1
          %sub3A_209 = arith.constant 2 : i32
          %sub3A_210 = arith.subi %mul3A_173, %sub3A_209 : i32
          %add3A_211 = arith.constant 1 : i32
          %add3A_212 = arith.addi %sub3A_210, %add3A_211 : i32
          %ge3A = arith.cmpi sge, %while3A_166, %add3A_212 : i32
          %not3A = arith.constant true
          %not3A_213 = arith.xori %ge3A, %not3A : i1
          %and3A = arith.andi %or3A_208, %not3A_213 : i1
          %convert_element_type3A_214 = arith.extui %and3A : i1 to i32
          %cond3A_215 = arith.constant 0 : i32
          %cond3A_216 = arith.cmpi ne, %convert_element_type3A_214, %cond3A_215 : i32
          scf.if %cond3A_216 {
            "tpu.trace_start"() <{level = 10 : i32, message = "ep_copy_in"}> : () -> ()
            %rem3A_339 = arith.constant 2 : i32
            %rem3A_340 = arith.remui %while3A_167, %rem3A_339 : i32
            %mul3A_341 = arith.constant 40 : i32
            %mul3A_342 = arith.muli %mul3A_341, %add3A_197 : i32
            %dma_start3A_343 = arith.constant 0 : i32
            %dma_start3A_344 = arith.constant 0 : i32
            %dma_start3A_345 = tpu.memref_slice %run_scoped3A[%rem3A_340, %dma_start3A_343, %dma_start3A_344] : memref<2x40x1024xf32, #tpu.memory_space<vmem>> -> memref<1x40x1024xf32, #tpu.memory_space<vmem>>
            %dma_start3A_346 = tpu.memref_squeeze %dma_start3A_345 : memref<1x40x1024xf32, #tpu.memory_space<vmem>> -> memref<40x1024xf32, #tpu.memory_space<vmem>>
            %dma_start3A_347 = arith.constant 0 : i32
            %dma_start3A_348 = tpu.memref_slice %arg2[%mul3A_342, %dma_start3A_347] : memref<100000x1024xf32, #tpu.memory_space<hbm>> -> memref<40x1024xf32, #tpu.memory_space<hbm>>
            %dma_start3A_349 = tpu.memref_slice %run_scoped3A_17[%rem3A_340] : memref<2x!tpu.dma_semaphore, #tpu.memory_space<semaphore_mem>> -> memref<1x!tpu.dma_semaphore, #tpu.memory_space<semaphore_mem>>
            %dma_start3A_350 = tpu.memref_squeeze %dma_start3A_349 : memref<1x!tpu.dma_semaphore, #tpu.memory_space<semaphore_mem>> -> memref<!tpu.dma_semaphore, #tpu.memory_space<semaphore_mem>>
            %dma_start3A_351 = arith.constant 0 : i32
            %dma_start3A_352 = arith.constant 0 : i32
            %dma_start3A_353 = tpu.memref_slice %run_scoped3A[%rem3A_340, %dma_start3A_351, %dma_start3A_352] : memref<2x40x1024xf32, #tpu.memory_space<vmem>> -> memref<1x40x1024xf32, #tpu.memory_space<vmem>>
            %dma_start3A_354 = tpu.memref_squeeze %dma_start3A_353 : memref<1x40x1024xf32, #tpu.memory_space<vmem>> -> memref<40x1024xf32, #tpu.memory_space<vmem>>
            %dma_start3A_355 = arith.constant 0 : i32
            %dma_start3A_356 = tpu.memref_slice %arg2[%mul3A_342, %dma_start3A_355] : memref<100000x1024xf32, #tpu.memory_space<hbm>> -> memref<40x1024xf32, #tpu.memory_space<hbm>>
            tpu.enqueue_dma source(%dma_start3A_356 : memref<40x1024xf32, #tpu.memory_space<hbm>>) target(%dma_start3A_354 : memref<40x1024xf32, #tpu.memory_space<vmem>>) target_semaphore(%dma_start3A_350 : memref<!tpu.dma_semaphore, #tpu.memory_space<semaphore_mem>>)
            "tpu.trace_stop"() : () -> ()
          } else {
          }
          %and3A_217 = arith.constant true
          %and3A_218 = arith.andi %and3A, %and3A_217 : i1
          %add3A_219 = arith.constant 1 : i32
          %add3A_220 = arith.addi %while3A_167, %add3A_219 : i32
          %select_n3A_221 = arith.select %and3A_218, %add3A_220, %while3A_167 : i32
          %ne3A_222 = arith.cmpi ne, %add3A_179, %add3A_197 : i32
          %or3A_223 = arith.constant false
          %or3A_224 = arith.ori %or3A_223, %ne3A_222 : i1
          %or3A_225 = arith.constant false
          %or3A_226 = arith.ori %or3A_224, %or3A_225 : i1
          %sub3A_227 = arith.constant 2 : i32
          %sub3A_228 = arith.subi %mul3A_173, %sub3A_227 : i32
          %add3A_229 = arith.constant 1 : i32
          %add3A_230 = arith.addi %sub3A_228, %add3A_229 : i32
          %ge3A_231 = arith.cmpi sge, %while3A_166, %add3A_230 : i32
          %not3A_232 = arith.constant true
          %not3A_233 = arith.xori %ge3A_231, %not3A_232 : i1
          %and3A_234 = arith.andi %or3A_226, %not3A_233 : i1
          %convert_element_type3A_235 = arith.extui %and3A_234 : i1 to i32
          %cond3A_236 = arith.constant 0 : i32
          %cond3A_237 = arith.cmpi ne, %convert_element_type3A_235, %cond3A_236 : i32
          scf.if %cond3A_237 {
            "tpu.trace_start"() <{level = 10 : i32, message = "ep_copy_in"}> : () -> ()
            %rem3A_339 = arith.constant 2 : i32
            %rem3A_340 = arith.remui %while3A_169, %rem3A_339 : i32
            %mul3A_341 = arith.constant 1 : i32
            %mul3A_342 = arith.muli %mul3A_341, %add3A_197 : i32
            %dma_start3A_343 = arith.constant 0 : i32
            %dma_start3A_344 = arith.constant 0 : i32
            %dma_start3A_345 = tpu.memref_slice %run_scoped3A_18[%rem3A_340, %dma_start3A_343, %dma_start3A_344] : memref<2x1x40xi32, #tpu.memory_space<vmem>> -> memref<1x1x40xi32, #tpu.memory_space<vmem>>
            %dma_start3A_346 = tpu.memref_squeeze %dma_start3A_345 : memref<1x1x40xi32, #tpu.memory_space<vmem>> -> memref<1x40xi32, #tpu.memory_space<vmem>>
            %dma_start3A_347 = arith.constant 0 : i32
            %dma_start3A_348 = tpu.memref_slice %arg3[%mul3A_342, %dma_start3A_347] : memref<2500x40xi32, #tpu.memory_space<hbm>> -> memref<1x40xi32, #tpu.memory_space<hbm>>
            %dma_start3A_349 = tpu.memref_slice %run_scoped3A_19[%rem3A_340] : memref<2x!tpu.dma_semaphore, #tpu.memory_space<semaphore_mem>> -> memref<1x!tpu.dma_semaphore, #tpu.memory_space<semaphore_mem>>
            %dma_start3A_350 = tpu.memref_squeeze %dma_start3A_349 : memref<1x!tpu.dma_semaphore, #tpu.memory_space<semaphore_mem>> -> memref<!tpu.dma_semaphore, #tpu.memory_space<semaphore_mem>>
            %dma_start3A_351 = arith.constant 0 : i32
            %dma_start3A_352 = arith.constant 0 : i32
            %dma_start3A_353 = tpu.memref_slice %run_scoped3A_18[%rem3A_340, %dma_start3A_351, %dma_start3A_352] : memref<2x1x40xi32, #tpu.memory_space<vmem>> -> memref<1x1x40xi32, #tpu.memory_space<vmem>>
            %dma_start3A_354 = tpu.memref_squeeze %dma_start3A_353 : memref<1x1x40xi32, #tpu.memory_space<vmem>> -> memref<1x40xi32, #tpu.memory_space<vmem>>
            %dma_start3A_355 = arith.constant 0 : i32
            %dma_start3A_356 = tpu.memref_slice %arg3[%mul3A_342, %dma_start3A_355] : memref<2500x40xi32, #tpu.memory_space<hbm>> -> memref<1x40xi32, #tpu.memory_space<hbm>>
            tpu.enqueue_dma source(%dma_start3A_356 : memref<1x40xi32, #tpu.memory_space<hbm>>) target(%dma_start3A_354 : memref<1x40xi32, #tpu.memory_space<vmem>>) target_semaphore(%dma_start3A_350 : memref<!tpu.dma_semaphore, #tpu.memory_space<semaphore_mem>>)
            "tpu.trace_stop"() : () -> ()
          } else {
          }
          %and3A_238 = arith.constant true
          %and3A_239 = arith.andi %and3A_234, %and3A_238 : i1
          %add3A_240 = arith.constant 1 : i32
          %add3A_241 = arith.addi %while3A_169, %add3A_240 : i32
          %select_n3A_242 = arith.select %and3A_239, %add3A_241, %while3A_169 : i32
          %ne3A_243 = arith.cmpi ne, %add3A_179, %add3A_189 : i32
          %or3A_244 = arith.constant false
          %or3A_245 = arith.ori %or3A_244, %ne3A_243 : i1
          %or3A_246 = arith.constant false
          %or3A_247 = arith.ori %or3A_245, %or3A_246 : i1
          %or3A_248 = arith.ori %or3A_247, %eq3A_175 : i1
          %convert_element_type3A_249 = arith.extui %or3A_248 : i1 to i32
          %cond3A_250 = arith.constant 0 : i32
          %cond3A_251 = arith.cmpi ne, %convert_element_type3A_249, %cond3A_250 : i32
          scf.if %cond3A_251 {
            "tpu.trace_start"() <{level = 10 : i32, message = "ep_wait_in"}> : () -> ()
            %mul3A_339 = arith.constant 40 : i32
            %mul3A_340 = arith.muli %mul3A_339, %add3A_179 : i32
            %rem3A_341 = arith.constant 2 : i32
            %rem3A_342 = arith.remui %while3A_168, %rem3A_341 : i32
            %dma_wait3A = arith.constant 0 : i32
            %dma_wait3A_343 = arith.constant 0 : i32
            %dma_wait3A_344 = tpu.memref_slice %run_scoped3A[%rem3A_342, %dma_wait3A, %dma_wait3A_343] : memref<2x40x1024xf32, #tpu.memory_space<vmem>> -> memref<1x40x1024xf32, #tpu.memory_space<vmem>>
            %dma_wait3A_345 = tpu.memref_squeeze %dma_wait3A_344 : memref<1x40x1024xf32, #tpu.memory_space<vmem>> -> memref<40x1024xf32, #tpu.memory_space<vmem>>
            %dma_wait3A_346 = arith.constant 0 : i32
            %dma_wait3A_347 = tpu.memref_slice %arg2[%mul3A_340, %dma_wait3A_346] : memref<100000x1024xf32, #tpu.memory_space<hbm>> -> memref<40x1024xf32, #tpu.memory_space<hbm>>
            %dma_wait3A_348 = tpu.memref_slice %run_scoped3A_17[%rem3A_342] : memref<2x!tpu.dma_semaphore, #tpu.memory_space<semaphore_mem>> -> memref<1x!tpu.dma_semaphore, #tpu.memory_space<semaphore_mem>>
            %dma_wait3A_349 = tpu.memref_squeeze %dma_wait3A_348 : memref<1x!tpu.dma_semaphore, #tpu.memory_space<semaphore_mem>> -> memref<!tpu.dma_semaphore, #tpu.memory_space<semaphore_mem>>
            %dma_wait3A_350 = arith.constant 0 : i32
            %dma_wait3A_351 = arith.constant 0 : i32
            %dma_wait3A_352 = tpu.memref_slice %run_scoped3A[%rem3A_342, %dma_wait3A_350, %dma_wait3A_351] : memref<2x40x1024xf32, #tpu.memory_space<vmem>> -> memref<1x40x1024xf32, #tpu.memory_space<vmem>>
            %dma_wait3A_353 = tpu.memref_squeeze %dma_wait3A_352 : memref<1x40x1024xf32, #tpu.memory_space<vmem>> -> memref<40x1024xf32, #tpu.memory_space<vmem>>
            %dma_wait3A_354 = arith.constant 0 : i32
            %dma_wait3A_355 = tpu.memref_slice %arg2[%mul3A_340, %dma_wait3A_354] : memref<100000x1024xf32, #tpu.memory_space<hbm>> -> memref<40x1024xf32, #tpu.memory_space<hbm>>
            tpu.wait_dma2 semaphore(%dma_wait3A_349 : memref<!tpu.dma_semaphore, #tpu.memory_space<semaphore_mem>>) src(%dma_wait3A_355 : memref<40x1024xf32, #tpu.memory_space<hbm>>) dst(%dma_wait3A_353 : memref<40x1024xf32, #tpu.memory_space<vmem>>)
            "tpu.trace_stop"() : () -> ()
          } else {
          }
          %ne3A_252 = arith.cmpi ne, %add3A_179, %add3A_189 : i32
          %or3A_253 = arith.constant false
          %or3A_254 = arith.ori %or3A_253, %ne3A_252 : i1
          %or3A_255 = arith.constant false
          %or3A_256 = arith.ori %or3A_254, %or3A_255 : i1
          %or3A_257 = arith.ori %or3A_256, %eq3A_175 : i1
          %convert_element_type3A_258 = arith.extui %or3A_257 : i1 to i32
          %cond3A_259 = arith.constant 0 : i32
          %cond3A_260 = arith.cmpi ne, %convert_element_type3A_258, %cond3A_259 : i32
          scf.if %cond3A_260 {
            "tpu.trace_start"() <{level = 10 : i32, message = "ep_wait_in"}> : () -> ()
            %mul3A_339 = arith.constant 1 : i32
            %mul3A_340 = arith.muli %mul3A_339, %add3A_179 : i32
            %rem3A_341 = arith.constant 2 : i32
            %rem3A_342 = arith.remui %while3A_170, %rem3A_341 : i32
            %dma_wait3A = arith.constant 0 : i32
            %dma_wait3A_343 = arith.constant 0 : i32
            %dma_wait3A_344 = tpu.memref_slice %run_scoped3A_18[%rem3A_342, %dma_wait3A, %dma_wait3A_343] : memref<2x1x40xi32, #tpu.memory_space<vmem>> -> memref<1x1x40xi32, #tpu.memory_space<vmem>>
            %dma_wait3A_345 = tpu.memref_squeeze %dma_wait3A_344 : memref<1x1x40xi32, #tpu.memory_space<vmem>> -> memref<1x40xi32, #tpu.memory_space<vmem>>
            %dma_wait3A_346 = arith.constant 0 : i32
            %dma_wait3A_347 = tpu.memref_slice %arg3[%mul3A_340, %dma_wait3A_346] : memref<2500x40xi32, #tpu.memory_space<hbm>> -> memref<1x40xi32, #tpu.memory_space<hbm>>
            %dma_wait3A_348 = tpu.memref_slice %run_scoped3A_19[%rem3A_342] : memref<2x!tpu.dma_semaphore, #tpu.memory_space<semaphore_mem>> -> memref<1x!tpu.dma_semaphore, #tpu.memory_space<semaphore_mem>>
            %dma_wait3A_349 = tpu.memref_squeeze %dma_wait3A_348 : memref<1x!tpu.dma_semaphore, #tpu.memory_space<semaphore_mem>> -> memref<!tpu.dma_semaphore, #tpu.memory_space<semaphore_mem>>
            %dma_wait3A_350 = arith.constant 0 : i32
            %dma_wait3A_351 = arith.constant 0 : i32
            %dma_wait3A_352 = tpu.memref_slice %run_scoped3A_18[%rem3A_342, %dma_wait3A_350, %dma_wait3A_351] : memref<2x1x40xi32, #tpu.memory_space<vmem>> -> memref<1x1x40xi32, #tpu.memory_space<vmem>>
            %dma_wait3A_353 = tpu.memref_squeeze %dma_wait3A_352 : memref<1x1x40xi32, #tpu.memory_space<vmem>> -> memref<1x40xi32, #tpu.memory_space<vmem>>
            %dma_wait3A_354 = arith.constant 0 : i32
            %dma_wait3A_355 = tpu.memref_slice %arg3[%mul3A_340, %dma_wait3A_354] : memref<2500x40xi32, #tpu.memory_space<hbm>> -> memref<1x40xi32, #tpu.memory_space<hbm>>
            tpu.wait_dma2 semaphore(%dma_wait3A_349 : memref<!tpu.dma_semaphore, #tpu.memory_space<semaphore_mem>>) src(%dma_wait3A_355 : memref<1x40xi32, #tpu.memory_space<hbm>>) dst(%dma_wait3A_353 : memref<1x40xi32, #tpu.memory_space<vmem>>)
            "tpu.trace_stop"() : () -> ()
          } else {
          }
          %rem3A_261 = arith.constant 2 : i32
          %rem3A_262 = arith.remui %while3A_168, %rem3A_261 : i32
          %rem3A_263 = arith.constant 2 : i32
          %rem3A_264 = arith.remui %while3A_170, %rem3A_263 : i32
          %run_scoped3A_265 = arith.constant 0 : i32
          "tpu.trace_start"() <{level = 10 : i32, message = "ep_run_kernel"}> : () -> ()
          "tpu.region"() ({
            %run_scoped3A_339 = tpu.sem_alloc : memref<!tpu.dma_semaphore, #tpu.memory_space<semaphore_mem>>
            %dma_start3A_340 = arith.constant 0 : i32
            %dma_start3A_341 = arith.constant 0 : i32
            %dma_start3A_342 = tpu.memref_slice %run_scoped3A[%rem3A_262, %dma_start3A_340, %dma_start3A_341] : memref<2x40x1024xf32, #tpu.memory_space<vmem>> -> memref<1x40x1024xf32, #tpu.memory_space<vmem>>
            %dma_start3A_343 = tpu.memref_squeeze %dma_start3A_342 : memref<1x40x1024xf32, #tpu.memory_space<vmem>> -> memref<40x1024xf32, #tpu.memory_space<vmem>>
            %dma_start3A_344 = arith.constant 0 : i32
            %dma_start3A_345 = arith.constant 0 : i32
            %dma_start3A_346 = tpu.memref_slice %run_scoped3A_18[%rem3A_264, %dma_start3A_344, %dma_start3A_345] : memref<2x1x40xi32, #tpu.memory_space<vmem>> -> memref<1x1x40xi32, #tpu.memory_space<vmem>>
            %dma_start3A_347 = tpu.memref_squeeze %dma_start3A_346 : memref<1x1x40xi32, #tpu.memory_space<vmem>> -> memref<1x40xi32, #tpu.memory_space<vmem>>
            %dma_start3A_348 = arith.constant 0 : i32
            %dma_start3A_349 = tpu.memref_slice %dma_start3A_347[%run_scoped3A_265, %dma_start3A_348] : memref<1x40xi32, #tpu.memory_space<vmem>> -> memref<1x40xi32, #tpu.memory_space<vmem>>
            %dma_start3A_350 = tpu.memref_squeeze %dma_start3A_349 : memref<1x40xi32, #tpu.memory_space<vmem>> -> memref<40xi32, #tpu.memory_space<vmem>>
            %dma_start3A_351 = arith.constant 0 : i32
            %dma_start3A_352 = arith.constant 0 : i32
            %dma_start3A_353 = tpu.memref_slice %arg4[%dma_start3A_351, %dma_start3A_352] : memref<104448x1024xf32, #tpu.memory_space<hbm>> -> memref<104448x1024xf32, #tpu.memory_space<hbm>>
            tpu.enqueue_indirect_dma source(%dma_start3A_343 : memref<40x1024xf32, #tpu.memory_space<vmem>>) target(%dma_start3A_353 : memref<104448x1024xf32, #tpu.memory_space<hbm>>) offsets(%dma_start3A_350 : memref<40xi32, #tpu.memory_space<vmem>>) semaphore(%run_scoped3A_339 : memref<!tpu.dma_semaphore, #tpu.memory_space<semaphore_mem>>)
            %dma_wait3A = arith.constant 0 : i32
            %dma_wait3A_354 = arith.constant 0 : i32
            %dma_wait3A_355 = tpu.memref_slice %run_scoped3A[%rem3A_262, %dma_wait3A, %dma_wait3A_354] : memref<2x40x1024xf32, #tpu.memory_space<vmem>> -> memref<1x40x1024xf32, #tpu.memory_space<vmem>>
            %dma_wait3A_356 = tpu.memref_squeeze %dma_wait3A_355 : memref<1x40x1024xf32, #tpu.memory_space<vmem>> -> memref<40x1024xf32, #tpu.memory_space<vmem>>
            %dma_wait3A_357 = arith.constant 0 : i32
            %dma_wait3A_358 = arith.constant 0 : i32
            %dma_wait3A_359 = tpu.memref_slice %run_scoped3A_18[%rem3A_264, %dma_wait3A_357, %dma_wait3A_358] : memref<2x1x40xi32, #tpu.memory_space<vmem>> -> memref<1x1x40xi32, #tpu.memory_space<vmem>>
            %dma_wait3A_360 = tpu.memref_squeeze %dma_wait3A_359 : memref<1x1x40xi32, #tpu.memory_space<vmem>> -> memref<1x40xi32, #tpu.memory_space<vmem>>
            %dma_wait3A_361 = arith.constant 0 : i32
            %dma_wait3A_362 = tpu.memref_slice %dma_wait3A_360[%run_scoped3A_265, %dma_wait3A_361] : memref<1x40xi32, #tpu.memory_space<vmem>> -> memref<1x40xi32, #tpu.memory_space<vmem>>
            %dma_wait3A_363 = tpu.memref_squeeze %dma_wait3A_362 : memref<1x40xi32, #tpu.memory_space<vmem>> -> memref<40xi32, #tpu.memory_space<vmem>>
            %dma_wait3A_364 = arith.constant 0 : i32
            %dma_wait3A_365 = arith.constant 0 : i32
            %dma_wait3A_366 = tpu.memref_slice %arg4[%dma_wait3A_364, %dma_wait3A_365] : memref<104448x1024xf32, #tpu.memory_space<hbm>> -> memref<104448x1024xf32, #tpu.memory_space<hbm>>
            tpu.wait_indirect_dma semaphore(%run_scoped3A_339 : memref<!tpu.dma_semaphore, #tpu.memory_space<semaphore_mem>>) src(%dma_wait3A_356 : memref<40x1024xf32, #tpu.memory_space<vmem>>) dst(%dma_wait3A_366 : memref<104448x1024xf32, #tpu.memory_space<hbm>>)
            tpu.yield
          }) : () -> ()
          "tpu.trace_stop"() : () -> ()
          %ne3A_266 = arith.cmpi ne, %add3A_179, %add3A_197 : i32
          %or3A_267 = arith.constant false
          %or3A_268 = arith.ori %or3A_267, %ne3A_266 : i1
          %or3A_269 = arith.constant false
          %or3A_270 = arith.ori %or3A_268, %or3A_269 : i1
          %or3A_271 = arith.ori %or3A_270, %eq3A_178 : i1
          %convert_element_type3A_272 = arith.extui %or3A_271 : i1 to i32
          %cond3A_273 = arith.constant 0 : i32
          %cond3A_274 = arith.cmpi ne, %convert_element_type3A_272, %cond3A_273 : i32
          scf.if %cond3A_274 {
          } else {
          }
          %and3A_275 = arith.constant false
          %and3A_276 = arith.andi %or3A_271, %and3A_275 : i1
          %ne3A_277 = arith.cmpi ne, %add3A_179, %add3A_197 : i32
          %or3A_278 = arith.constant false
          %or3A_279 = arith.ori %or3A_278, %ne3A_277 : i1
          %or3A_280 = arith.constant false
          %or3A_281 = arith.ori %or3A_279, %or3A_280 : i1
          %or3A_282 = arith.ori %or3A_281, %eq3A_178 : i1
          %convert_element_type3A_283 = arith.extui %or3A_282 : i1 to i32
          %cond3A_284 = arith.constant 0 : i32
          %cond3A_285 = arith.cmpi ne, %convert_element_type3A_283, %cond3A_284 : i32
          scf.if %cond3A_285 {
          } else {
          }
          %and3A_286 = arith.constant false
          %and3A_287 = arith.andi %or3A_282, %and3A_286 : i1
          %ne3A_288 = arith.cmpi ne, %add3A_179, %add3A_189 : i32
          %or3A_289 = arith.constant false
          %or3A_290 = arith.ori %or3A_289, %ne3A_288 : i1
          %or3A_291 = arith.constant false
          %or3A_292 = arith.ori %or3A_290, %or3A_291 : i1
          %not3A_293 = arith.constant true
          %not3A_294 = arith.xori %eq3A_175, %not3A_293 : i1
          %and3A_295 = arith.andi %or3A_292, %not3A_294 : i1
          %convert_element_type3A_296 = arith.extui %and3A_295 : i1 to i32
          %cond3A_297 = arith.constant 0 : i32
          %cond3A_298 = arith.cmpi ne, %convert_element_type3A_296, %cond3A_297 : i32
          scf.if %cond3A_298 {
          } else {
          }
          %and3A_299 = arith.constant false
          %and3A_300 = arith.andi %and3A_295, %and3A_299 : i1
          %ne3A_301 = arith.cmpi ne, %add3A_179, %add3A_189 : i32
          %or3A_302 = arith.constant false
          %or3A_303 = arith.ori %or3A_302, %ne3A_301 : i1
          %or3A_304 = arith.constant false
          %or3A_305 = arith.ori %or3A_303, %or3A_304 : i1
          %not3A_306 = arith.constant true
          %not3A_307 = arith.xori %eq3A_175, %not3A_306 : i1
          %and3A_308 = arith.andi %or3A_305, %not3A_307 : i1
          %convert_element_type3A_309 = arith.extui %and3A_308 : i1 to i32
          %cond3A_310 = arith.constant 0 : i32
          %cond3A_311 = arith.cmpi ne, %convert_element_type3A_309, %cond3A_310 : i32
          scf.if %cond3A_311 {
          } else {
          }
          %and3A_312 = arith.constant false
          %and3A_313 = arith.andi %and3A_308, %and3A_312 : i1
          %ne3A_314 = arith.cmpi ne, %add3A_179, %add3A_197 : i32
          %or3A_315 = arith.constant false
          %or3A_316 = arith.ori %or3A_315, %ne3A_314 : i1
          %or3A_317 = arith.constant false
          %or3A_318 = arith.ori %or3A_316, %or3A_317 : i1
          %or3A_319 = arith.ori %or3A_318, %eq3A_178 : i1
          %add3A_320 = arith.constant 1 : i32
          %add3A_321 = arith.addi %while3A_168, %add3A_320 : i32
          %select_n3A_322 = arith.select %or3A_319, %add3A_321, %while3A_168 : i32
          %ne3A_323 = arith.cmpi ne, %add3A_179, %add3A_197 : i32
          %or3A_324 = arith.constant false
          %or3A_325 = arith.ori %or3A_324, %ne3A_323 : i1
          %or3A_326 = arith.constant false
          %or3A_327 = arith.ori %or3A_325, %or3A_326 : i1
          %or3A_328 = arith.ori %or3A_327, %eq3A_178 : i1
          %add3A_329 = arith.constant 1 : i32
          %add3A_330 = arith.addi %while3A_170, %add3A_329 : i32
          %select_n3A_331 = arith.select %or3A_328, %add3A_330, %while3A_170 : i32
          %add3A_332 = arith.constant 1 : i32
          %add3A_333 = arith.addi %while3A_171, %add3A_332 : i32
          %select_n3A_334 = arith.constant true
          %select_n3A_335 = arith.select %select_n3A_334, %add3A_333, %while3A_171 : i32
          %eq3A_336 = arith.cmpi eq, %select_n3A_335, %select_n3A : i32
          %select_n3A_337 = arith.constant 0 : i32
          %select_n3A_338 = arith.select %eq3A_336, %select_n3A_337, %select_n3A_335 : i32
          scf.yield %select_n3A_221, %select_n3A_322, %select_n3A_242, %select_n3A_331, %select_n3A_338 : i32, i32, i32, i32, i32
        }
        %while3A_113 = arith.constant 1 : i32
        %while3A_114:5 = scf.for %while3A_166 = %while3A_110 to %while3A_106 step %while3A_113 iter_args(%while3A_167 = %while3A_112#0, %while3A_168 = %while3A_112#1, %while3A_169 = %while3A_112#2, %while3A_170 = %while3A_112#3, %while3A_171 = %while3A_112#4) -> (i32, i32, i32, i32, i32)  : i32 {
          %mul3A_172 = arith.constant 1 : i32
          %mul3A_173 = arith.muli %mul3A_172, %select_n3A : i32
          %eq3A_174 = arith.constant 0 : i32
          %eq3A_175 = arith.cmpi eq, %while3A_166, %eq3A_174 : i32
          %sub3A_176 = arith.constant 1 : i32
          %sub3A_177 = arith.subi %mul3A_173, %sub3A_176 : i32
          %eq3A_178 = arith.cmpi eq, %while3A_166, %sub3A_177 : i32
          %add3A_179 = arith.addi %while3A_171, %select_n3A_14 : i32
          %sub3A_180 = arith.constant 1 : i32
          %sub3A_181 = arith.subi %while3A_171, %sub3A_180 : i32
          %select_n3A_182 = arith.constant true
          %select_n3A_183 = arith.select %select_n3A_182, %sub3A_181, %while3A_171 : i32
          %eq3A_184 = arith.constant -1 : i32
          %eq3A_185 = arith.cmpi eq, %select_n3A_183, %eq3A_184 : i32
          %sub3A_186 = arith.constant 1 : i32
          %sub3A_187 = arith.subi %select_n3A, %sub3A_186 : i32
          %select_n3A_188 = arith.select %eq3A_185, %sub3A_187, %select_n3A_183 : i32
          %add3A_189 = arith.addi %select_n3A_188, %select_n3A_14 : i32
          %add3A_190 = arith.constant 1 : i32
          %add3A_191 = arith.addi %while3A_171, %add3A_190 : i32
          %select_n3A_192 = arith.constant true
          %select_n3A_193 = arith.select %select_n3A_192, %add3A_191, %while3A_171 : i32
          %eq3A_194 = arith.cmpi eq, %select_n3A_193, %select_n3A : i32
          %select_n3A_195 = arith.constant 0 : i32
          %select_n3A_196 = arith.select %eq3A_194, %select_n3A_195, %select_n3A_193 : i32
          %add3A_197 = arith.addi %select_n3A_196, %select_n3A_14 : i32
          %add3A_198 = arith.constant 1 : i32
          %add3A_199 = arith.addi %select_n3A_196, %add3A_198 : i32
          %select_n3A_200 = arith.constant true
          %select_n3A_201 = arith.select %select_n3A_200, %add3A_199, %select_n3A_196 : i32
          %eq3A_202 = arith.cmpi eq, %select_n3A_201, %select_n3A : i32
          %select_n3A_203 = arith.constant 0 : i32
          %select_n3A_204 = arith.select %eq3A_202, %select_n3A_203, %select_n3A_201 : i32
          %add3A_205 = arith.addi %select_n3A_204, %select_n3A_14 : i32
          %ne3A = arith.cmpi ne, %add3A_179, %add3A_197 : i32
          %or3A = arith.constant false
          %or3A_206 = arith.ori %or3A, %ne3A : i1
          %or3A_207 = arith.constant false
          %or3A_208 = arith.ori %or3A_206, %or3A_207 : i1
          %sub3A_209 = arith.constant 2 : i32
          %sub3A_210 = arith.subi %mul3A_173, %sub3A_209 : i32
          %add3A_211 = arith.constant 1 : i32
          %add3A_212 = arith.addi %sub3A_210, %add3A_211 : i32
          %ge3A = arith.cmpi sge, %while3A_166, %add3A_212 : i32
          %not3A = arith.constant true
          %not3A_213 = arith.xori %ge3A, %not3A : i1
          %and3A = arith.andi %or3A_208, %not3A_213 : i1
          %convert_element_type3A_214 = arith.extui %and3A : i1 to i32
          %cond3A_215 = arith.constant 0 : i32
          %cond3A_216 = arith.cmpi ne, %convert_element_type3A_214, %cond3A_215 : i32
          scf.if %cond3A_216 {
            "tpu.trace_start"() <{level = 10 : i32, message = "ep_copy_in"}> : () -> ()
            %rem3A_339 = arith.constant 2 : i32
            %rem3A_340 = arith.remui %while3A_167, %rem3A_339 : i32
            %mul3A_341 = arith.constant 40 : i32
            %mul3A_342 = arith.muli %mul3A_341, %add3A_197 : i32
            %dma_start3A_343 = arith.constant 0 : i32
            %dma_start3A_344 = arith.constant 0 : i32
            %dma_start3A_345 = tpu.memref_slice %run_scoped3A[%rem3A_340, %dma_start3A_343, %dma_start3A_344] : memref<2x40x1024xf32, #tpu.memory_space<vmem>> -> memref<1x40x1024xf32, #tpu.memory_space<vmem>>
            %dma_start3A_346 = tpu.memref_squeeze %dma_start3A_345 : memref<1x40x1024xf32, #tpu.memory_space<vmem>> -> memref<40x1024xf32, #tpu.memory_space<vmem>>
            %dma_start3A_347 = arith.constant 0 : i32
            %dma_start3A_348 = tpu.memref_slice %arg2[%mul3A_342, %dma_start3A_347] : memref<100000x1024xf32, #tpu.memory_space<hbm>> -> memref<40x1024xf32, #tpu.memory_space<hbm>>
            %dma_start3A_349 = tpu.memref_slice %run_scoped3A_17[%rem3A_340] : memref<2x!tpu.dma_semaphore, #tpu.memory_space<semaphore_mem>> -> memref<1x!tpu.dma_semaphore, #tpu.memory_space<semaphore_mem>>
            %dma_start3A_350 = tpu.memref_squeeze %dma_start3A_349 : memref<1x!tpu.dma_semaphore, #tpu.memory_space<semaphore_mem>> -> memref<!tpu.dma_semaphore, #tpu.memory_space<semaphore_mem>>
            %dma_start3A_351 = arith.constant 0 : i32
            %dma_start3A_352 = arith.constant 0 : i32
            %dma_start3A_353 = tpu.memref_slice %run_scoped3A[%rem3A_340, %dma_start3A_351, %dma_start3A_352] : memref<2x40x1024xf32, #tpu.memory_space<vmem>> -> memref<1x40x1024xf32, #tpu.memory_space<vmem>>
            %dma_start3A_354 = tpu.memref_squeeze %dma_start3A_353 : memref<1x40x1024xf32, #tpu.memory_space<vmem>> -> memref<40x1024xf32, #tpu.memory_space<vmem>>
            %dma_start3A_355 = arith.constant 0 : i32
            %dma_start3A_356 = tpu.memref_slice %arg2[%mul3A_342, %dma_start3A_355] : memref<100000x1024xf32, #tpu.memory_space<hbm>> -> memref<40x1024xf32, #tpu.memory_space<hbm>>
            tpu.enqueue_dma source(%dma_start3A_356 : memref<40x1024xf32, #tpu.memory_space<hbm>>) target(%dma_start3A_354 : memref<40x1024xf32, #tpu.memory_space<vmem>>) target_semaphore(%dma_start3A_350 : memref<!tpu.dma_semaphore, #tpu.memory_space<semaphore_mem>>)
            "tpu.trace_stop"() : () -> ()
          } else {
          }
          %and3A_217 = arith.constant true
          %and3A_218 = arith.andi %and3A, %and3A_217 : i1
          %add3A_219 = arith.constant 1 : i32
          %add3A_220 = arith.addi %while3A_167, %add3A_219 : i32
          %select_n3A_221 = arith.select %and3A_218, %add3A_220, %while3A_167 : i32
          %ne3A_222 = arith.cmpi ne, %add3A_179, %add3A_197 : i32
          %or3A_223 = arith.constant false
          %or3A_224 = arith.ori %or3A_223, %ne3A_222 : i1
          %or3A_225 = arith.constant false
          %or3A_226 = arith.ori %or3A_224, %or3A_225 : i1
          %sub3A_227 = arith.constant 2 : i32
          %sub3A_228 = arith.subi %mul3A_173, %sub3A_227 : i32
          %add3A_229 = arith.constant 1 : i32
          %add3A_230 = arith.addi %sub3A_228, %add3A_229 : i32
          %ge3A_231 = arith.cmpi sge, %while3A_166, %add3A_230 : i32
          %not3A_232 = arith.constant true
          %not3A_233 = arith.xori %ge3A_231, %not3A_232 : i1
          %and3A_234 = arith.andi %or3A_226, %not3A_233 : i1
          %convert_element_type3A_235 = arith.extui %and3A_234 : i1 to i32
          %cond3A_236 = arith.constant 0 : i32
          %cond3A_237 = arith.cmpi ne, %convert_element_type3A_235, %cond3A_236 : i32
          scf.if %cond3A_237 {
            "tpu.trace_start"() <{level = 10 : i32, message = "ep_copy_in"}> : () -> ()
            %rem3A_339 = arith.constant 2 : i32
            %rem3A_340 = arith.remui %while3A_169, %rem3A_339 : i32
            %mul3A_341 = arith.constant 1 : i32
            %mul3A_342 = arith.muli %mul3A_341, %add3A_197 : i32
            %dma_start3A_343 = arith.constant 0 : i32
            %dma_start3A_344 = arith.constant 0 : i32
            %dma_start3A_345 = tpu.memref_slice %run_scoped3A_18[%rem3A_340, %dma_start3A_343, %dma_start3A_344] : memref<2x1x40xi32, #tpu.memory_space<vmem>> -> memref<1x1x40xi32, #tpu.memory_space<vmem>>
            %dma_start3A_346 = tpu.memref_squeeze %dma_start3A_345 : memref<1x1x40xi32, #tpu.memory_space<vmem>> -> memref<1x40xi32, #tpu.memory_space<vmem>>
            %dma_start3A_347 = arith.constant 0 : i32
            %dma_start3A_348 = tpu.memref_slice %arg3[%mul3A_342, %dma_start3A_347] : memref<2500x40xi32, #tpu.memory_space<hbm>> -> memref<1x40xi32, #tpu.memory_space<hbm>>
            %dma_start3A_349 = tpu.memref_slice %run_scoped3A_19[%rem3A_340] : memref<2x!tpu.dma_semaphore, #tpu.memory_space<semaphore_mem>> -> memref<1x!tpu.dma_semaphore, #tpu.memory_space<semaphore_mem>>
            %dma_start3A_350 = tpu.memref_squeeze %dma_start3A_349 : memref<1x!tpu.dma_semaphore, #tpu.memory_space<semaphore_mem>> -> memref<!tpu.dma_semaphore, #tpu.memory_space<semaphore_mem>>
            %dma_start3A_351 = arith.constant 0 : i32
            %dma_start3A_352 = arith.constant 0 : i32
            %dma_start3A_353 = tpu.memref_slice %run_scoped3A_18[%rem3A_340, %dma_start3A_351, %dma_start3A_352] : memref<2x1x40xi32, #tpu.memory_space<vmem>> -> memref<1x1x40xi32, #tpu.memory_space<vmem>>
            %dma_start3A_354 = tpu.memref_squeeze %dma_start3A_353 : memref<1x1x40xi32, #tpu.memory_space<vmem>> -> memref<1x40xi32, #tpu.memory_space<vmem>>
            %dma_start3A_355 = arith.constant 0 : i32
            %dma_start3A_356 = tpu.memref_slice %arg3[%mul3A_342, %dma_start3A_355] : memref<2500x40xi32, #tpu.memory_space<hbm>> -> memref<1x40xi32, #tpu.memory_space<hbm>>
            tpu.enqueue_dma source(%dma_start3A_356 : memref<1x40xi32, #tpu.memory_space<hbm>>) target(%dma_start3A_354 : memref<1x40xi32, #tpu.memory_space<vmem>>) target_semaphore(%dma_start3A_350 : memref<!tpu.dma_semaphore, #tpu.memory_space<semaphore_mem>>)
            "tpu.trace_stop"() : () -> ()
          } else {
          }
          %and3A_238 = arith.constant true
          %and3A_239 = arith.andi %and3A_234, %and3A_238 : i1
          %add3A_240 = arith.constant 1 : i32
          %add3A_241 = arith.addi %while3A_169, %add3A_240 : i32
          %select_n3A_242 = arith.select %and3A_239, %add3A_241, %while3A_169 : i32
          %ne3A_243 = arith.cmpi ne, %add3A_179, %add3A_189 : i32
          %or3A_244 = arith.constant false
          %or3A_245 = arith.ori %or3A_244, %ne3A_243 : i1
          %or3A_246 = arith.constant false
          %or3A_247 = arith.ori %or3A_245, %or3A_246 : i1
          %or3A_248 = arith.ori %or3A_247, %eq3A_175 : i1
          %convert_element_type3A_249 = arith.extui %or3A_248 : i1 to i32
          %cond3A_250 = arith.constant 0 : i32
          %cond3A_251 = arith.cmpi ne, %convert_element_type3A_249, %cond3A_250 : i32
          scf.if %cond3A_251 {
            "tpu.trace_start"() <{level = 10 : i32, message = "ep_wait_in"}> : () -> ()
            %mul3A_339 = arith.constant 40 : i32
            %mul3A_340 = arith.muli %mul3A_339, %add3A_179 : i32
            %rem3A_341 = arith.constant 2 : i32
            %rem3A_342 = arith.remui %while3A_168, %rem3A_341 : i32
            %dma_wait3A = arith.constant 0 : i32
            %dma_wait3A_343 = arith.constant 0 : i32
            %dma_wait3A_344 = tpu.memref_slice %run_scoped3A[%rem3A_342, %dma_wait3A, %dma_wait3A_343] : memref<2x40x1024xf32, #tpu.memory_space<vmem>> -> memref<1x40x1024xf32, #tpu.memory_space<vmem>>
            %dma_wait3A_345 = tpu.memref_squeeze %dma_wait3A_344 : memref<1x40x1024xf32, #tpu.memory_space<vmem>> -> memref<40x1024xf32, #tpu.memory_space<vmem>>
            %dma_wait3A_346 = arith.constant 0 : i32
            %dma_wait3A_347 = tpu.memref_slice %arg2[%mul3A_340, %dma_wait3A_346] : memref<100000x1024xf32, #tpu.memory_space<hbm>> -> memref<40x1024xf32, #tpu.memory_space<hbm>>
            %dma_wait3A_348 = tpu.memref_slice %run_scoped3A_17[%rem3A_342] : memref<2x!tpu.dma_semaphore, #tpu.memory_space<semaphore_mem>> -> memref<1x!tpu.dma_semaphore, #tpu.memory_space<semaphore_mem>>
            %dma_wait3A_349 = tpu.memref_squeeze %dma_wait3A_348 : memref<1x!tpu.dma_semaphore, #tpu.memory_space<semaphore_mem>> -> memref<!tpu.dma_semaphore, #tpu.memory_space<semaphore_mem>>
            %dma_wait3A_350 = arith.constant 0 : i32
            %dma_wait3A_351 = arith.constant 0 : i32
            %dma_wait3A_352 = tpu.memref_slice %run_scoped3A[%rem3A_342, %dma_wait3A_350, %dma_wait3A_351] : memref<2x40x1024xf32, #tpu.memory_space<vmem>> -> memref<1x40x1024xf32, #tpu.memory_space<vmem>>
            %dma_wait3A_353 = tpu.memref_squeeze %dma_wait3A_352 : memref<1x40x1024xf32, #tpu.memory_space<vmem>> -> memref<40x1024xf32, #tpu.memory_space<vmem>>
            %dma_wait3A_354 = arith.constant 0 : i32
            %dma_wait3A_355 = tpu.memref_slice %arg2[%mul3A_340, %dma_wait3A_354] : memref<100000x1024xf32, #tpu.memory_space<hbm>> -> memref<40x1024xf32, #tpu.memory_space<hbm>>
            tpu.wait_dma2 semaphore(%dma_wait3A_349 : memref<!tpu.dma_semaphore, #tpu.memory_space<semaphore_mem>>) src(%dma_wait3A_355 : memref<40x1024xf32, #tpu.memory_space<hbm>>) dst(%dma_wait3A_353 : memref<40x1024xf32, #tpu.memory_space<vmem>>)
            "tpu.trace_stop"() : () -> ()
          } else {
          }
          %ne3A_252 = arith.cmpi ne, %add3A_179, %add3A_189 : i32
          %or3A_253 = arith.constant false
          %or3A_254 = arith.ori %or3A_253, %ne3A_252 : i1
          %or3A_255 = arith.constant false
          %or3A_256 = arith.ori %or3A_254, %or3A_255 : i1
          %or3A_257 = arith.ori %or3A_256, %eq3A_175 : i1
          %convert_element_type3A_258 = arith.extui %or3A_257 : i1 to i32
          %cond3A_259 = arith.constant 0 : i32
          %cond3A_260 = arith.cmpi ne, %convert_element_type3A_258, %cond3A_259 : i32
          scf.if %cond3A_260 {
            "tpu.trace_start"() <{level = 10 : i32, message = "ep_wait_in"}> : () -> ()
            %mul3A_339 = arith.constant 1 : i32
            %mul3A_340 = arith.muli %mul3A_339, %add3A_179 : i32
            %rem3A_341 = arith.constant 2 : i32
            %rem3A_342 = arith.remui %while3A_170, %rem3A_341 : i32
            %dma_wait3A = arith.constant 0 : i32
            %dma_wait3A_343 = arith.constant 0 : i32
            %dma_wait3A_344 = tpu.memref_slice %run_scoped3A_18[%rem3A_342, %dma_wait3A, %dma_wait3A_343] : memref<2x1x40xi32, #tpu.memory_space<vmem>> -> memref<1x1x40xi32, #tpu.memory_space<vmem>>
            %dma_wait3A_345 = tpu.memref_squeeze %dma_wait3A_344 : memref<1x1x40xi32, #tpu.memory_space<vmem>> -> memref<1x40xi32, #tpu.memory_space<vmem>>
            %dma_wait3A_346 = arith.constant 0 : i32
            %dma_wait3A_347 = tpu.memref_slice %arg3[%mul3A_340, %dma_wait3A_346] : memref<2500x40xi32, #tpu.memory_space<hbm>> -> memref<1x40xi32, #tpu.memory_space<hbm>>
            %dma_wait3A_348 = tpu.memref_slice %run_scoped3A_19[%rem3A_342] : memref<2x!tpu.dma_semaphore, #tpu.memory_space<semaphore_mem>> -> memref<1x!tpu.dma_semaphore, #tpu.memory_space<semaphore_mem>>
            %dma_wait3A_349 = tpu.memref_squeeze %dma_wait3A_348 : memref<1x!tpu.dma_semaphore, #tpu.memory_space<semaphore_mem>> -> memref<!tpu.dma_semaphore, #tpu.memory_space<semaphore_mem>>
            %dma_wait3A_350 = arith.constant 0 : i32
            %dma_wait3A_351 = arith.constant 0 : i32
            %dma_wait3A_352 = tpu.memref_slice %run_scoped3A_18[%rem3A_342, %dma_wait3A_350, %dma_wait3A_351] : memref<2x1x40xi32, #tpu.memory_space<vmem>> -> memref<1x1x40xi32, #tpu.memory_space<vmem>>
            %dma_wait3A_353 = tpu.memref_squeeze %dma_wait3A_352 : memref<1x1x40xi32, #tpu.memory_space<vmem>> -> memref<1x40xi32, #tpu.memory_space<vmem>>
            %dma_wait3A_354 = arith.constant 0 : i32
            %dma_wait3A_355 = tpu.memref_slice %arg3[%mul3A_340, %dma_wait3A_354] : memref<2500x40xi32, #tpu.memory_space<hbm>> -> memref<1x40xi32, #tpu.memory_space<hbm>>
            tpu.wait_dma2 semaphore(%dma_wait3A_349 : memref<!tpu.dma_semaphore, #tpu.memory_space<semaphore_mem>>) src(%dma_wait3A_355 : memref<1x40xi32, #tpu.memory_space<hbm>>) dst(%dma_wait3A_353 : memref<1x40xi32, #tpu.memory_space<vmem>>)
            "tpu.trace_stop"() : () -> ()
          } else {
          }
          %rem3A_261 = arith.constant 2 : i32
          %rem3A_262 = arith.remui %while3A_168, %rem3A_261 : i32
          %rem3A_263 = arith.constant 2 : i32
          %rem3A_264 = arith.remui %while3A_170, %rem3A_263 : i32
          %run_scoped3A_265 = arith.constant 0 : i32
          "tpu.trace_start"() <{level = 10 : i32, message = "ep_run_kernel"}> : () -> ()
          "tpu.region"() ({
            %run_scoped3A_339 = tpu.sem_alloc : memref<!tpu.dma_semaphore, #tpu.memory_space<semaphore_mem>>
            %dma_start3A_340 = arith.constant 0 : i32
            %dma_start3A_341 = arith.constant 0 : i32
            %dma_start3A_342 = tpu.memref_slice %run_scoped3A[%rem3A_262, %dma_start3A_340, %dma_start3A_341] : memref<2x40x1024xf32, #tpu.memory_space<vmem>> -> memref<1x40x1024xf32, #tpu.memory_space<vmem>>
            %dma_start3A_343 = tpu.memref_squeeze %dma_start3A_342 : memref<1x40x1024xf32, #tpu.memory_space<vmem>> -> memref<40x1024xf32, #tpu.memory_space<vmem>>
            %dma_start3A_344 = arith.constant 0 : i32
            %dma_start3A_345 = arith.constant 0 : i32
            %dma_start3A_346 = tpu.memref_slice %run_scoped3A_18[%rem3A_264, %dma_start3A_344, %dma_start3A_345] : memref<2x1x40xi32, #tpu.memory_space<vmem>> -> memref<1x1x40xi32, #tpu.memory_space<vmem>>
            %dma_start3A_347 = tpu.memref_squeeze %dma_start3A_346 : memref<1x1x40xi32, #tpu.memory_space<vmem>> -> memref<1x40xi32, #tpu.memory_space<vmem>>
            %dma_start3A_348 = arith.constant 0 : i32
            %dma_start3A_349 = tpu.memref_slice %dma_start3A_347[%run_scoped3A_265, %dma_start3A_348] : memref<1x40xi32, #tpu.memory_space<vmem>> -> memref<1x40xi32, #tpu.memory_space<vmem>>
            %dma_start3A_350 = tpu.memref_squeeze %dma_start3A_349 : memref<1x40xi32, #tpu.memory_space<vmem>> -> memref<40xi32, #tpu.memory_space<vmem>>
            %dma_start3A_351 = arith.constant 0 : i32
            %dma_start3A_352 = arith.constant 0 : i32
            %dma_start3A_353 = tpu.memref_slice %arg4[%dma_start3A_351, %dma_start3A_352] : memref<104448x1024xf32, #tpu.memory_space<hbm>> -> memref<104448x1024xf32, #tpu.memory_space<hbm>>
            tpu.enqueue_indirect_dma source(%dma_start3A_343 : memref<40x1024xf32, #tpu.memory_space<vmem>>) target(%dma_start3A_353 : memref<104448x1024xf32, #tpu.memory_space<hbm>>) offsets(%dma_start3A_350 : memref<40xi32, #tpu.memory_space<vmem>>) semaphore(%run_scoped3A_339 : memref<!tpu.dma_semaphore, #tpu.memory_space<semaphore_mem>>)
            %dma_wait3A = arith.constant 0 : i32
            %dma_wait3A_354 = arith.constant 0 : i32
            %dma_wait3A_355 = tpu.memref_slice %run_scoped3A[%rem3A_262, %dma_wait3A, %dma_wait3A_354] : memref<2x40x1024xf32, #tpu.memory_space<vmem>> -> memref<1x40x1024xf32, #tpu.memory_space<vmem>>
            %dma_wait3A_356 = tpu.memref_squeeze %dma_wait3A_355 : memref<1x40x1024xf32, #tpu.memory_space<vmem>> -> memref<40x1024xf32, #tpu.memory_space<vmem>>
            %dma_wait3A_357 = arith.constant 0 : i32
            %dma_wait3A_358 = arith.constant 0 : i32
            %dma_wait3A_359 = tpu.memref_slice %run_scoped3A_18[%rem3A_264, %dma_wait3A_357, %dma_wait3A_358] : memref<2x1x40xi32, #tpu.memory_space<vmem>> -> memref<1x1x40xi32, #tpu.memory_space<vmem>>
            %dma_wait3A_360 = tpu.memref_squeeze %dma_wait3A_359 : memref<1x1x40xi32, #tpu.memory_space<vmem>> -> memref<1x40xi32, #tpu.memory_space<vmem>>
            %dma_wait3A_361 = arith.constant 0 : i32
            %dma_wait3A_362 = tpu.memref_slice %dma_wait3A_360[%run_scoped3A_265, %dma_wait3A_361] : memref<1x40xi32, #tpu.memory_space<vmem>> -> memref<1x40xi32, #tpu.memory_space<vmem>>
            %dma_wait3A_363 = tpu.memref_squeeze %dma_wait3A_362 : memref<1x40xi32, #tpu.memory_space<vmem>> -> memref<40xi32, #tpu.memory_space<vmem>>
            %dma_wait3A_364 = arith.constant 0 : i32
            %dma_wait3A_365 = arith.constant 0 : i32
            %dma_wait3A_366 = tpu.memref_slice %arg4[%dma_wait3A_364, %dma_wait3A_365] : memref<104448x1024xf32, #tpu.memory_space<hbm>> -> memref<104448x1024xf32, #tpu.memory_space<hbm>>
            tpu.wait_indirect_dma semaphore(%run_scoped3A_339 : memref<!tpu.dma_semaphore, #tpu.memory_space<semaphore_mem>>) src(%dma_wait3A_356 : memref<40x1024xf32, #tpu.memory_space<vmem>>) dst(%dma_wait3A_366 : memref<104448x1024xf32, #tpu.memory_space<hbm>>)
            tpu.yield
          }) : () -> ()
          "tpu.trace_stop"() : () -> ()
          %ne3A_266 = arith.cmpi ne, %add3A_179, %add3A_197 : i32
          %or3A_267 = arith.constant false
          %or3A_268 = arith.ori %or3A_267, %ne3A_266 : i1
          %or3A_269 = arith.constant false
          %or3A_270 = arith.ori %or3A_268, %or3A_269 : i1
          %or3A_271 = arith.ori %or3A_270, %eq3A_178 : i1
          %convert_element_type3A_272 = arith.extui %or3A_271 : i1 to i32
          %cond3A_273 = arith.constant 0 : i32
          %cond3A_274 = arith.cmpi ne, %convert_element_type3A_272, %cond3A_273 : i32
          scf.if %cond3A_274 {
          } else {
          }
          %and3A_275 = arith.constant false
          %and3A_276 = arith.andi %or3A_271, %and3A_275 : i1
          %ne3A_277 = arith.cmpi ne, %add3A_179, %add3A_197 : i32
          %or3A_278 = arith.constant false
          %or3A_279 = arith.ori %or3A_278, %ne3A_277 : i1
          %or3A_280 = arith.constant false
          %or3A_281 = arith.ori %or3A_279, %or3A_280 : i1
          %or3A_282 = arith.ori %or3A_281, %eq3A_178 : i1
          %convert_element_type3A_283 = arith.extui %or3A_282 : i1 to i32
          %cond3A_284 = arith.constant 0 : i32
          %cond3A_285 = arith.cmpi ne, %convert_element_type3A_283, %cond3A_284 : i32
          scf.if %cond3A_285 {
          } else {
          }
          %and3A_286 = arith.constant false
          %and3A_287 = arith.andi %or3A_282, %and3A_286 : i1
          %ne3A_288 = arith.cmpi ne, %add3A_179, %add3A_189 : i32
          %or3A_289 = arith.constant false
          %or3A_290 = arith.ori %or3A_289, %ne3A_288 : i1
          %or3A_291 = arith.constant false
          %or3A_292 = arith.ori %or3A_290, %or3A_291 : i1
          %not3A_293 = arith.constant true
          %not3A_294 = arith.xori %eq3A_175, %not3A_293 : i1
          %and3A_295 = arith.andi %or3A_292, %not3A_294 : i1
          %convert_element_type3A_296 = arith.extui %and3A_295 : i1 to i32
          %cond3A_297 = arith.constant 0 : i32
          %cond3A_298 = arith.cmpi ne, %convert_element_type3A_296, %cond3A_297 : i32
          scf.if %cond3A_298 {
          } else {
          }
          %and3A_299 = arith.constant false
          %and3A_300 = arith.andi %and3A_295, %and3A_299 : i1
          %ne3A_301 = arith.cmpi ne, %add3A_179, %add3A_189 : i32
          %or3A_302 = arith.constant false
          %or3A_303 = arith.ori %or3A_302, %ne3A_301 : i1
          %or3A_304 = arith.constant false
          %or3A_305 = arith.ori %or3A_303, %or3A_304 : i1
          %not3A_306 = arith.constant true
          %not3A_307 = arith.xori %eq3A_175, %not3A_306 : i1
          %and3A_308 = arith.andi %or3A_305, %not3A_307 : i1
          %convert_element_type3A_309 = arith.extui %and3A_308 : i1 to i32
          %cond3A_310 = arith.constant 0 : i32
          %cond3A_311 = arith.cmpi ne, %convert_element_type3A_309, %cond3A_310 : i32
          scf.if %cond3A_311 {
          } else {
          }
          %and3A_312 = arith.constant false
          %and3A_313 = arith.andi %and3A_308, %and3A_312 : i1
          %ne3A_314 = arith.cmpi ne, %add3A_179, %add3A_197 : i32
          %or3A_315 = arith.constant false
          %or3A_316 = arith.ori %or3A_315, %ne3A_314 : i1
          %or3A_317 = arith.constant false
          %or3A_318 = arith.ori %or3A_316, %or3A_317 : i1
          %or3A_319 = arith.ori %or3A_318, %eq3A_178 : i1
          %add3A_320 = arith.constant 1 : i32
          %add3A_321 = arith.addi %while3A_168, %add3A_320 : i32
          %select_n3A_322 = arith.select %or3A_319, %add3A_321, %while3A_168 : i32
          %ne3A_323 = arith.cmpi ne, %add3A_179, %add3A_197 : i32
          %or3A_324 = arith.constant false
          %or3A_325 = arith.ori %or3A_324, %ne3A_323 : i1
          %or3A_326 = arith.constant false
          %or3A_327 = arith.ori %or3A_325, %or3A_326 : i1
          %or3A_328 = arith.ori %or3A_327, %eq3A_178 : i1
          %add3A_329 = arith.constant 1 : i32
          %add3A_330 = arith.addi %while3A_170, %add3A_329 : i32
          %select_n3A_331 = arith.select %or3A_328, %add3A_330, %while3A_170 : i32
          %add3A_332 = arith.constant 1 : i32
          %add3A_333 = arith.addi %while3A_171, %add3A_332 : i32
          %select_n3A_334 = arith.constant true
          %select_n3A_335 = arith.select %select_n3A_334, %add3A_333, %while3A_171 : i32
          %eq3A_336 = arith.cmpi eq, %select_n3A_335, %select_n3A : i32
          %select_n3A_337 = arith.constant 0 : i32
          %select_n3A_338 = arith.select %eq3A_336, %select_n3A_337, %select_n3A_335 : i32
          scf.yield %select_n3A_221, %select_n3A_322, %select_n3A_242, %select_n3A_331, %select_n3A_338 : i32, i32, i32, i32, i32
        }
        %sub3A_115 = arith.constant 1 : i32
        %sub3A_116 = arith.subi %while3A_114#4, %sub3A_115 : i32
        %select_n3A_117 = arith.constant true
        %select_n3A_118 = arith.select %select_n3A_117, %sub3A_116, %while3A_114#4 : i32
        %eq3A_119 = arith.constant -1 : i32
        %eq3A_120 = arith.cmpi eq, %select_n3A_118, %eq3A_119 : i32
        %sub3A_121 = arith.constant 1 : i32
        %sub3A_122 = arith.subi %select_n3A, %sub3A_121 : i32
        %select_n3A_123 = arith.select %eq3A_120, %sub3A_122, %select_n3A_118 : i32
        %sub3A_124 = arith.constant 1 : i32
        %sub3A_125 = arith.subi %mul3A_16, %sub3A_124 : i32
        %mul3A_126 = arith.constant 1 : i32
        %mul3A_127 = arith.muli %mul3A_126, %select_n3A : i32
        %eq3A_128 = arith.constant 0 : i32
        %eq3A_129 = arith.cmpi eq, %sub3A_125, %eq3A_128 : i32
        %sub3A_130 = arith.constant 1 : i32
        %sub3A_131 = arith.subi %mul3A_127, %sub3A_130 : i32
        %eq3A_132 = arith.cmpi eq, %sub3A_125, %sub3A_131 : i32
        %add3A_133 = arith.addi %select_n3A_123, %select_n3A_14 : i32
        %sub3A_134 = arith.constant 1 : i32
        %sub3A_135 = arith.subi %select_n3A_123, %sub3A_134 : i32
        %select_n3A_136 = arith.constant true
        %select_n3A_137 = arith.select %select_n3A_136, %sub3A_135, %select_n3A_123 : i32
        %eq3A_138 = arith.constant -1 : i32
        %eq3A_139 = arith.cmpi eq, %select_n3A_137, %eq3A_138 : i32
        %sub3A_140 = arith.constant 1 : i32
        %sub3A_141 = arith.subi %select_n3A, %sub3A_140 : i32
        %select_n3A_142 = arith.select %eq3A_139, %sub3A_141, %select_n3A_137 : i32
        %add3A_143 = arith.addi %select_n3A_142, %select_n3A_14 : i32
        %add3A_144 = arith.constant 1 : i32
        %add3A_145 = arith.addi %select_n3A_123, %add3A_144 : i32
        %select_n3A_146 = arith.constant true
        %select_n3A_147 = arith.select %select_n3A_146, %add3A_145, %select_n3A_123 : i32
        %eq3A_148 = arith.cmpi eq, %select_n3A_147, %select_n3A : i32
        %select_n3A_149 = arith.constant 0 : i32
        %select_n3A_150 = arith.select %eq3A_148, %select_n3A_149, %select_n3A_147 : i32
        %add3A_151 = arith.addi %select_n3A_150, %select_n3A_14 : i32
        %add3A_152 = arith.constant 1 : i32
        %add3A_153 = arith.addi %select_n3A_150, %add3A_152 : i32
        %select_n3A_154 = arith.constant true
        %select_n3A_155 = arith.select %select_n3A_154, %add3A_153, %select_n3A_150 : i32
        %eq3A_156 = arith.cmpi eq, %select_n3A_155, %select_n3A : i32
        %select_n3A_157 = arith.constant 0 : i32
        %select_n3A_158 = arith.select %eq3A_156, %select_n3A_157, %select_n3A_155 : i32
        %add3A_159 = arith.addi %select_n3A_158, %select_n3A_14 : i32
        %convert_element_type3A_160 = arith.extui %eq3A_132 : i1 to i32
        %cond3A_161 = arith.constant 0 : i32
        %cond3A_162 = arith.cmpi ne, %convert_element_type3A_160, %cond3A_161 : i32
        scf.if %cond3A_162 {
        } else {
        }
        %convert_element_type3A_163 = arith.extui %eq3A_132 : i1 to i32
        %cond3A_164 = arith.constant 0 : i32
        %cond3A_165 = arith.cmpi ne, %convert_element_type3A_163, %cond3A_164 : i32
        scf.if %cond3A_165 {
        } else {
        }
      } else {
      }
      tpu.yield
    }) : () -> ()
    return
  }
}

module attributes {stable_mosaic.version = 14 : i64} {
  func.func @_pad_body(%arg0: i32, %arg1: memref<1008x512xf32, #tpu.memory_space<vmem>>, %arg2: memref<512x1024xf32, #tpu.memory_space<vmem>>) attributes {dimension_semantics = [#tpu.dimension_semantics<arbitrary>], iteration_bounds = array<i64: 196>, scalar_prefetch = 0 : i64, scratch_operands = 0 : i64, tpu.core_type = #tpu.core_type<tc>, window_params = [{transform_indices = @transform_0, window_bounds = array<i64: 1008, 512>}, {transform_indices = @transform_1, window_bounds = array<i64: 512, 1024>}]} {
    %get3A = arith.constant 0 : index
    %get3A_0 = arith.constant 0 : index
    %get3A_1 = vector.load %arg1[%get3A, %get3A_0] : memref<1008x512xf32, #tpu.memory_space<vmem>>, vector<1008x512xf32>
    %transpose3A = tpu.transpose %get3A_1, [1, 0] : vector<1008x512xf32> -> vector<512x1008xf32>
    %swap3A = arith.constant 0 : index
    %swap3A_2 = arith.constant 0 : index
    %swap3A_3 = vector.load %arg2[%swap3A, %swap3A_2] : memref<512x1024xf32, #tpu.memory_space<vmem>>, vector<512x1008xf32>
    tpu.vector_store %arg2[%swap3A, %swap3A_2], %transpose3A {strides = array<i32>} : memref<512x1024xf32, #tpu.memory_space<vmem>>, vector<512x1008xf32>,
    %broadcast_in_dim3A = arith.constant 0.000000e+00 : f32
    %broadcast_in_dim3A_4 = vector.broadcast %broadcast_in_dim3A : f32 to vector<512x16xf32>
    %swap3A_5 = arith.constant 0 : index
    %swap3A_6 = arith.constant 1008 : index
    %swap3A_7 = vector.load %arg2[%swap3A_5, %swap3A_6] : memref<512x1024xf32, #tpu.memory_space<vmem>>, vector<512x16xf32>
    tpu.vector_store %arg2[%swap3A_5, %swap3A_6], %broadcast_in_dim3A_4 {strides = array<i32>} : memref<512x1024xf32, #tpu.memory_space<vmem>>, vector<512x16xf32>,
    return
  }
  func.func @transform_0(%arg0: i32) -> (i32, i32) {
    %c0_i32 = arith.constant 0 : i32
    %c0_i32_0 = arith.constant 0 : i32
    return %c0_i32, %arg0 : i32, i32
  }
  func.func @transform_1(%arg0: i32) -> (i32, i32) {
    %c0_i32 = arith.constant 0 : i32
    %c0_i32_0 = arith.constant 0 : i32
    return %arg0, %c0_i32 : i32, i32
  }
}

module attributes {stable_mosaic.version = 14 : i64} {
  func.func @_route_body(%arg0: memref<8x12512xi32, #tpu.memory_space<vmem>>, %arg1: memref<8x12512xi32, #tpu.memory_space<vmem>>, %arg2: memref<1x512xi32, #tpu.memory_space<vmem>>) attributes {dimension_semantics = [], scalar_prefetch = 0 : i64, scratch_operands = 0 : i64, tpu.core_type = #tpu.core_type<tc>} {
    %get3A = arith.constant 0 : index
    %get3A_0 = arith.constant 0 : index
    %get3A_1 = vector.load %arg0[%get3A, %get3A_0] : memref<8x12512xi32, #tpu.memory_space<vmem>>, vector<8x12512xi32>
    %broadcast_in_dim3A = arith.constant 0 : i32
    %broadcast_in_dim3A_2 = vector.broadcast %broadcast_in_dim3A : i32 to vector<8x12512xi32>
    %eq3A = arith.constant 0 : i32
    %eq3A_3 = vector.broadcast %eq3A : i32 to vector<8x12512xi32>
    %eq3A_4 = arith.cmpi eq, %get3A_1, %eq3A_3 : vector<8x12512xi32>
    %convert_element_type3A = arith.extui %eq3A_4 : vector<8x12512xi1> to vector<8x12512xi32>
    %convert_element_type3A_5 = arith.sitofp %convert_element_type3A : vector<8x12512xi32> to vector<8x12512xf32>
    %broadcast_in_dim3A_6 = arith.constant 0.000000e+00 : f32
    %broadcast_in_dim3A_7 = vector.broadcast %broadcast_in_dim3A_6 : f32 to vector<8x1xf32>
    %slice3A = vector.extract_strided_slice %convert_element_type3A_5 {offsets = [0, 0], sizes = [8, 12511], strides = [1, 1]} : vector<8x12512xf32> to vector<8x12511xf32>
    %concatenate3A = tpu.concatenate %broadcast_in_dim3A_7, %slice3A in 1 : vector<8x1xf32>, vector<8x12511xf32> -> vector<8x12512xf32>
    %add3A = arith.addf %convert_element_type3A_5, %concatenate3A : vector<8x12512xf32>
    %broadcast_in_dim3A_8 = arith.constant 0.000000e+00 : f32
    %broadcast_in_dim3A_9 = vector.broadcast %broadcast_in_dim3A_8 : f32 to vector<8x2xf32>
    %slice3A_10 = vector.extract_strided_slice %add3A {offsets = [0, 0], sizes = [8, 12510], strides = [1, 1]} : vector<8x12512xf32> to vector<8x12510xf32>
    %concatenate3A_11 = tpu.concatenate %broadcast_in_dim3A_9, %slice3A_10 in 1 : vector<8x2xf32>, vector<8x12510xf32> -> vector<8x12512xf32>
    %add3A_12 = arith.addf %add3A, %concatenate3A_11 : vector<8x12512xf32>
    %broadcast_in_dim3A_13 = arith.constant 0.000000e+00 : f32
    %broadcast_in_dim3A_14 = vector.broadcast %broadcast_in_dim3A_13 : f32 to vector<8x4xf32>
    %slice3A_15 = vector.extract_strided_slice %add3A_12 {offsets = [0, 0], sizes = [8, 12508], strides = [1, 1]} : vector<8x12512xf32> to vector<8x12508xf32>
    %concatenate3A_16 = tpu.concatenate %broadcast_in_dim3A_14, %slice3A_15 in 1 : vector<8x4xf32>, vector<8x12508xf32> -> vector<8x12512xf32>
    %add3A_17 = arith.addf %add3A_12, %concatenate3A_16 : vector<8x12512xf32>
    %broadcast_in_dim3A_18 = arith.constant 0.000000e+00 : f32
    %broadcast_in_dim3A_19 = vector.broadcast %broadcast_in_dim3A_18 : f32 to vector<8x8xf32>
    %slice3A_20 = vector.extract_strided_slice %add3A_17 {offsets = [0, 0], sizes = [8, 12504], strides = [1, 1]} : vector<8x12512xf32> to vector<8x12504xf32>
    %concatenate3A_21 = tpu.concatenate %broadcast_in_dim3A_19, %slice3A_20 in 1 : vector<8x8xf32>, vector<8x12504xf32> -> vector<8x12512xf32>
    %add3A_22 = arith.addf %add3A_17, %concatenate3A_21 : vector<8x12512xf32>
    %broadcast_in_dim3A_23 = arith.constant 0.000000e+00 : f32
    %broadcast_in_dim3A_24 = vector.broadcast %broadcast_in_dim3A_23 : f32 to vector<8x16xf32>
    %slice3A_25 = vector.extract_strided_slice %add3A_22 {offsets = [0, 0], sizes = [8, 12496], strides = [1, 1]} : vector<8x12512xf32> to vector<8x12496xf32>
    %concatenate3A_26 = tpu.concatenate %broadcast_in_dim3A_24, %slice3A_25 in 1 : vector<8x16xf32>, vector<8x12496xf32> -> vector<8x12512xf32>
    %add3A_27 = arith.addf %add3A_22, %concatenate3A_26 : vector<8x12512xf32>
    %broadcast_in_dim3A_28 = arith.constant 0.000000e+00 : f32
    %broadcast_in_dim3A_29 = vector.broadcast %broadcast_in_dim3A_28 : f32 to vector<8x32xf32>
    %slice3A_30 = vector.extract_strided_slice %add3A_27 {offsets = [0, 0], sizes = [8, 12480], strides = [1, 1]} : vector<8x12512xf32> to vector<8x12480xf32>
    %concatenate3A_31 = tpu.concatenate %broadcast_in_dim3A_29, %slice3A_30 in 1 : vector<8x32xf32>, vector<8x12480xf32> -> vector<8x12512xf32>
    %add3A_32 = arith.addf %add3A_27, %concatenate3A_31 : vector<8x12512xf32>
    %broadcast_in_dim3A_33 = arith.constant 0.000000e+00 : f32
    %broadcast_in_dim3A_34 = vector.broadcast %broadcast_in_dim3A_33 : f32 to vector<8x64xf32>
    %slice3A_35 = vector.extract_strided_slice %add3A_32 {offsets = [0, 0], sizes = [8, 12448], strides = [1, 1]} : vector<8x12512xf32> to vector<8x12448xf32>
    %concatenate3A_36 = tpu.concatenate %broadcast_in_dim3A_34, %slice3A_35 in 1 : vector<8x64xf32>, vector<8x12448xf32> -> vector<8x12512xf32>
    %add3A_37 = arith.addf %add3A_32, %concatenate3A_36 : vector<8x12512xf32>
    %broadcast_in_dim3A_38 = arith.constant 0.000000e+00 : f32
    %broadcast_in_dim3A_39 = vector.broadcast %broadcast_in_dim3A_38 : f32 to vector<8x128xf32>
    %slice3A_40 = vector.extract_strided_slice %add3A_37 {offsets = [0, 0], sizes = [8, 12384], strides = [1, 1]} : vector<8x12512xf32> to vector<8x12384xf32>
    %concatenate3A_41 = tpu.concatenate %broadcast_in_dim3A_39, %slice3A_40 in 1 : vector<8x128xf32>, vector<8x12384xf32> -> vector<8x12512xf32>
    %add3A_42 = arith.addf %add3A_37, %concatenate3A_41 : vector<8x12512xf32>
    %broadcast_in_dim3A_43 = arith.constant 0.000000e+00 : f32
    %broadcast_in_dim3A_44 = vector.broadcast %broadcast_in_dim3A_43 : f32 to vector<8x256xf32>
    %slice3A_45 = vector.extract_strided_slice %add3A_42 {offsets = [0, 0], sizes = [8, 12256], strides = [1, 1]} : vector<8x12512xf32> to vector<8x12256xf32>
    %concatenate3A_46 = tpu.concatenate %broadcast_in_dim3A_44, %slice3A_45 in 1 : vector<8x256xf32>, vector<8x12256xf32> -> vector<8x12512xf32>
    %add3A_47 = arith.addf %add3A_42, %concatenate3A_46 : vector<8x12512xf32>
    %broadcast_in_dim3A_48 = arith.constant 0.000000e+00 : f32
    %broadcast_in_dim3A_49 = vector.broadcast %broadcast_in_dim3A_48 : f32 to vector<8x512xf32>
    %slice3A_50 = vector.extract_strided_slice %add3A_47 {offsets = [0, 0], sizes = [8, 12000], strides = [1, 1]} : vector<8x12512xf32> to vector<8x12000xf32>
    %concatenate3A_51 = tpu.concatenate %broadcast_in_dim3A_49, %slice3A_50 in 1 : vector<8x512xf32>, vector<8x12000xf32> -> vector<8x12512xf32>
    %add3A_52 = arith.addf %add3A_47, %concatenate3A_51 : vector<8x12512xf32>
    %broadcast_in_dim3A_53 = arith.constant 0.000000e+00 : f32
    %broadcast_in_dim3A_54 = vector.broadcast %broadcast_in_dim3A_53 : f32 to vector<8x1024xf32>
    %slice3A_55 = vector.extract_strided_slice %add3A_52 {offsets = [0, 0], sizes = [8, 11488], strides = [1, 1]} : vector<8x12512xf32> to vector<8x11488xf32>
    %concatenate3A_56 = tpu.concatenate %broadcast_in_dim3A_54, %slice3A_55 in 1 : vector<8x1024xf32>, vector<8x11488xf32> -> vector<8x12512xf32>
    %add3A_57 = arith.addf %add3A_52, %concatenate3A_56 : vector<8x12512xf32>
    %broadcast_in_dim3A_58 = arith.constant 0.000000e+00 : f32
    %broadcast_in_dim3A_59 = vector.broadcast %broadcast_in_dim3A_58 : f32 to vector<8x2048xf32>
    %slice3A_60 = vector.extract_strided_slice %add3A_57 {offsets = [0, 0], sizes = [8, 10464], strides = [1, 1]} : vector<8x12512xf32> to vector<8x10464xf32>
    %concatenate3A_61 = tpu.concatenate %broadcast_in_dim3A_59, %slice3A_60 in 1 : vector<8x2048xf32>, vector<8x10464xf32> -> vector<8x12512xf32>
    %add3A_62 = arith.addf %add3A_57, %concatenate3A_61 : vector<8x12512xf32>
    %broadcast_in_dim3A_63 = arith.constant 0.000000e+00 : f32
    %broadcast_in_dim3A_64 = vector.broadcast %broadcast_in_dim3A_63 : f32 to vector<8x4096xf32>
    %slice3A_65 = vector.extract_strided_slice %add3A_62 {offsets = [0, 0], sizes = [8, 8416], strides = [1, 1]} : vector<8x12512xf32> to vector<8x8416xf32>
    %concatenate3A_66 = tpu.concatenate %broadcast_in_dim3A_64, %slice3A_65 in 1 : vector<8x4096xf32>, vector<8x8416xf32> -> vector<8x12512xf32>
    %add3A_67 = arith.addf %add3A_62, %concatenate3A_66 : vector<8x12512xf32>
    %broadcast_in_dim3A_68 = arith.constant 0.000000e+00 : f32
    %broadcast_in_dim3A_69 = vector.broadcast %broadcast_in_dim3A_68 : f32 to vector<8x8192xf32>
    %slice3A_70 = vector.extract_strided_slice %add3A_67 {offsets = [0, 0], sizes = [8, 4320], strides = [1, 1]} : vector<8x12512xf32> to vector<8x4320xf32>
    %concatenate3A_71 = tpu.concatenate %broadcast_in_dim3A_69, %slice3A_70 in 1 : vector<8x8192xf32>, vector<8x4320xf32> -> vector<8x12512xf32>
    %add3A_72 = arith.addf %add3A_67, %concatenate3A_71 : vector<8x12512xf32>
    %slice3A_73 = vector.extract_strided_slice %add3A_72 {offsets = [0, 12511], sizes = [8, 1], strides = [1, 1]} : vector<8x12512xf32> to vector<8x1xf32>
    %broadcast_in_dim3A_74 = arith.constant 0.000000e+00 : f32
    %broadcast_in_dim3A_75 = vector.broadcast %broadcast_in_dim3A_74 : f32 to vector<1x1xf32>
    %slice3A_76 = vector.extract_strided_slice %slice3A_73 {offsets = [0, 0], sizes = [7, 1], strides = [1, 1]} : vector<8x1xf32> to vector<7x1xf32>
    %concatenate3A_77 = tpu.concatenate %broadcast_in_dim3A_75, %slice3A_76 in 0 : vector<1x1xf32>, vector<7x1xf32> -> vector<8x1xf32>
    %add3A_78 = arith.addf %slice3A_73, %concatenate3A_77 : vector<8x1xf32>
    %broadcast_in_dim3A_79 = arith.constant 0.000000e+00 : f32
    %broadcast_in_dim3A_80 = vector.broadcast %broadcast_in_dim3A_79 : f32 to vector<2x1xf32>
    %slice3A_81 = vector.extract_strided_slice %add3A_78 {offsets = [0, 0], sizes = [6, 1], strides = [1, 1]} : vector<8x1xf32> to vector<6x1xf32>
    %concatenate3A_82 = tpu.concatenate %broadcast_in_dim3A_80, %slice3A_81 in 0 : vector<2x1xf32>, vector<6x1xf32> -> vector<8x1xf32>
    %add3A_83 = arith.addf %add3A_78, %concatenate3A_82 : vector<8x1xf32>
    %broadcast_in_dim3A_84 = arith.constant 0.000000e+00 : f32
    %broadcast_in_dim3A_85 = vector.broadcast %broadcast_in_dim3A_84 : f32 to vector<4x1xf32>
    %slice3A_86 = vector.extract_strided_slice %add3A_83 {offsets = [0, 0], sizes = [4, 1], strides = [1, 1]} : vector<8x1xf32> to vector<4x1xf32>
    %concatenate3A_87 = tpu.concatenate %broadcast_in_dim3A_85, %slice3A_86 in 0 : vector<4x1xf32>, vector<4x1xf32> -> vector<8x1xf32>
    %add3A_88 = arith.addf %add3A_83, %concatenate3A_87 : vector<8x1xf32>
    %sub3A = arith.subf %add3A_88, %slice3A_73 : vector<8x1xf32>
    %add3A_89 = vector.broadcast %sub3A : vector<8x1xf32> to vector<8x12512xf32>
    %add3A_90 = arith.addf %add3A_72, %add3A_89 : vector<8x12512xf32>
    %sub3A_91 = arith.subf %add3A_90, %convert_element_type3A_5 : vector<8x12512xf32>
    %slice3A_92 = vector.extract_strided_slice %sub3A {offsets = [7, 0], sizes = [1, 1], strides = [1, 1]} : vector<8x1xf32> to vector<1x1xf32>
    %squeeze3A = vector.extract %slice3A_92[0, 0] : f32 from vector<1x1xf32>
    %slice3A_93 = vector.extract_strided_slice %slice3A_73 {offsets = [7, 0], sizes = [1, 1], strides = [1, 1]} : vector<8x1xf32> to vector<1x1xf32>
    %squeeze3A_94 = vector.extract %slice3A_93[0, 0] : f32 from vector<1x1xf32>
    %add3A_95 = arith.addf %squeeze3A, %squeeze3A_94 : f32
    %convert_element_type3A_96 = arith.fptosi %add3A_95 : f32 to i32
    %convert_element_type3A_97 = arith.fptosi %sub3A_91 : vector<8x12512xf32> to vector<8x12512xi32>
    %add3A_98 = arith.constant 0 : i32
    %add3A_99 = vector.broadcast %add3A_98 : i32 to vector<8x12512xi32>
    %add3A_100 = arith.addi %add3A_99, %convert_element_type3A_97 : vector<8x12512xi32>
    %select_n3A = arith.select %eq3A_4, %add3A_100, %broadcast_in_dim3A_2 : vector<8x12512xi1>, vector<8x12512xi32>
    %add3A_101 = arith.constant 512 : i32
    %add3A_102 = arith.addi %convert_element_type3A_96, %add3A_101 : i32
    %sub3A_103 = arith.constant 1 : i32
    %sub3A_104 = arith.subi %add3A_102, %sub3A_103 : i32
    %jit3A = arith.constant 512 : i32
    %div3A = arith.divsi %sub3A_104, %jit3A : i32
    %sign3A = arith.constant 0 : i32
    %sign3A_105 = arith.cmpi sgt, %sub3A_104, %sign3A : i32
    %sign3A_106 = arith.extui %sign3A_105 : i1 to i32
    %sign3A_107 = arith.constant 0 : i32
    %sign3A_108 = arith.cmpi slt, %sub3A_104, %sign3A_107 : i32
    %sign3A_109 = arith.extui %sign3A_108 : i1 to i32
    %sign3A_110 = arith.subi %sign3A_106, %sign3A_109 : i32
    %sign3A_111 = arith.constant 0 : i32
    %sign3A_112 = arith.cmpi sgt, %jit3A, %sign3A_111 : i32
    %sign3A_113 = arith.extui %sign3A_112 : i1 to i32
    %sign3A_114 = arith.constant 0 : i32
    %sign3A_115 = arith.cmpi slt, %jit3A, %sign3A_114 : i32
    %sign3A_116 = arith.extui %sign3A_115 : i1 to i32
    %sign3A_117 = arith.subi %sign3A_113, %sign3A_116 : i32
    %ne3A = arith.cmpi ne, %sign3A_110, %sign3A_117 : i32
    %rem3A = arith.remsi %sub3A_104, %jit3A : i32
    %ne3A_118 = arith.constant 0 : i32
    %ne3A_119 = arith.cmpi ne, %rem3A, %ne3A_118 : i32
    %and3A = arith.andi %ne3A, %ne3A_119 : i1
    %sub3A_120 = arith.constant 1 : i32
    %sub3A_121 = arith.subi %div3A, %sub3A_120 : i32
    %select_n3A_122 = arith.select %and3A, %sub3A_121, %div3A : i32
    %mul3A = arith.constant 512 : i32
    %mul3A_123 = arith.muli %select_n3A_122, %mul3A : i32
    %add3A_124 = arith.constant 0 : i32
    %add3A_125 = arith.addi %add3A_124, %mul3A_123 : i32
    %eq3A_126 = arith.constant 1 : i32
    %eq3A_127 = vector.broadcast %eq3A_126 : i32 to vector<8x12512xi32>
    %eq3A_128 = arith.cmpi eq, %get3A_1, %eq3A_127 : vector<8x12512xi32>
    %convert_element_type3A_129 = arith.extui %eq3A_128 : vector<8x12512xi1> to vector<8x12512xi32>
    %convert_element_type3A_130 = arith.sitofp %convert_element_type3A_129 : vector<8x12512xi32> to vector<8x12512xf32>
    %broadcast_in_dim3A_131 = arith.constant 0.000000e+00 : f32
    %broadcast_in_dim3A_132 = vector.broadcast %broadcast_in_dim3A_131 : f32 to vector<8x1xf32>
    %slice3A_133 = vector.extract_strided_slice %convert_element_type3A_130 {offsets = [0, 0], sizes = [8, 12511], strides = [1, 1]} : vector<8x12512xf32> to vector<8x12511xf32>
    %concatenate3A_134 = tpu.concatenate %broadcast_in_dim3A_132, %slice3A_133 in 1 : vector<8x1xf32>, vector<8x12511xf32> -> vector<8x12512xf32>
    %add3A_135 = arith.addf %convert_element_type3A_130, %concatenate3A_134 : vector<8x12512xf32>
    %broadcast_in_dim3A_136 = arith.constant 0.000000e+00 : f32
    %broadcast_in_dim3A_137 = vector.broadcast %broadcast_in_dim3A_136 : f32 to vector<8x2xf32>
    %slice3A_138 = vector.extract_strided_slice %add3A_135 {offsets = [0, 0], sizes = [8, 12510], strides = [1, 1]} : vector<8x12512xf32> to vector<8x12510xf32>
    %concatenate3A_139 = tpu.concatenate %broadcast_in_dim3A_137, %slice3A_138 in 1 : vector<8x2xf32>, vector<8x12510xf32> -> vector<8x12512xf32>
    %add3A_140 = arith.addf %add3A_135, %concatenate3A_139 : vector<8x12512xf32>
    %broadcast_in_dim3A_141 = arith.constant 0.000000e+00 : f32
    %broadcast_in_dim3A_142 = vector.broadcast %broadcast_in_dim3A_141 : f32 to vector<8x4xf32>
    %slice3A_143 = vector.extract_strided_slice %add3A_140 {offsets = [0, 0], sizes = [8, 12508], strides = [1, 1]} : vector<8x12512xf32> to vector<8x12508xf32>
    %concatenate3A_144 = tpu.concatenate %broadcast_in_dim3A_142, %slice3A_143 in 1 : vector<8x4xf32>, vector<8x12508xf32> -> vector<8x12512xf32>
    %add3A_145 = arith.addf %add3A_140, %concatenate3A_144 : vector<8x12512xf32>
    %broadcast_in_dim3A_146 = arith.constant 0.000000e+00 : f32
    %broadcast_in_dim3A_147 = vector.broadcast %broadcast_in_dim3A_146 : f32 to vector<8x8xf32>
    %slice3A_148 = vector.extract_strided_slice %add3A_145 {offsets = [0, 0], sizes = [8, 12504], strides = [1, 1]} : vector<8x12512xf32> to vector<8x12504xf32>
    %concatenate3A_149 = tpu.concatenate %broadcast_in_dim3A_147, %slice3A_148 in 1 : vector<8x8xf32>, vector<8x12504xf32> -> vector<8x12512xf32>
    %add3A_150 = arith.addf %add3A_145, %concatenate3A_149 : vector<8x12512xf32>
    %broadcast_in_dim3A_151 = arith.constant 0.000000e+00 : f32
    %broadcast_in_dim3A_152 = vector.broadcast %broadcast_in_dim3A_151 : f32 to vector<8x16xf32>
    %slice3A_153 = vector.extract_strided_slice %add3A_150 {offsets = [0, 0], sizes = [8, 12496], strides = [1, 1]} : vector<8x12512xf32> to vector<8x12496xf32>
    %concatenate3A_154 = tpu.concatenate %broadcast_in_dim3A_152, %slice3A_153 in 1 : vector<8x16xf32>, vector<8x12496xf32> -> vector<8x12512xf32>
    %add3A_155 = arith.addf %add3A_150, %concatenate3A_154 : vector<8x12512xf32>
    %broadcast_in_dim3A_156 = arith.constant 0.000000e+00 : f32
    %broadcast_in_dim3A_157 = vector.broadcast %broadcast_in_dim3A_156 : f32 to vector<8x32xf32>
    %slice3A_158 = vector.extract_strided_slice %add3A_155 {offsets = [0, 0], sizes = [8, 12480], strides = [1, 1]} : vector<8x12512xf32> to vector<8x12480xf32>
    %concatenate3A_159 = tpu.concatenate %broadcast_in_dim3A_157, %slice3A_158 in 1 : vector<8x32xf32>, vector<8x12480xf32> -> vector<8x12512xf32>
    %add3A_160 = arith.addf %add3A_155, %concatenate3A_159 : vector<8x12512xf32>
    %broadcast_in_dim3A_161 = arith.constant 0.000000e+00 : f32
    %broadcast_in_dim3A_162 = vector.broadcast %broadcast_in_dim3A_161 : f32 to vector<8x64xf32>
    %slice3A_163 = vector.extract_strided_slice %add3A_160 {offsets = [0, 0], sizes = [8, 12448], strides = [1, 1]} : vector<8x12512xf32> to vector<8x12448xf32>
    %concatenate3A_164 = tpu.concatenate %broadcast_in_dim3A_162, %slice3A_163 in 1 : vector<8x64xf32>, vector<8x12448xf32> -> vector<8x12512xf32>
    %add3A_165 = arith.addf %add3A_160, %concatenate3A_164 : vector<8x12512xf32>
    %broadcast_in_dim3A_166 = arith.constant 0.000000e+00 : f32
    %broadcast_in_dim3A_167 = vector.broadcast %broadcast_in_dim3A_166 : f32 to vector<8x128xf32>
    %slice3A_168 = vector.extract_strided_slice %add3A_165 {offsets = [0, 0], sizes = [8, 12384], strides = [1, 1]} : vector<8x12512xf32> to vector<8x12384xf32>
    %concatenate3A_169 = tpu.concatenate %broadcast_in_dim3A_167, %slice3A_168 in 1 : vector<8x128xf32>, vector<8x12384xf32> -> vector<8x12512xf32>
    %add3A_170 = arith.addf %add3A_165, %concatenate3A_169 : vector<8x12512xf32>
    %broadcast_in_dim3A_171 = arith.constant 0.000000e+00 : f32
    %broadcast_in_dim3A_172 = vector.broadcast %broadcast_in_dim3A_171 : f32 to vector<8x256xf32>
    %slice3A_173 = vector.extract_strided_slice %add3A_170 {offsets = [0, 0], sizes = [8, 12256], strides = [1, 1]} : vector<8x12512xf32> to vector<8x12256xf32>
    %concatenate3A_174 = tpu.concatenate %broadcast_in_dim3A_172, %slice3A_173 in 1 : vector<8x256xf32>, vector<8x12256xf32> -> vector<8x12512xf32>
    %add3A_175 = arith.addf %add3A_170, %concatenate3A_174 : vector<8x12512xf32>
    %broadcast_in_dim3A_176 = arith.constant 0.000000e+00 : f32
    %broadcast_in_dim3A_177 = vector.broadcast %broadcast_in_dim3A_176 : f32 to vector<8x512xf32>
    %slice3A_178 = vector.extract_strided_slice %add3A_175 {offsets = [0, 0], sizes = [8, 12000], strides = [1, 1]} : vector<8x12512xf32> to vector<8x12000xf32>
    %concatenate3A_179 = tpu.concatenate %broadcast_in_dim3A_177, %slice3A_178 in 1 : vector<8x512xf32>, vector<8x12000xf32> -> vector<8x12512xf32>
    %add3A_180 = arith.addf %add3A_175, %concatenate3A_179 : vector<8x12512xf32>
    %broadcast_in_dim3A_181 = arith.constant 0.000000e+00 : f32
    %broadcast_in_dim3A_182 = vector.broadcast %broadcast_in_dim3A_181 : f32 to vector<8x1024xf32>
    %slice3A_183 = vector.extract_strided_slice %add3A_180 {offsets = [0, 0], sizes = [8, 11488], strides = [1, 1]} : vector<8x12512xf32> to vector<8x11488xf32>
    %concatenate3A_184 = tpu.concatenate %broadcast_in_dim3A_182, %slice3A_183 in 1 : vector<8x1024xf32>, vector<8x11488xf32> -> vector<8x12512xf32>
    %add3A_185 = arith.addf %add3A_180, %concatenate3A_184 : vector<8x12512xf32>
    %broadcast_in_dim3A_186 = arith.constant 0.000000e+00 : f32
    %broadcast_in_dim3A_187 = vector.broadcast %broadcast_in_dim3A_186 : f32 to vector<8x2048xf32>
    %slice3A_188 = vector.extract_strided_slice %add3A_185 {offsets = [0, 0], sizes = [8, 10464], strides = [1, 1]} : vector<8x12512xf32> to vector<8x10464xf32>
    %concatenate3A_189 = tpu.concatenate %broadcast_in_dim3A_187, %slice3A_188 in 1 : vector<8x2048xf32>, vector<8x10464xf32> -> vector<8x12512xf32>
    %add3A_190 = arith.addf %add3A_185, %concatenate3A_189 : vector<8x12512xf32>
    %broadcast_in_dim3A_191 = arith.constant 0.000000e+00 : f32
    %broadcast_in_dim3A_192 = vector.broadcast %broadcast_in_dim3A_191 : f32 to vector<8x4096xf32>
    %slice3A_193 = vector.extract_strided_slice %add3A_190 {offsets = [0, 0], sizes = [8, 8416], strides = [1, 1]} : vector<8x12512xf32> to vector<8x8416xf32>
    %concatenate3A_194 = tpu.concatenate %broadcast_in_dim3A_192, %slice3A_193 in 1 : vector<8x4096xf32>, vector<8x8416xf32> -> vector<8x12512xf32>
    %add3A_195 = arith.addf %add3A_190, %concatenate3A_194 : vector<8x12512xf32>
    %broadcast_in_dim3A_196 = arith.constant 0.000000e+00 : f32
    %broadcast_in_dim3A_197 = vector.broadcast %broadcast_in_dim3A_196 : f32 to vector<8x8192xf32>
    %slice3A_198 = vector.extract_strided_slice %add3A_195 {offsets = [0, 0], sizes = [8, 4320], strides = [1, 1]} : vector<8x12512xf32> to vector<8x4320xf32>
    %concatenate3A_199 = tpu.concatenate %broadcast_in_dim3A_197, %slice3A_198 in 1 : vector<8x8192xf32>, vector<8x4320xf32> -> vector<8x12512xf32>
    %add3A_200 = arith.addf %add3A_195, %concatenate3A_199 : vector<8x12512xf32>
    %slice3A_201 = vector.extract_strided_slice %add3A_200 {offsets = [0, 12511], sizes = [8, 1], strides = [1, 1]} : vector<8x12512xf32> to vector<8x1xf32>
    %broadcast_in_dim3A_202 = arith.constant 0.000000e+00 : f32
    %broadcast_in_dim3A_203 = vector.broadcast %broadcast_in_dim3A_202 : f32 to vector<1x1xf32>
    %slice3A_204 = vector.extract_strided_slice %slice3A_201 {offsets = [0, 0], sizes = [7, 1], strides = [1, 1]} : vector<8x1xf32> to vector<7x1xf32>
    %concatenate3A_205 = tpu.concatenate %broadcast_in_dim3A_203, %slice3A_204 in 0 : vector<1x1xf32>, vector<7x1xf32> -> vector<8x1xf32>
    %add3A_206 = arith.addf %slice3A_201, %concatenate3A_205 : vector<8x1xf32>
    %broadcast_in_dim3A_207 = arith.constant 0.000000e+00 : f32
    %broadcast_in_dim3A_208 = vector.broadcast %broadcast_in_dim3A_207 : f32 to vector<2x1xf32>
    %slice3A_209 = vector.extract_strided_slice %add3A_206 {offsets = [0, 0], sizes = [6, 1], strides = [1, 1]} : vector<8x1xf32> to vector<6x1xf32>
    %concatenate3A_210 = tpu.concatenate %broadcast_in_dim3A_208, %slice3A_209 in 0 : vector<2x1xf32>, vector<6x1xf32> -> vector<8x1xf32>
    %add3A_211 = arith.addf %add3A_206, %concatenate3A_210 : vector<8x1xf32>
    %broadcast_in_dim3A_212 = arith.constant 0.000000e+00 : f32
    %broadcast_in_dim3A_213 = vector.broadcast %broadcast_in_dim3A_212 : f32 to vector<4x1xf32>
    %slice3A_214 = vector.extract_strided_slice %add3A_211 {offsets = [0, 0], sizes = [4, 1], strides = [1, 1]} : vector<8x1xf32> to vector<4x1xf32>
    %concatenate3A_215 = tpu.concatenate %broadcast_in_dim3A_213, %slice3A_214 in 0 : vector<4x1xf32>, vector<4x1xf32> -> vector<8x1xf32>
    %add3A_216 = arith.addf %add3A_211, %concatenate3A_215 : vector<8x1xf32>
    %sub3A_217 = arith.subf %add3A_216, %slice3A_201 : vector<8x1xf32>
    %add3A_218 = vector.broadcast %sub3A_217 : vector<8x1xf32> to vector<8x12512xf32>
    %add3A_219 = arith.addf %add3A_200, %add3A_218 : vector<8x12512xf32>
    %sub3A_220 = arith.subf %add3A_219, %convert_element_type3A_130 : vector<8x12512xf32>
    %slice3A_221 = vector.extract_strided_slice %sub3A_217 {offsets = [7, 0], sizes = [1, 1], strides = [1, 1]} : vector<8x1xf32> to vector<1x1xf32>
    %squeeze3A_222 = vector.extract %slice3A_221[0, 0] : f32 from vector<1x1xf32>
    %slice3A_223 = vector.extract_strided_slice %slice3A_201 {offsets = [7, 0], sizes = [1, 1], strides = [1, 1]} : vector<8x1xf32> to vector<1x1xf32>
    %squeeze3A_224 = vector.extract %slice3A_223[0, 0] : f32 from vector<1x1xf32>
    %add3A_225 = arith.addf %squeeze3A_222, %squeeze3A_224 : f32
    %convert_element_type3A_226 = arith.fptosi %add3A_225 : f32 to i32
    %convert_element_type3A_227 = arith.fptosi %sub3A_220 : vector<8x12512xf32> to vector<8x12512xi32>
    %add3A_228 = vector.broadcast %add3A_125 : i32 to vector<8x12512xi32>
    %add3A_229 = arith.addi %add3A_228, %convert_element_type3A_227 : vector<8x12512xi32>
    %select_n3A_230 = arith.select %eq3A_128, %add3A_229, %select_n3A : vector<8x12512xi1>, vector<8x12512xi32>
    %add3A_231 = arith.constant 512 : i32
    %add3A_232 = arith.addi %convert_element_type3A_226, %add3A_231 : i32
    %sub3A_233 = arith.constant 1 : i32
    %sub3A_234 = arith.subi %add3A_232, %sub3A_233 : i32
    %jit3A_235 = arith.constant 512 : i32
    %div3A_236 = arith.divsi %sub3A_234, %jit3A_235 : i32
    %sign3A_237 = arith.constant 0 : i32
    %sign3A_238 = arith.cmpi sgt, %sub3A_234, %sign3A_237 : i32
    %sign3A_239 = arith.extui %sign3A_238 : i1 to i32
    %sign3A_240 = arith.constant 0 : i32
    %sign3A_241 = arith.cmpi slt, %sub3A_234, %sign3A_240 : i32
    %sign3A_242 = arith.extui %sign3A_241 : i1 to i32
    %sign3A_243 = arith.subi %sign3A_239, %sign3A_242 : i32
    %sign3A_244 = arith.constant 0 : i32
    %sign3A_245 = arith.cmpi sgt, %jit3A_235, %sign3A_244 : i32
    %sign3A_246 = arith.extui %sign3A_245 : i1 to i32
    %sign3A_247 = arith.constant 0 : i32
    %sign3A_248 = arith.cmpi slt, %jit3A_235, %sign3A_247 : i32
    %sign3A_249 = arith.extui %sign3A_248 : i1 to i32
    %sign3A_250 = arith.subi %sign3A_246, %sign3A_249 : i32
    %ne3A_251 = arith.cmpi ne, %sign3A_243, %sign3A_250 : i32
    %rem3A_252 = arith.remsi %sub3A_234, %jit3A_235 : i32
    %ne3A_253 = arith.constant 0 : i32
    %ne3A_254 = arith.cmpi ne, %rem3A_252, %ne3A_253 : i32
    %and3A_255 = arith.andi %ne3A_251, %ne3A_254 : i1
    %sub3A_256 = arith.constant 1 : i32
    %sub3A_257 = arith.subi %div3A_236, %sub3A_256 : i32
    %select_n3A_258 = arith.select %and3A_255, %sub3A_257, %div3A_236 : i32
    %mul3A_259 = arith.constant 512 : i32
    %mul3A_260 = arith.muli %select_n3A_258, %mul3A_259 : i32
    %add3A_261 = arith.addi %add3A_125, %mul3A_260 : i32
    %eq3A_262 = arith.constant 2 : i32
    %eq3A_263 = vector.broadcast %eq3A_262 : i32 to vector<8x12512xi32>
    %eq3A_264 = arith.cmpi eq, %get3A_1, %eq3A_263 : vector<8x12512xi32>
    %convert_element_type3A_265 = arith.extui %eq3A_264 : vector<8x12512xi1> to vector<8x12512xi32>
    %convert_element_type3A_266 = arith.sitofp %convert_element_type3A_265 : vector<8x12512xi32> to vector<8x12512xf32>
    %broadcast_in_dim3A_267 = arith.constant 0.000000e+00 : f32
    %broadcast_in_dim3A_268 = vector.broadcast %broadcast_in_dim3A_267 : f32 to vector<8x1xf32>
    %slice3A_269 = vector.extract_strided_slice %convert_element_type3A_266 {offsets = [0, 0], sizes = [8, 12511], strides = [1, 1]} : vector<8x12512xf32> to vector<8x12511xf32>
    %concatenate3A_270 = tpu.concatenate %broadcast_in_dim3A_268, %slice3A_269 in 1 : vector<8x1xf32>, vector<8x12511xf32> -> vector<8x12512xf32>
    %add3A_271 = arith.addf %convert_element_type3A_266, %concatenate3A_270 : vector<8x12512xf32>
    %broadcast_in_dim3A_272 = arith.constant 0.000000e+00 : f32
    %broadcast_in_dim3A_273 = vector.broadcast %broadcast_in_dim3A_272 : f32 to vector<8x2xf32>
    %slice3A_274 = vector.extract_strided_slice %add3A_271 {offsets = [0, 0], sizes = [8, 12510], strides = [1, 1]} : vector<8x12512xf32> to vector<8x12510xf32>
    %concatenate3A_275 = tpu.concatenate %broadcast_in_dim3A_273, %slice3A_274 in 1 : vector<8x2xf32>, vector<8x12510xf32> -> vector<8x12512xf32>
    %add3A_276 = arith.addf %add3A_271, %concatenate3A_275 : vector<8x12512xf32>
    %broadcast_in_dim3A_277 = arith.constant 0.000000e+00 : f32
    %broadcast_in_dim3A_278 = vector.broadcast %broadcast_in_dim3A_277 : f32 to vector<8x4xf32>
    %slice3A_279 = vector.extract_strided_slice %add3A_276 {offsets = [0, 0], sizes = [8, 12508], strides = [1, 1]} : vector<8x12512xf32> to vector<8x12508xf32>
    %concatenate3A_280 = tpu.concatenate %broadcast_in_dim3A_278, %slice3A_279 in 1 : vector<8x4xf32>, vector<8x12508xf32> -> vector<8x12512xf32>
    %add3A_281 = arith.addf %add3A_276, %concatenate3A_280 : vector<8x12512xf32>
    %broadcast_in_dim3A_282 = arith.constant 0.000000e+00 : f32
    %broadcast_in_dim3A_283 = vector.broadcast %broadcast_in_dim3A_282 : f32 to vector<8x8xf32>
    %slice3A_284 = vector.extract_strided_slice %add3A_281 {offsets = [0, 0], sizes = [8, 12504], strides = [1, 1]} : vector<8x12512xf32> to vector<8x12504xf32>
    %concatenate3A_285 = tpu.concatenate %broadcast_in_dim3A_283, %slice3A_284 in 1 : vector<8x8xf32>, vector<8x12504xf32> -> vector<8x12512xf32>
    %add3A_286 = arith.addf %add3A_281, %concatenate3A_285 : vector<8x12512xf32>
    %broadcast_in_dim3A_287 = arith.constant 0.000000e+00 : f32
    %broadcast_in_dim3A_288 = vector.broadcast %broadcast_in_dim3A_287 : f32 to vector<8x16xf32>
    %slice3A_289 = vector.extract_strided_slice %add3A_286 {offsets = [0, 0], sizes = [8, 12496], strides = [1, 1]} : vector<8x12512xf32> to vector<8x12496xf32>
    %concatenate3A_290 = tpu.concatenate %broadcast_in_dim3A_288, %slice3A_289 in 1 : vector<8x16xf32>, vector<8x12496xf32> -> vector<8x12512xf32>
    %add3A_291 = arith.addf %add3A_286, %concatenate3A_290 : vector<8x12512xf32>
    %broadcast_in_dim3A_292 = arith.constant 0.000000e+00 : f32
    %broadcast_in_dim3A_293 = vector.broadcast %broadcast_in_dim3A_292 : f32 to vector<8x32xf32>
    %slice3A_294 = vector.extract_strided_slice %add3A_291 {offsets = [0, 0], sizes = [8, 12480], strides = [1, 1]} : vector<8x12512xf32> to vector<8x12480xf32>
    %concatenate3A_295 = tpu.concatenate %broadcast_in_dim3A_293, %slice3A_294 in 1 : vector<8x32xf32>, vector<8x12480xf32> -> vector<8x12512xf32>
    %add3A_296 = arith.addf %add3A_291, %concatenate3A_295 : vector<8x12512xf32>
    %broadcast_in_dim3A_297 = arith.constant 0.000000e+00 : f32
    %broadcast_in_dim3A_298 = vector.broadcast %broadcast_in_dim3A_297 : f32 to vector<8x64xf32>
    %slice3A_299 = vector.extract_strided_slice %add3A_296 {offsets = [0, 0], sizes = [8, 12448], strides = [1, 1]} : vector<8x12512xf32> to vector<8x12448xf32>
    %concatenate3A_300 = tpu.concatenate %broadcast_in_dim3A_298, %slice3A_299 in 1 : vector<8x64xf32>, vector<8x12448xf32> -> vector<8x12512xf32>
    %add3A_301 = arith.addf %add3A_296, %concatenate3A_300 : vector<8x12512xf32>
    %broadcast_in_dim3A_302 = arith.constant 0.000000e+00 : f32
    %broadcast_in_dim3A_303 = vector.broadcast %broadcast_in_dim3A_302 : f32 to vector<8x128xf32>
    %slice3A_304 = vector.extract_strided_slice %add3A_301 {offsets = [0, 0], sizes = [8, 12384], strides = [1, 1]} : vector<8x12512xf32> to vector<8x12384xf32>
    %concatenate3A_305 = tpu.concatenate %broadcast_in_dim3A_303, %slice3A_304 in 1 : vector<8x128xf32>, vector<8x12384xf32> -> vector<8x12512xf32>
    %add3A_306 = arith.addf %add3A_301, %concatenate3A_305 : vector<8x12512xf32>
    %broadcast_in_dim3A_307 = arith.constant 0.000000e+00 : f32
    %broadcast_in_dim3A_308 = vector.broadcast %broadcast_in_dim3A_307 : f32 to vector<8x256xf32>
    %slice3A_309 = vector.extract_strided_slice %add3A_306 {offsets = [0, 0], sizes = [8, 12256], strides = [1, 1]} : vector<8x12512xf32> to vector<8x12256xf32>
    %concatenate3A_310 = tpu.concatenate %broadcast_in_dim3A_308, %slice3A_309 in 1 : vector<8x256xf32>, vector<8x12256xf32> -> vector<8x12512xf32>
    %add3A_311 = arith.addf %add3A_306, %concatenate3A_310 : vector<8x12512xf32>
    %broadcast_in_dim3A_312 = arith.constant 0.000000e+00 : f32
    %broadcast_in_dim3A_313 = vector.broadcast %broadcast_in_dim3A_312 : f32 to vector<8x512xf32>
    %slice3A_314 = vector.extract_strided_slice %add3A_311 {offsets = [0, 0], sizes = [8, 12000], strides = [1, 1]} : vector<8x12512xf32> to vector<8x12000xf32>
    %concatenate3A_315 = tpu.concatenate %broadcast_in_dim3A_313, %slice3A_314 in 1 : vector<8x512xf32>, vector<8x12000xf32> -> vector<8x12512xf32>
    %add3A_316 = arith.addf %add3A_311, %concatenate3A_315 : vector<8x12512xf32>
    %broadcast_in_dim3A_317 = arith.constant 0.000000e+00 : f32
    %broadcast_in_dim3A_318 = vector.broadcast %broadcast_in_dim3A_317 : f32 to vector<8x1024xf32>
    %slice3A_319 = vector.extract_strided_slice %add3A_316 {offsets = [0, 0], sizes = [8, 11488], strides = [1, 1]} : vector<8x12512xf32> to vector<8x11488xf32>
    %concatenate3A_320 = tpu.concatenate %broadcast_in_dim3A_318, %slice3A_319 in 1 : vector<8x1024xf32>, vector<8x11488xf32> -> vector<8x12512xf32>
    %add3A_321 = arith.addf %add3A_316, %concatenate3A_320 : vector<8x12512xf32>
    %broadcast_in_dim3A_322 = arith.constant 0.000000e+00 : f32
    %broadcast_in_dim3A_323 = vector.broadcast %broadcast_in_dim3A_322 : f32 to vector<8x2048xf32>
    %slice3A_324 = vector.extract_strided_slice %add3A_321 {offsets = [0, 0], sizes = [8, 10464], strides = [1, 1]} : vector<8x12512xf32> to vector<8x10464xf32>
    %concatenate3A_325 = tpu.concatenate %broadcast_in_dim3A_323, %slice3A_324 in 1 : vector<8x2048xf32>, vector<8x10464xf32> -> vector<8x12512xf32>
    %add3A_326 = arith.addf %add3A_321, %concatenate3A_325 : vector<8x12512xf32>
    %broadcast_in_dim3A_327 = arith.constant 0.000000e+00 : f32
    %broadcast_in_dim3A_328 = vector.broadcast %broadcast_in_dim3A_327 : f32 to vector<8x4096xf32>
    %slice3A_329 = vector.extract_strided_slice %add3A_326 {offsets = [0, 0], sizes = [8, 8416], strides = [1, 1]} : vector<8x12512xf32> to vector<8x8416xf32>
    %concatenate3A_330 = tpu.concatenate %broadcast_in_dim3A_328, %slice3A_329 in 1 : vector<8x4096xf32>, vector<8x8416xf32> -> vector<8x12512xf32>
    %add3A_331 = arith.addf %add3A_326, %concatenate3A_330 : vector<8x12512xf32>
    %broadcast_in_dim3A_332 = arith.constant 0.000000e+00 : f32
    %broadcast_in_dim3A_333 = vector.broadcast %broadcast_in_dim3A_332 : f32 to vector<8x8192xf32>
    %slice3A_334 = vector.extract_strided_slice %add3A_331 {offsets = [0, 0], sizes = [8, 4320], strides = [1, 1]} : vector<8x12512xf32> to vector<8x4320xf32>
    %concatenate3A_335 = tpu.concatenate %broadcast_in_dim3A_333, %slice3A_334 in 1 : vector<8x8192xf32>, vector<8x4320xf32> -> vector<8x12512xf32>
    %add3A_336 = arith.addf %add3A_331, %concatenate3A_335 : vector<8x12512xf32>
    %slice3A_337 = vector.extract_strided_slice %add3A_336 {offsets = [0, 12511], sizes = [8, 1], strides = [1, 1]} : vector<8x12512xf32> to vector<8x1xf32>
    %broadcast_in_dim3A_338 = arith.constant 0.000000e+00 : f32
    %broadcast_in_dim3A_339 = vector.broadcast %broadcast_in_dim3A_338 : f32 to vector<1x1xf32>
    %slice3A_340 = vector.extract_strided_slice %slice3A_337 {offsets = [0, 0], sizes = [7, 1], strides = [1, 1]} : vector<8x1xf32> to vector<7x1xf32>
    %concatenate3A_341 = tpu.concatenate %broadcast_in_dim3A_339, %slice3A_340 in 0 : vector<1x1xf32>, vector<7x1xf32> -> vector<8x1xf32>
    %add3A_342 = arith.addf %slice3A_337, %concatenate3A_341 : vector<8x1xf32>
    %broadcast_in_dim3A_343 = arith.constant 0.000000e+00 : f32
    %broadcast_in_dim3A_344 = vector.broadcast %broadcast_in_dim3A_343 : f32 to vector<2x1xf32>
    %slice3A_345 = vector.extract_strided_slice %add3A_342 {offsets = [0, 0], sizes = [6, 1], strides = [1, 1]} : vector<8x1xf32> to vector<6x1xf32>
    %concatenate3A_346 = tpu.concatenate %broadcast_in_dim3A_344, %slice3A_345 in 0 : vector<2x1xf32>, vector<6x1xf32> -> vector<8x1xf32>
    %add3A_347 = arith.addf %add3A_342, %concatenate3A_346 : vector<8x1xf32>
    %broadcast_in_dim3A_348 = arith.constant 0.000000e+00 : f32
    %broadcast_in_dim3A_349 = vector.broadcast %broadcast_in_dim3A_348 : f32 to vector<4x1xf32>
    %slice3A_350 = vector.extract_strided_slice %add3A_347 {offsets = [0, 0], sizes = [4, 1], strides = [1, 1]} : vector<8x1xf32> to vector<4x1xf32>
    %concatenate3A_351 = tpu.concatenate %broadcast_in_dim3A_349, %slice3A_350 in 0 : vector<4x1xf32>, vector<4x1xf32> -> vector<8x1xf32>
    %add3A_352 = arith.addf %add3A_347, %concatenate3A_351 : vector<8x1xf32>
    %sub3A_353 = arith.subf %add3A_352, %slice3A_337 : vector<8x1xf32>
    %add3A_354 = vector.broadcast %sub3A_353 : vector<8x1xf32> to vector<8x12512xf32>
    %add3A_355 = arith.addf %add3A_336, %add3A_354 : vector<8x12512xf32>
    %sub3A_356 = arith.subf %add3A_355, %convert_element_type3A_266 : vector<8x12512xf32>
    %slice3A_357 = vector.extract_strided_slice %sub3A_353 {offsets = [7, 0], sizes = [1, 1], strides = [1, 1]} : vector<8x1xf32> to vector<1x1xf32>
    %squeeze3A_358 = vector.extract %slice3A_357[0, 0] : f32 from vector<1x1xf32>
    %slice3A_359 = vector.extract_strided_slice %slice3A_337 {offsets = [7, 0], sizes = [1, 1], strides = [1, 1]} : vector<8x1xf32> to vector<1x1xf32>
    %squeeze3A_360 = vector.extract %slice3A_359[0, 0] : f32 from vector<1x1xf32>
    %add3A_361 = arith.addf %squeeze3A_358, %squeeze3A_360 : f32
    %convert_element_type3A_362 = arith.fptosi %add3A_361 : f32 to i32
    %convert_element_type3A_363 = arith.fptosi %sub3A_356 : vector<8x12512xf32> to vector<8x12512xi32>
    %add3A_364 = vector.broadcast %add3A_261 : i32 to vector<8x12512xi32>
    %add3A_365 = arith.addi %add3A_364, %convert_element_type3A_363 : vector<8x12512xi32>
    %select_n3A_366 = arith.select %eq3A_264, %add3A_365, %select_n3A_230 : vector<8x12512xi1>, vector<8x12512xi32>
    %add3A_367 = arith.constant 512 : i32
    %add3A_368 = arith.addi %convert_element_type3A_362, %add3A_367 : i32
    %sub3A_369 = arith.constant 1 : i32
    %sub3A_370 = arith.subi %add3A_368, %sub3A_369 : i32
    %jit3A_371 = arith.constant 512 : i32
    %div3A_372 = arith.divsi %sub3A_370, %jit3A_371 : i32
    %sign3A_373 = arith.constant 0 : i32
    %sign3A_374 = arith.cmpi sgt, %sub3A_370, %sign3A_373 : i32
    %sign3A_375 = arith.extui %sign3A_374 : i1 to i32
    %sign3A_376 = arith.constant 0 : i32
    %sign3A_377 = arith.cmpi slt, %sub3A_370, %sign3A_376 : i32
    %sign3A_378 = arith.extui %sign3A_377 : i1 to i32
    %sign3A_379 = arith.subi %sign3A_375, %sign3A_378 : i32
    %sign3A_380 = arith.constant 0 : i32
    %sign3A_381 = arith.cmpi sgt, %jit3A_371, %sign3A_380 : i32
    %sign3A_382 = arith.extui %sign3A_381 : i1 to i32
    %sign3A_383 = arith.constant 0 : i32
    %sign3A_384 = arith.cmpi slt, %jit3A_371, %sign3A_383 : i32
    %sign3A_385 = arith.extui %sign3A_384 : i1 to i32
    %sign3A_386 = arith.subi %sign3A_382, %sign3A_385 : i32
    %ne3A_387 = arith.cmpi ne, %sign3A_379, %sign3A_386 : i32
    %rem3A_388 = arith.remsi %sub3A_370, %jit3A_371 : i32
    %ne3A_389 = arith.constant 0 : i32
    %ne3A_390 = arith.cmpi ne, %rem3A_388, %ne3A_389 : i32
    %and3A_391 = arith.andi %ne3A_387, %ne3A_390 : i1
    %sub3A_392 = arith.constant 1 : i32
    %sub3A_393 = arith.subi %div3A_372, %sub3A_392 : i32
    %select_n3A_394 = arith.select %and3A_391, %sub3A_393, %div3A_372 : i32
    %mul3A_395 = arith.constant 512 : i32
    %mul3A_396 = arith.muli %select_n3A_394, %mul3A_395 : i32
    %add3A_397 = arith.addi %add3A_261, %mul3A_396 : i32
    %eq3A_398 = arith.constant 3 : i32
    %eq3A_399 = vector.broadcast %eq3A_398 : i32 to vector<8x12512xi32>
    %eq3A_400 = arith.cmpi eq, %get3A_1, %eq3A_399 : vector<8x12512xi32>
    %convert_element_type3A_401 = arith.extui %eq3A_400 : vector<8x12512xi1> to vector<8x12512xi32>
    %convert_element_type3A_402 = arith.sitofp %convert_element_type3A_401 : vector<8x12512xi32> to vector<8x12512xf32>
    %broadcast_in_dim3A_403 = arith.constant 0.000000e+00 : f32
    %broadcast_in_dim3A_404 = vector.broadcast %broadcast_in_dim3A_403 : f32 to vector<8x1xf32>
    %slice3A_405 = vector.extract_strided_slice %convert_element_type3A_402 {offsets = [0, 0], sizes = [8, 12511], strides = [1, 1]} : vector<8x12512xf32> to vector<8x12511xf32>
    %concatenate3A_406 = tpu.concatenate %broadcast_in_dim3A_404, %slice3A_405 in 1 : vector<8x1xf32>, vector<8x12511xf32> -> vector<8x12512xf32>
    %add3A_407 = arith.addf %convert_element_type3A_402, %concatenate3A_406 : vector<8x12512xf32>
    %broadcast_in_dim3A_408 = arith.constant 0.000000e+00 : f32
    %broadcast_in_dim3A_409 = vector.broadcast %broadcast_in_dim3A_408 : f32 to vector<8x2xf32>
    %slice3A_410 = vector.extract_strided_slice %add3A_407 {offsets = [0, 0], sizes = [8, 12510], strides = [1, 1]} : vector<8x12512xf32> to vector<8x12510xf32>
    %concatenate3A_411 = tpu.concatenate %broadcast_in_dim3A_409, %slice3A_410 in 1 : vector<8x2xf32>, vector<8x12510xf32> -> vector<8x12512xf32>
    %add3A_412 = arith.addf %add3A_407, %concatenate3A_411 : vector<8x12512xf32>
    %broadcast_in_dim3A_413 = arith.constant 0.000000e+00 : f32
    %broadcast_in_dim3A_414 = vector.broadcast %broadcast_in_dim3A_413 : f32 to vector<8x4xf32>
    %slice3A_415 = vector.extract_strided_slice %add3A_412 {offsets = [0, 0], sizes = [8, 12508], strides = [1, 1]} : vector<8x12512xf32> to vector<8x12508xf32>
    %concatenate3A_416 = tpu.concatenate %broadcast_in_dim3A_414, %slice3A_415 in 1 : vector<8x4xf32>, vector<8x12508xf32> -> vector<8x12512xf32>
    %add3A_417 = arith.addf %add3A_412, %concatenate3A_416 : vector<8x12512xf32>
    %broadcast_in_dim3A_418 = arith.constant 0.000000e+00 : f32
    %broadcast_in_dim3A_419 = vector.broadcast %broadcast_in_dim3A_418 : f32 to vector<8x8xf32>
    %slice3A_420 = vector.extract_strided_slice %add3A_417 {offsets = [0, 0], sizes = [8, 12504], strides = [1, 1]} : vector<8x12512xf32> to vector<8x12504xf32>
    %concatenate3A_421 = tpu.concatenate %broadcast_in_dim3A_419, %slice3A_420 in 1 : vector<8x8xf32>, vector<8x12504xf32> -> vector<8x12512xf32>
    %add3A_422 = arith.addf %add3A_417, %concatenate3A_421 : vector<8x12512xf32>
    %broadcast_in_dim3A_423 = arith.constant 0.000000e+00 : f32
    %broadcast_in_dim3A_424 = vector.broadcast %broadcast_in_dim3A_423 : f32 to vector<8x16xf32>
    %slice3A_425 = vector.extract_strided_slice %add3A_422 {offsets = [0, 0], sizes = [8, 12496], strides = [1, 1]} : vector<8x12512xf32> to vector<8x12496xf32>
    %concatenate3A_426 = tpu.concatenate %broadcast_in_dim3A_424, %slice3A_425 in 1 : vector<8x16xf32>, vector<8x12496xf32> -> vector<8x12512xf32>
    %add3A_427 = arith.addf %add3A_422, %concatenate3A_426 : vector<8x12512xf32>
    %broadcast_in_dim3A_428 = arith.constant 0.000000e+00 : f32
    %broadcast_in_dim3A_429 = vector.broadcast %broadcast_in_dim3A_428 : f32 to vector<8x32xf32>
    %slice3A_430 = vector.extract_strided_slice %add3A_427 {offsets = [0, 0], sizes = [8, 12480], strides = [1, 1]} : vector<8x12512xf32> to vector<8x12480xf32>
    %concatenate3A_431 = tpu.concatenate %broadcast_in_dim3A_429, %slice3A_430 in 1 : vector<8x32xf32>, vector<8x12480xf32> -> vector<8x12512xf32>
    %add3A_432 = arith.addf %add3A_427, %concatenate3A_431 : vector<8x12512xf32>
    %broadcast_in_dim3A_433 = arith.constant 0.000000e+00 : f32
    %broadcast_in_dim3A_434 = vector.broadcast %broadcast_in_dim3A_433 : f32 to vector<8x64xf32>
    %slice3A_435 = vector.extract_strided_slice %add3A_432 {offsets = [0, 0], sizes = [8, 12448], strides = [1, 1]} : vector<8x12512xf32> to vector<8x12448xf32>
    %concatenate3A_436 = tpu.concatenate %broadcast_in_dim3A_434, %slice3A_435 in 1 : vector<8x64xf32>, vector<8x12448xf32> -> vector<8x12512xf32>
    %add3A_437 = arith.addf %add3A_432, %concatenate3A_436 : vector<8x12512xf32>
    %broadcast_in_dim3A_438 = arith.constant 0.000000e+00 : f32
    %broadcast_in_dim3A_439 = vector.broadcast %broadcast_in_dim3A_438 : f32 to vector<8x128xf32>
    %slice3A_440 = vector.extract_strided_slice %add3A_437 {offsets = [0, 0], sizes = [8, 12384], strides = [1, 1]} : vector<8x12512xf32> to vector<8x12384xf32>
    %concatenate3A_441 = tpu.concatenate %broadcast_in_dim3A_439, %slice3A_440 in 1 : vector<8x128xf32>, vector<8x12384xf32> -> vector<8x12512xf32>
    %add3A_442 = arith.addf %add3A_437, %concatenate3A_441 : vector<8x12512xf32>
    %broadcast_in_dim3A_443 = arith.constant 0.000000e+00 : f32
    %broadcast_in_dim3A_444 = vector.broadcast %broadcast_in_dim3A_443 : f32 to vector<8x256xf32>
    %slice3A_445 = vector.extract_strided_slice %add3A_442 {offsets = [0, 0], sizes = [8, 12256], strides = [1, 1]} : vector<8x12512xf32> to vector<8x12256xf32>
    %concatenate3A_446 = tpu.concatenate %broadcast_in_dim3A_444, %slice3A_445 in 1 : vector<8x256xf32>, vector<8x12256xf32> -> vector<8x12512xf32>
    %add3A_447 = arith.addf %add3A_442, %concatenate3A_446 : vector<8x12512xf32>
    %broadcast_in_dim3A_448 = arith.constant 0.000000e+00 : f32
    %broadcast_in_dim3A_449 = vector.broadcast %broadcast_in_dim3A_448 : f32 to vector<8x512xf32>
    %slice3A_450 = vector.extract_strided_slice %add3A_447 {offsets = [0, 0], sizes = [8, 12000], strides = [1, 1]} : vector<8x12512xf32> to vector<8x12000xf32>
    %concatenate3A_451 = tpu.concatenate %broadcast_in_dim3A_449, %slice3A_450 in 1 : vector<8x512xf32>, vector<8x12000xf32> -> vector<8x12512xf32>
    %add3A_452 = arith.addf %add3A_447, %concatenate3A_451 : vector<8x12512xf32>
    %broadcast_in_dim3A_453 = arith.constant 0.000000e+00 : f32
    %broadcast_in_dim3A_454 = vector.broadcast %broadcast_in_dim3A_453 : f32 to vector<8x1024xf32>
    %slice3A_455 = vector.extract_strided_slice %add3A_452 {offsets = [0, 0], sizes = [8, 11488], strides = [1, 1]} : vector<8x12512xf32> to vector<8x11488xf32>
    %concatenate3A_456 = tpu.concatenate %broadcast_in_dim3A_454, %slice3A_455 in 1 : vector<8x1024xf32>, vector<8x11488xf32> -> vector<8x12512xf32>
    %add3A_457 = arith.addf %add3A_452, %concatenate3A_456 : vector<8x12512xf32>
    %broadcast_in_dim3A_458 = arith.constant 0.000000e+00 : f32
    %broadcast_in_dim3A_459 = vector.broadcast %broadcast_in_dim3A_458 : f32 to vector<8x2048xf32>
    %slice3A_460 = vector.extract_strided_slice %add3A_457 {offsets = [0, 0], sizes = [8, 10464], strides = [1, 1]} : vector<8x12512xf32> to vector<8x10464xf32>
    %concatenate3A_461 = tpu.concatenate %broadcast_in_dim3A_459, %slice3A_460 in 1 : vector<8x2048xf32>, vector<8x10464xf32> -> vector<8x12512xf32>
    %add3A_462 = arith.addf %add3A_457, %concatenate3A_461 : vector<8x12512xf32>
    %broadcast_in_dim3A_463 = arith.constant 0.000000e+00 : f32
    %broadcast_in_dim3A_464 = vector.broadcast %broadcast_in_dim3A_463 : f32 to vector<8x4096xf32>
    %slice3A_465 = vector.extract_strided_slice %add3A_462 {offsets = [0, 0], sizes = [8, 8416], strides = [1, 1]} : vector<8x12512xf32> to vector<8x8416xf32>
    %concatenate3A_466 = tpu.concatenate %broadcast_in_dim3A_464, %slice3A_465 in 1 : vector<8x4096xf32>, vector<8x8416xf32> -> vector<8x12512xf32>
    %add3A_467 = arith.addf %add3A_462, %concatenate3A_466 : vector<8x12512xf32>
    %broadcast_in_dim3A_468 = arith.constant 0.000000e+00 : f32
    %broadcast_in_dim3A_469 = vector.broadcast %broadcast_in_dim3A_468 : f32 to vector<8x8192xf32>
    %slice3A_470 = vector.extract_strided_slice %add3A_467 {offsets = [0, 0], sizes = [8, 4320], strides = [1, 1]} : vector<8x12512xf32> to vector<8x4320xf32>
    %concatenate3A_471 = tpu.concatenate %broadcast_in_dim3A_469, %slice3A_470 in 1 : vector<8x8192xf32>, vector<8x4320xf32> -> vector<8x12512xf32>
    %add3A_472 = arith.addf %add3A_467, %concatenate3A_471 : vector<8x12512xf32>
    %slice3A_473 = vector.extract_strided_slice %add3A_472 {offsets = [0, 12511], sizes = [8, 1], strides = [1, 1]} : vector<8x12512xf32> to vector<8x1xf32>
    %broadcast_in_dim3A_474 = arith.constant 0.000000e+00 : f32
    %broadcast_in_dim3A_475 = vector.broadcast %broadcast_in_dim3A_474 : f32 to vector<1x1xf32>
    %slice3A_476 = vector.extract_strided_slice %slice3A_473 {offsets = [0, 0], sizes = [7, 1], strides = [1, 1]} : vector<8x1xf32> to vector<7x1xf32>
    %concatenate3A_477 = tpu.concatenate %broadcast_in_dim3A_475, %slice3A_476 in 0 : vector<1x1xf32>, vector<7x1xf32> -> vector<8x1xf32>
    %add3A_478 = arith.addf %slice3A_473, %concatenate3A_477 : vector<8x1xf32>
    %broadcast_in_dim3A_479 = arith.constant 0.000000e+00 : f32
    %broadcast_in_dim3A_480 = vector.broadcast %broadcast_in_dim3A_479 : f32 to vector<2x1xf32>
    %slice3A_481 = vector.extract_strided_slice %add3A_478 {offsets = [0, 0], sizes = [6, 1], strides = [1, 1]} : vector<8x1xf32> to vector<6x1xf32>
    %concatenate3A_482 = tpu.concatenate %broadcast_in_dim3A_480, %slice3A_481 in 0 : vector<2x1xf32>, vector<6x1xf32> -> vector<8x1xf32>
    %add3A_483 = arith.addf %add3A_478, %concatenate3A_482 : vector<8x1xf32>
    %broadcast_in_dim3A_484 = arith.constant 0.000000e+00 : f32
    %broadcast_in_dim3A_485 = vector.broadcast %broadcast_in_dim3A_484 : f32 to vector<4x1xf32>
    %slice3A_486 = vector.extract_strided_slice %add3A_483 {offsets = [0, 0], sizes = [4, 1], strides = [1, 1]} : vector<8x1xf32> to vector<4x1xf32>
    %concatenate3A_487 = tpu.concatenate %broadcast_in_dim3A_485, %slice3A_486 in 0 : vector<4x1xf32>, vector<4x1xf32> -> vector<8x1xf32>
    %add3A_488 = arith.addf %add3A_483, %concatenate3A_487 : vector<8x1xf32>
    %sub3A_489 = arith.subf %add3A_488, %slice3A_473 : vector<8x1xf32>
    %add3A_490 = vector.broadcast %sub3A_489 : vector<8x1xf32> to vector<8x12512xf32>
    %add3A_491 = arith.addf %add3A_472, %add3A_490 : vector<8x12512xf32>
    %sub3A_492 = arith.subf %add3A_491, %convert_element_type3A_402 : vector<8x12512xf32>
    %slice3A_493 = vector.extract_strided_slice %sub3A_489 {offsets = [7, 0], sizes = [1, 1], strides = [1, 1]} : vector<8x1xf32> to vector<1x1xf32>
    %squeeze3A_494 = vector.extract %slice3A_493[0, 0] : f32 from vector<1x1xf32>
    %slice3A_495 = vector.extract_strided_slice %slice3A_473 {offsets = [7, 0], sizes = [1, 1], strides = [1, 1]} : vector<8x1xf32> to vector<1x1xf32>
    %squeeze3A_496 = vector.extract %slice3A_495[0, 0] : f32 from vector<1x1xf32>
    %add3A_497 = arith.addf %squeeze3A_494, %squeeze3A_496 : f32
    %convert_element_type3A_498 = arith.fptosi %add3A_497 : f32 to i32
    %convert_element_type3A_499 = arith.fptosi %sub3A_492 : vector<8x12512xf32> to vector<8x12512xi32>
    %add3A_500 = vector.broadcast %add3A_397 : i32 to vector<8x12512xi32>
    %add3A_501 = arith.addi %add3A_500, %convert_element_type3A_499 : vector<8x12512xi32>
    %select_n3A_502 = arith.select %eq3A_400, %add3A_501, %select_n3A_366 : vector<8x12512xi1>, vector<8x12512xi32>
    %add3A_503 = arith.constant 512 : i32
    %add3A_504 = arith.addi %convert_element_type3A_498, %add3A_503 : i32
    %sub3A_505 = arith.constant 1 : i32
    %sub3A_506 = arith.subi %add3A_504, %sub3A_505 : i32
    %jit3A_507 = arith.constant 512 : i32
    %div3A_508 = arith.divsi %sub3A_506, %jit3A_507 : i32
    %sign3A_509 = arith.constant 0 : i32
    %sign3A_510 = arith.cmpi sgt, %sub3A_506, %sign3A_509 : i32
    %sign3A_511 = arith.extui %sign3A_510 : i1 to i32
    %sign3A_512 = arith.constant 0 : i32
    %sign3A_513 = arith.cmpi slt, %sub3A_506, %sign3A_512 : i32
    %sign3A_514 = arith.extui %sign3A_513 : i1 to i32
    %sign3A_515 = arith.subi %sign3A_511, %sign3A_514 : i32
    %sign3A_516 = arith.constant 0 : i32
    %sign3A_517 = arith.cmpi sgt, %jit3A_507, %sign3A_516 : i32
    %sign3A_518 = arith.extui %sign3A_517 : i1 to i32
    %sign3A_519 = arith.constant 0 : i32
    %sign3A_520 = arith.cmpi slt, %jit3A_507, %sign3A_519 : i32
    %sign3A_521 = arith.extui %sign3A_520 : i1 to i32
    %sign3A_522 = arith.subi %sign3A_518, %sign3A_521 : i32
    %ne3A_523 = arith.cmpi ne, %sign3A_515, %sign3A_522 : i32
    %rem3A_524 = arith.remsi %sub3A_506, %jit3A_507 : i32
    %ne3A_525 = arith.constant 0 : i32
    %ne3A_526 = arith.cmpi ne, %rem3A_524, %ne3A_525 : i32
    %and3A_527 = arith.andi %ne3A_523, %ne3A_526 : i1
    %sub3A_528 = arith.constant 1 : i32
    %sub3A_529 = arith.subi %div3A_508, %sub3A_528 : i32
    %select_n3A_530 = arith.select %and3A_527, %sub3A_529, %div3A_508 : i32
    %mul3A_531 = arith.constant 512 : i32
    %mul3A_532 = arith.muli %select_n3A_530, %mul3A_531 : i32
    %add3A_533 = arith.addi %add3A_397, %mul3A_532 : i32
    %eq3A_534 = arith.constant 4 : i32
    %eq3A_535 = vector.broadcast %eq3A_534 : i32 to vector<8x12512xi32>
    %eq3A_536 = arith.cmpi eq, %get3A_1, %eq3A_535 : vector<8x12512xi32>
    %convert_element_type3A_537 = arith.extui %eq3A_536 : vector<8x12512xi1> to vector<8x12512xi32>
    %convert_element_type3A_538 = arith.sitofp %convert_element_type3A_537 : vector<8x12512xi32> to vector<8x12512xf32>
    %broadcast_in_dim3A_539 = arith.constant 0.000000e+00 : f32
    %broadcast_in_dim3A_540 = vector.broadcast %broadcast_in_dim3A_539 : f32 to vector<8x1xf32>
    %slice3A_541 = vector.extract_strided_slice %convert_element_type3A_538 {offsets = [0, 0], sizes = [8, 12511], strides = [1, 1]} : vector<8x12512xf32> to vector<8x12511xf32>
    %concatenate3A_542 = tpu.concatenate %broadcast_in_dim3A_540, %slice3A_541 in 1 : vector<8x1xf32>, vector<8x12511xf32> -> vector<8x12512xf32>
    %add3A_543 = arith.addf %convert_element_type3A_538, %concatenate3A_542 : vector<8x12512xf32>
    %broadcast_in_dim3A_544 = arith.constant 0.000000e+00 : f32
    %broadcast_in_dim3A_545 = vector.broadcast %broadcast_in_dim3A_544 : f32 to vector<8x2xf32>
    %slice3A_546 = vector.extract_strided_slice %add3A_543 {offsets = [0, 0], sizes = [8, 12510], strides = [1, 1]} : vector<8x12512xf32> to vector<8x12510xf32>
    %concatenate3A_547 = tpu.concatenate %broadcast_in_dim3A_545, %slice3A_546 in 1 : vector<8x2xf32>, vector<8x12510xf32> -> vector<8x12512xf32>
    %add3A_548 = arith.addf %add3A_543, %concatenate3A_547 : vector<8x12512xf32>
    %broadcast_in_dim3A_549 = arith.constant 0.000000e+00 : f32
    %broadcast_in_dim3A_550 = vector.broadcast %broadcast_in_dim3A_549 : f32 to vector<8x4xf32>
    %slice3A_551 = vector.extract_strided_slice %add3A_548 {offsets = [0, 0], sizes = [8, 12508], strides = [1, 1]} : vector<8x12512xf32> to vector<8x12508xf32>
    %concatenate3A_552 = tpu.concatenate %broadcast_in_dim3A_550, %slice3A_551 in 1 : vector<8x4xf32>, vector<8x12508xf32> -> vector<8x12512xf32>
    %add3A_553 = arith.addf %add3A_548, %concatenate3A_552 : vector<8x12512xf32>
    %broadcast_in_dim3A_554 = arith.constant 0.000000e+00 : f32
    %broadcast_in_dim3A_555 = vector.broadcast %broadcast_in_dim3A_554 : f32 to vector<8x8xf32>
    %slice3A_556 = vector.extract_strided_slice %add3A_553 {offsets = [0, 0], sizes = [8, 12504], strides = [1, 1]} : vector<8x12512xf32> to vector<8x12504xf32>
    %concatenate3A_557 = tpu.concatenate %broadcast_in_dim3A_555, %slice3A_556 in 1 : vector<8x8xf32>, vector<8x12504xf32> -> vector<8x12512xf32>
    %add3A_558 = arith.addf %add3A_553, %concatenate3A_557 : vector<8x12512xf32>
    %broadcast_in_dim3A_559 = arith.constant 0.000000e+00 : f32
    %broadcast_in_dim3A_560 = vector.broadcast %broadcast_in_dim3A_559 : f32 to vector<8x16xf32>
    %slice3A_561 = vector.extract_strided_slice %add3A_558 {offsets = [0, 0], sizes = [8, 12496], strides = [1, 1]} : vector<8x12512xf32> to vector<8x12496xf32>
    %concatenate3A_562 = tpu.concatenate %broadcast_in_dim3A_560, %slice3A_561 in 1 : vector<8x16xf32>, vector<8x12496xf32> -> vector<8x12512xf32>
    %add3A_563 = arith.addf %add3A_558, %concatenate3A_562 : vector<8x12512xf32>
    %broadcast_in_dim3A_564 = arith.constant 0.000000e+00 : f32
    %broadcast_in_dim3A_565 = vector.broadcast %broadcast_in_dim3A_564 : f32 to vector<8x32xf32>
    %slice3A_566 = vector.extract_strided_slice %add3A_563 {offsets = [0, 0], sizes = [8, 12480], strides = [1, 1]} : vector<8x12512xf32> to vector<8x12480xf32>
    %concatenate3A_567 = tpu.concatenate %broadcast_in_dim3A_565, %slice3A_566 in 1 : vector<8x32xf32>, vector<8x12480xf32> -> vector<8x12512xf32>
    %add3A_568 = arith.addf %add3A_563, %concatenate3A_567 : vector<8x12512xf32>
    %broadcast_in_dim3A_569 = arith.constant 0.000000e+00 : f32
    %broadcast_in_dim3A_570 = vector.broadcast %broadcast_in_dim3A_569 : f32 to vector<8x64xf32>
    %slice3A_571 = vector.extract_strided_slice %add3A_568 {offsets = [0, 0], sizes = [8, 12448], strides = [1, 1]} : vector<8x12512xf32> to vector<8x12448xf32>
    %concatenate3A_572 = tpu.concatenate %broadcast_in_dim3A_570, %slice3A_571 in 1 : vector<8x64xf32>, vector<8x12448xf32> -> vector<8x12512xf32>
    %add3A_573 = arith.addf %add3A_568, %concatenate3A_572 : vector<8x12512xf32>
    %broadcast_in_dim3A_574 = arith.constant 0.000000e+00 : f32
    %broadcast_in_dim3A_575 = vector.broadcast %broadcast_in_dim3A_574 : f32 to vector<8x128xf32>
    %slice3A_576 = vector.extract_strided_slice %add3A_573 {offsets = [0, 0], sizes = [8, 12384], strides = [1, 1]} : vector<8x12512xf32> to vector<8x12384xf32>
    %concatenate3A_577 = tpu.concatenate %broadcast_in_dim3A_575, %slice3A_576 in 1 : vector<8x128xf32>, vector<8x12384xf32> -> vector<8x12512xf32>
    %add3A_578 = arith.addf %add3A_573, %concatenate3A_577 : vector<8x12512xf32>
    %broadcast_in_dim3A_579 = arith.constant 0.000000e+00 : f32
    %broadcast_in_dim3A_580 = vector.broadcast %broadcast_in_dim3A_579 : f32 to vector<8x256xf32>
    %slice3A_581 = vector.extract_strided_slice %add3A_578 {offsets = [0, 0], sizes = [8, 12256], strides = [1, 1]} : vector<8x12512xf32> to vector<8x12256xf32>
    %concatenate3A_582 = tpu.concatenate %broadcast_in_dim3A_580, %slice3A_581 in 1 : vector<8x256xf32>, vector<8x12256xf32> -> vector<8x12512xf32>
    %add3A_583 = arith.addf %add3A_578, %concatenate3A_582 : vector<8x12512xf32>
    %broadcast_in_dim3A_584 = arith.constant 0.000000e+00 : f32
    %broadcast_in_dim3A_585 = vector.broadcast %broadcast_in_dim3A_584 : f32 to vector<8x512xf32>
    %slice3A_586 = vector.extract_strided_slice %add3A_583 {offsets = [0, 0], sizes = [8, 12000], strides = [1, 1]} : vector<8x12512xf32> to vector<8x12000xf32>
    %concatenate3A_587 = tpu.concatenate %broadcast_in_dim3A_585, %slice3A_586 in 1 : vector<8x512xf32>, vector<8x12000xf32> -> vector<8x12512xf32>
    %add3A_588 = arith.addf %add3A_583, %concatenate3A_587 : vector<8x12512xf32>
    %broadcast_in_dim3A_589 = arith.constant 0.000000e+00 : f32
    %broadcast_in_dim3A_590 = vector.broadcast %broadcast_in_dim3A_589 : f32 to vector<8x1024xf32>
    %slice3A_591 = vector.extract_strided_slice %add3A_588 {offsets = [0, 0], sizes = [8, 11488], strides = [1, 1]} : vector<8x12512xf32> to vector<8x11488xf32>
    %concatenate3A_592 = tpu.concatenate %broadcast_in_dim3A_590, %slice3A_591 in 1 : vector<8x1024xf32>, vector<8x11488xf32> -> vector<8x12512xf32>
    %add3A_593 = arith.addf %add3A_588, %concatenate3A_592 : vector<8x12512xf32>
    %broadcast_in_dim3A_594 = arith.constant 0.000000e+00 : f32
    %broadcast_in_dim3A_595 = vector.broadcast %broadcast_in_dim3A_594 : f32 to vector<8x2048xf32>
    %slice3A_596 = vector.extract_strided_slice %add3A_593 {offsets = [0, 0], sizes = [8, 10464], strides = [1, 1]} : vector<8x12512xf32> to vector<8x10464xf32>
    %concatenate3A_597 = tpu.concatenate %broadcast_in_dim3A_595, %slice3A_596 in 1 : vector<8x2048xf32>, vector<8x10464xf32> -> vector<8x12512xf32>
    %add3A_598 = arith.addf %add3A_593, %concatenate3A_597 : vector<8x12512xf32>
    %broadcast_in_dim3A_599 = arith.constant 0.000000e+00 : f32
    %broadcast_in_dim3A_600 = vector.broadcast %broadcast_in_dim3A_599 : f32 to vector<8x4096xf32>
    %slice3A_601 = vector.extract_strided_slice %add3A_598 {offsets = [0, 0], sizes = [8, 8416], strides = [1, 1]} : vector<8x12512xf32> to vector<8x8416xf32>
    %concatenate3A_602 = tpu.concatenate %broadcast_in_dim3A_600, %slice3A_601 in 1 : vector<8x4096xf32>, vector<8x8416xf32> -> vector<8x12512xf32>
    %add3A_603 = arith.addf %add3A_598, %concatenate3A_602 : vector<8x12512xf32>
    %broadcast_in_dim3A_604 = arith.constant 0.000000e+00 : f32
    %broadcast_in_dim3A_605 = vector.broadcast %broadcast_in_dim3A_604 : f32 to vector<8x8192xf32>
    %slice3A_606 = vector.extract_strided_slice %add3A_603 {offsets = [0, 0], sizes = [8, 4320], strides = [1, 1]} : vector<8x12512xf32> to vector<8x4320xf32>
    %concatenate3A_607 = tpu.concatenate %broadcast_in_dim3A_605, %slice3A_606 in 1 : vector<8x8192xf32>, vector<8x4320xf32> -> vector<8x12512xf32>
    %add3A_608 = arith.addf %add3A_603, %concatenate3A_607 : vector<8x12512xf32>
    %slice3A_609 = vector.extract_strided_slice %add3A_608 {offsets = [0, 12511], sizes = [8, 1], strides = [1, 1]} : vector<8x12512xf32> to vector<8x1xf32>
    %broadcast_in_dim3A_610 = arith.constant 0.000000e+00 : f32
    %broadcast_in_dim3A_611 = vector.broadcast %broadcast_in_dim3A_610 : f32 to vector<1x1xf32>
    %slice3A_612 = vector.extract_strided_slice %slice3A_609 {offsets = [0, 0], sizes = [7, 1], strides = [1, 1]} : vector<8x1xf32> to vector<7x1xf32>
    %concatenate3A_613 = tpu.concatenate %broadcast_in_dim3A_611, %slice3A_612 in 0 : vector<1x1xf32>, vector<7x1xf32> -> vector<8x1xf32>
    %add3A_614 = arith.addf %slice3A_609, %concatenate3A_613 : vector<8x1xf32>
    %broadcast_in_dim3A_615 = arith.constant 0.000000e+00 : f32
    %broadcast_in_dim3A_616 = vector.broadcast %broadcast_in_dim3A_615 : f32 to vector<2x1xf32>
    %slice3A_617 = vector.extract_strided_slice %add3A_614 {offsets = [0, 0], sizes = [6, 1], strides = [1, 1]} : vector<8x1xf32> to vector<6x1xf32>
    %concatenate3A_618 = tpu.concatenate %broadcast_in_dim3A_616, %slice3A_617 in 0 : vector<2x1xf32>, vector<6x1xf32> -> vector<8x1xf32>
    %add3A_619 = arith.addf %add3A_614, %concatenate3A_618 : vector<8x1xf32>
    %broadcast_in_dim3A_620 = arith.constant 0.000000e+00 : f32
    %broadcast_in_dim3A_621 = vector.broadcast %broadcast_in_dim3A_620 : f32 to vector<4x1xf32>
    %slice3A_622 = vector.extract_strided_slice %add3A_619 {offsets = [0, 0], sizes = [4, 1], strides = [1, 1]} : vector<8x1xf32> to vector<4x1xf32>
    %concatenate3A_623 = tpu.concatenate %broadcast_in_dim3A_621, %slice3A_622 in 0 : vector<4x1xf32>, vector<4x1xf32> -> vector<8x1xf32>
    %add3A_624 = arith.addf %add3A_619, %concatenate3A_623 : vector<8x1xf32>
    %sub3A_625 = arith.subf %add3A_624, %slice3A_609 : vector<8x1xf32>
    %add3A_626 = vector.broadcast %sub3A_625 : vector<8x1xf32> to vector<8x12512xf32>
    %add3A_627 = arith.addf %add3A_608, %add3A_626 : vector<8x12512xf32>
    %sub3A_628 = arith.subf %add3A_627, %convert_element_type3A_538 : vector<8x12512xf32>
    %slice3A_629 = vector.extract_strided_slice %sub3A_625 {offsets = [7, 0], sizes = [1, 1], strides = [1, 1]} : vector<8x1xf32> to vector<1x1xf32>
    %squeeze3A_630 = vector.extract %slice3A_629[0, 0] : f32 from vector<1x1xf32>
    %slice3A_631 = vector.extract_strided_slice %slice3A_609 {offsets = [7, 0], sizes = [1, 1], strides = [1, 1]} : vector<8x1xf32> to vector<1x1xf32>
    %squeeze3A_632 = vector.extract %slice3A_631[0, 0] : f32 from vector<1x1xf32>
    %add3A_633 = arith.addf %squeeze3A_630, %squeeze3A_632 : f32
    %convert_element_type3A_634 = arith.fptosi %add3A_633 : f32 to i32
    %convert_element_type3A_635 = arith.fptosi %sub3A_628 : vector<8x12512xf32> to vector<8x12512xi32>
    %add3A_636 = vector.broadcast %add3A_533 : i32 to vector<8x12512xi32>
    %add3A_637 = arith.addi %add3A_636, %convert_element_type3A_635 : vector<8x12512xi32>
    %select_n3A_638 = arith.select %eq3A_536, %add3A_637, %select_n3A_502 : vector<8x12512xi1>, vector<8x12512xi32>
    %add3A_639 = arith.constant 512 : i32
    %add3A_640 = arith.addi %convert_element_type3A_634, %add3A_639 : i32
    %sub3A_641 = arith.constant 1 : i32
    %sub3A_642 = arith.subi %add3A_640, %sub3A_641 : i32
    %jit3A_643 = arith.constant 512 : i32
    %div3A_644 = arith.divsi %sub3A_642, %jit3A_643 : i32
    %sign3A_645 = arith.constant 0 : i32
    %sign3A_646 = arith.cmpi sgt, %sub3A_642, %sign3A_645 : i32
    %sign3A_647 = arith.extui %sign3A_646 : i1 to i32
    %sign3A_648 = arith.constant 0 : i32
    %sign3A_649 = arith.cmpi slt, %sub3A_642, %sign3A_648 : i32
    %sign3A_650 = arith.extui %sign3A_649 : i1 to i32
    %sign3A_651 = arith.subi %sign3A_647, %sign3A_650 : i32
    %sign3A_652 = arith.constant 0 : i32
    %sign3A_653 = arith.cmpi sgt, %jit3A_643, %sign3A_652 : i32
    %sign3A_654 = arith.extui %sign3A_653 : i1 to i32
    %sign3A_655 = arith.constant 0 : i32
    %sign3A_656 = arith.cmpi slt, %jit3A_643, %sign3A_655 : i32
    %sign3A_657 = arith.extui %sign3A_656 : i1 to i32
    %sign3A_658 = arith.subi %sign3A_654, %sign3A_657 : i32
    %ne3A_659 = arith.cmpi ne, %sign3A_651, %sign3A_658 : i32
    %rem3A_660 = arith.remsi %sub3A_642, %jit3A_643 : i32
    %ne3A_661 = arith.constant 0 : i32
    %ne3A_662 = arith.cmpi ne, %rem3A_660, %ne3A_661 : i32
    %and3A_663 = arith.andi %ne3A_659, %ne3A_662 : i1
    %sub3A_664 = arith.constant 1 : i32
    %sub3A_665 = arith.subi %div3A_644, %sub3A_664 : i32
    %select_n3A_666 = arith.select %and3A_663, %sub3A_665, %div3A_644 : i32
    %mul3A_667 = arith.constant 512 : i32
    %mul3A_668 = arith.muli %select_n3A_666, %mul3A_667 : i32
    %add3A_669 = arith.addi %add3A_533, %mul3A_668 : i32
    %eq3A_670 = arith.constant 5 : i32
    %eq3A_671 = vector.broadcast %eq3A_670 : i32 to vector<8x12512xi32>
    %eq3A_672 = arith.cmpi eq, %get3A_1, %eq3A_671 : vector<8x12512xi32>
    %convert_element_type3A_673 = arith.extui %eq3A_672 : vector<8x12512xi1> to vector<8x12512xi32>
    %convert_element_type3A_674 = arith.sitofp %convert_element_type3A_673 : vector<8x12512xi32> to vector<8x12512xf32>
    %broadcast_in_dim3A_675 = arith.constant 0.000000e+00 : f32
    %broadcast_in_dim3A_676 = vector.broadcast %broadcast_in_dim3A_675 : f32 to vector<8x1xf32>
    %slice3A_677 = vector.extract_strided_slice %convert_element_type3A_674 {offsets = [0, 0], sizes = [8, 12511], strides = [1, 1]} : vector<8x12512xf32> to vector<8x12511xf32>
    %concatenate3A_678 = tpu.concatenate %broadcast_in_dim3A_676, %slice3A_677 in 1 : vector<8x1xf32>, vector<8x12511xf32> -> vector<8x12512xf32>
    %add3A_679 = arith.addf %convert_element_type3A_674, %concatenate3A_678 : vector<8x12512xf32>
    %broadcast_in_dim3A_680 = arith.constant 0.000000e+00 : f32
    %broadcast_in_dim3A_681 = vector.broadcast %broadcast_in_dim3A_680 : f32 to vector<8x2xf32>
    %slice3A_682 = vector.extract_strided_slice %add3A_679 {offsets = [0, 0], sizes = [8, 12510], strides = [1, 1]} : vector<8x12512xf32> to vector<8x12510xf32>
    %concatenate3A_683 = tpu.concatenate %broadcast_in_dim3A_681, %slice3A_682 in 1 : vector<8x2xf32>, vector<8x12510xf32> -> vector<8x12512xf32>
    %add3A_684 = arith.addf %add3A_679, %concatenate3A_683 : vector<8x12512xf32>
    %broadcast_in_dim3A_685 = arith.constant 0.000000e+00 : f32
    %broadcast_in_dim3A_686 = vector.broadcast %broadcast_in_dim3A_685 : f32 to vector<8x4xf32>
    %slice3A_687 = vector.extract_strided_slice %add3A_684 {offsets = [0, 0], sizes = [8, 12508], strides = [1, 1]} : vector<8x12512xf32> to vector<8x12508xf32>
    %concatenate3A_688 = tpu.concatenate %broadcast_in_dim3A_686, %slice3A_687 in 1 : vector<8x4xf32>, vector<8x12508xf32> -> vector<8x12512xf32>
    %add3A_689 = arith.addf %add3A_684, %concatenate3A_688 : vector<8x12512xf32>
    %broadcast_in_dim3A_690 = arith.constant 0.000000e+00 : f32
    %broadcast_in_dim3A_691 = vector.broadcast %broadcast_in_dim3A_690 : f32 to vector<8x8xf32>
    %slice3A_692 = vector.extract_strided_slice %add3A_689 {offsets = [0, 0], sizes = [8, 12504], strides = [1, 1]} : vector<8x12512xf32> to vector<8x12504xf32>
    %concatenate3A_693 = tpu.concatenate %broadcast_in_dim3A_691, %slice3A_692 in 1 : vector<8x8xf32>, vector<8x12504xf32> -> vector<8x12512xf32>
    %add3A_694 = arith.addf %add3A_689, %concatenate3A_693 : vector<8x12512xf32>
    %broadcast_in_dim3A_695 = arith.constant 0.000000e+00 : f32
    %broadcast_in_dim3A_696 = vector.broadcast %broadcast_in_dim3A_695 : f32 to vector<8x16xf32>
    %slice3A_697 = vector.extract_strided_slice %add3A_694 {offsets = [0, 0], sizes = [8, 12496], strides = [1, 1]} : vector<8x12512xf32> to vector<8x12496xf32>
    %concatenate3A_698 = tpu.concatenate %broadcast_in_dim3A_696, %slice3A_697 in 1 : vector<8x16xf32>, vector<8x12496xf32> -> vector<8x12512xf32>
    %add3A_699 = arith.addf %add3A_694, %concatenate3A_698 : vector<8x12512xf32>
    %broadcast_in_dim3A_700 = arith.constant 0.000000e+00 : f32
    %broadcast_in_dim3A_701 = vector.broadcast %broadcast_in_dim3A_700 : f32 to vector<8x32xf32>
    %slice3A_702 = vector.extract_strided_slice %add3A_699 {offsets = [0, 0], sizes = [8, 12480], strides = [1, 1]} : vector<8x12512xf32> to vector<8x12480xf32>
    %concatenate3A_703 = tpu.concatenate %broadcast_in_dim3A_701, %slice3A_702 in 1 : vector<8x32xf32>, vector<8x12480xf32> -> vector<8x12512xf32>
    %add3A_704 = arith.addf %add3A_699, %concatenate3A_703 : vector<8x12512xf32>
    %broadcast_in_dim3A_705 = arith.constant 0.000000e+00 : f32
    %broadcast_in_dim3A_706 = vector.broadcast %broadcast_in_dim3A_705 : f32 to vector<8x64xf32>
    %slice3A_707 = vector.extract_strided_slice %add3A_704 {offsets = [0, 0], sizes = [8, 12448], strides = [1, 1]} : vector<8x12512xf32> to vector<8x12448xf32>
    %concatenate3A_708 = tpu.concatenate %broadcast_in_dim3A_706, %slice3A_707 in 1 : vector<8x64xf32>, vector<8x12448xf32> -> vector<8x12512xf32>
    %add3A_709 = arith.addf %add3A_704, %concatenate3A_708 : vector<8x12512xf32>
    %broadcast_in_dim3A_710 = arith.constant 0.000000e+00 : f32
    %broadcast_in_dim3A_711 = vector.broadcast %broadcast_in_dim3A_710 : f32 to vector<8x128xf32>
    %slice3A_712 = vector.extract_strided_slice %add3A_709 {offsets = [0, 0], sizes = [8, 12384], strides = [1, 1]} : vector<8x12512xf32> to vector<8x12384xf32>
    %concatenate3A_713 = tpu.concatenate %broadcast_in_dim3A_711, %slice3A_712 in 1 : vector<8x128xf32>, vector<8x12384xf32> -> vector<8x12512xf32>
    %add3A_714 = arith.addf %add3A_709, %concatenate3A_713 : vector<8x12512xf32>
    %broadcast_in_dim3A_715 = arith.constant 0.000000e+00 : f32
    %broadcast_in_dim3A_716 = vector.broadcast %broadcast_in_dim3A_715 : f32 to vector<8x256xf32>
    %slice3A_717 = vector.extract_strided_slice %add3A_714 {offsets = [0, 0], sizes = [8, 12256], strides = [1, 1]} : vector<8x12512xf32> to vector<8x12256xf32>
    %concatenate3A_718 = tpu.concatenate %broadcast_in_dim3A_716, %slice3A_717 in 1 : vector<8x256xf32>, vector<8x12256xf32> -> vector<8x12512xf32>
    %add3A_719 = arith.addf %add3A_714, %concatenate3A_718 : vector<8x12512xf32>
    %broadcast_in_dim3A_720 = arith.constant 0.000000e+00 : f32
    %broadcast_in_dim3A_721 = vector.broadcast %broadcast_in_dim3A_720 : f32 to vector<8x512xf32>
    %slice3A_722 = vector.extract_strided_slice %add3A_719 {offsets = [0, 0], sizes = [8, 12000], strides = [1, 1]} : vector<8x12512xf32> to vector<8x12000xf32>
    %concatenate3A_723 = tpu.concatenate %broadcast_in_dim3A_721, %slice3A_722 in 1 : vector<8x512xf32>, vector<8x12000xf32> -> vector<8x12512xf32>
    %add3A_724 = arith.addf %add3A_719, %concatenate3A_723 : vector<8x12512xf32>
    %broadcast_in_dim3A_725 = arith.constant 0.000000e+00 : f32
    %broadcast_in_dim3A_726 = vector.broadcast %broadcast_in_dim3A_725 : f32 to vector<8x1024xf32>
    %slice3A_727 = vector.extract_strided_slice %add3A_724 {offsets = [0, 0], sizes = [8, 11488], strides = [1, 1]} : vector<8x12512xf32> to vector<8x11488xf32>
    %concatenate3A_728 = tpu.concatenate %broadcast_in_dim3A_726, %slice3A_727 in 1 : vector<8x1024xf32>, vector<8x11488xf32> -> vector<8x12512xf32>
    %add3A_729 = arith.addf %add3A_724, %concatenate3A_728 : vector<8x12512xf32>
    %broadcast_in_dim3A_730 = arith.constant 0.000000e+00 : f32
    %broadcast_in_dim3A_731 = vector.broadcast %broadcast_in_dim3A_730 : f32 to vector<8x2048xf32>
    %slice3A_732 = vector.extract_strided_slice %add3A_729 {offsets = [0, 0], sizes = [8, 10464], strides = [1, 1]} : vector<8x12512xf32> to vector<8x10464xf32>
    %concatenate3A_733 = tpu.concatenate %broadcast_in_dim3A_731, %slice3A_732 in 1 : vector<8x2048xf32>, vector<8x10464xf32> -> vector<8x12512xf32>
    %add3A_734 = arith.addf %add3A_729, %concatenate3A_733 : vector<8x12512xf32>
    %broadcast_in_dim3A_735 = arith.constant 0.000000e+00 : f32
    %broadcast_in_dim3A_736 = vector.broadcast %broadcast_in_dim3A_735 : f32 to vector<8x4096xf32>
    %slice3A_737 = vector.extract_strided_slice %add3A_734 {offsets = [0, 0], sizes = [8, 8416], strides = [1, 1]} : vector<8x12512xf32> to vector<8x8416xf32>
    %concatenate3A_738 = tpu.concatenate %broadcast_in_dim3A_736, %slice3A_737 in 1 : vector<8x4096xf32>, vector<8x8416xf32> -> vector<8x12512xf32>
    %add3A_739 = arith.addf %add3A_734, %concatenate3A_738 : vector<8x12512xf32>
    %broadcast_in_dim3A_740 = arith.constant 0.000000e+00 : f32
    %broadcast_in_dim3A_741 = vector.broadcast %broadcast_in_dim3A_740 : f32 to vector<8x8192xf32>
    %slice3A_742 = vector.extract_strided_slice %add3A_739 {offsets = [0, 0], sizes = [8, 4320], strides = [1, 1]} : vector<8x12512xf32> to vector<8x4320xf32>
    %concatenate3A_743 = tpu.concatenate %broadcast_in_dim3A_741, %slice3A_742 in 1 : vector<8x8192xf32>, vector<8x4320xf32> -> vector<8x12512xf32>
    %add3A_744 = arith.addf %add3A_739, %concatenate3A_743 : vector<8x12512xf32>
    %slice3A_745 = vector.extract_strided_slice %add3A_744 {offsets = [0, 12511], sizes = [8, 1], strides = [1, 1]} : vector<8x12512xf32> to vector<8x1xf32>
    %broadcast_in_dim3A_746 = arith.constant 0.000000e+00 : f32
    %broadcast_in_dim3A_747 = vector.broadcast %broadcast_in_dim3A_746 : f32 to vector<1x1xf32>
    %slice3A_748 = vector.extract_strided_slice %slice3A_745 {offsets = [0, 0], sizes = [7, 1], strides = [1, 1]} : vector<8x1xf32> to vector<7x1xf32>
    %concatenate3A_749 = tpu.concatenate %broadcast_in_dim3A_747, %slice3A_748 in 0 : vector<1x1xf32>, vector<7x1xf32> -> vector<8x1xf32>
    %add3A_750 = arith.addf %slice3A_745, %concatenate3A_749 : vector<8x1xf32>
    %broadcast_in_dim3A_751 = arith.constant 0.000000e+00 : f32
    %broadcast_in_dim3A_752 = vector.broadcast %broadcast_in_dim3A_751 : f32 to vector<2x1xf32>
    %slice3A_753 = vector.extract_strided_slice %add3A_750 {offsets = [0, 0], sizes = [6, 1], strides = [1, 1]} : vector<8x1xf32> to vector<6x1xf32>
    %concatenate3A_754 = tpu.concatenate %broadcast_in_dim3A_752, %slice3A_753 in 0 : vector<2x1xf32>, vector<6x1xf32> -> vector<8x1xf32>
    %add3A_755 = arith.addf %add3A_750, %concatenate3A_754 : vector<8x1xf32>
    %broadcast_in_dim3A_756 = arith.constant 0.000000e+00 : f32
    %broadcast_in_dim3A_757 = vector.broadcast %broadcast_in_dim3A_756 : f32 to vector<4x1xf32>
    %slice3A_758 = vector.extract_strided_slice %add3A_755 {offsets = [0, 0], sizes = [4, 1], strides = [1, 1]} : vector<8x1xf32> to vector<4x1xf32>
    %concatenate3A_759 = tpu.concatenate %broadcast_in_dim3A_757, %slice3A_758 in 0 : vector<4x1xf32>, vector<4x1xf32> -> vector<8x1xf32>
    %add3A_760 = arith.addf %add3A_755, %concatenate3A_759 : vector<8x1xf32>
    %sub3A_761 = arith.subf %add3A_760, %slice3A_745 : vector<8x1xf32>
    %add3A_762 = vector.broadcast %sub3A_761 : vector<8x1xf32> to vector<8x12512xf32>
    %add3A_763 = arith.addf %add3A_744, %add3A_762 : vector<8x12512xf32>
    %sub3A_764 = arith.subf %add3A_763, %convert_element_type3A_674 : vector<8x12512xf32>
    %slice3A_765 = vector.extract_strided_slice %sub3A_761 {offsets = [7, 0], sizes = [1, 1], strides = [1, 1]} : vector<8x1xf32> to vector<1x1xf32>
    %squeeze3A_766 = vector.extract %slice3A_765[0, 0] : f32 from vector<1x1xf32>
    %slice3A_767 = vector.extract_strided_slice %slice3A_745 {offsets = [7, 0], sizes = [1, 1], strides = [1, 1]} : vector<8x1xf32> to vector<1x1xf32>
    %squeeze3A_768 = vector.extract %slice3A_767[0, 0] : f32 from vector<1x1xf32>
    %add3A_769 = arith.addf %squeeze3A_766, %squeeze3A_768 : f32
    %convert_element_type3A_770 = arith.fptosi %add3A_769 : f32 to i32
    %convert_element_type3A_771 = arith.fptosi %sub3A_764 : vector<8x12512xf32> to vector<8x12512xi32>
    %add3A_772 = vector.broadcast %add3A_669 : i32 to vector<8x12512xi32>
    %add3A_773 = arith.addi %add3A_772, %convert_element_type3A_771 : vector<8x12512xi32>
    %select_n3A_774 = arith.select %eq3A_672, %add3A_773, %select_n3A_638 : vector<8x12512xi1>, vector<8x12512xi32>
    %add3A_775 = arith.constant 512 : i32
    %add3A_776 = arith.addi %convert_element_type3A_770, %add3A_775 : i32
    %sub3A_777 = arith.constant 1 : i32
    %sub3A_778 = arith.subi %add3A_776, %sub3A_777 : i32
    %jit3A_779 = arith.constant 512 : i32
    %div3A_780 = arith.divsi %sub3A_778, %jit3A_779 : i32
    %sign3A_781 = arith.constant 0 : i32
    %sign3A_782 = arith.cmpi sgt, %sub3A_778, %sign3A_781 : i32
    %sign3A_783 = arith.extui %sign3A_782 : i1 to i32
    %sign3A_784 = arith.constant 0 : i32
    %sign3A_785 = arith.cmpi slt, %sub3A_778, %sign3A_784 : i32
    %sign3A_786 = arith.extui %sign3A_785 : i1 to i32
    %sign3A_787 = arith.subi %sign3A_783, %sign3A_786 : i32
    %sign3A_788 = arith.constant 0 : i32
    %sign3A_789 = arith.cmpi sgt, %jit3A_779, %sign3A_788 : i32
    %sign3A_790 = arith.extui %sign3A_789 : i1 to i32
    %sign3A_791 = arith.constant 0 : i32
    %sign3A_792 = arith.cmpi slt, %jit3A_779, %sign3A_791 : i32
    %sign3A_793 = arith.extui %sign3A_792 : i1 to i32
    %sign3A_794 = arith.subi %sign3A_790, %sign3A_793 : i32
    %ne3A_795 = arith.cmpi ne, %sign3A_787, %sign3A_794 : i32
    %rem3A_796 = arith.remsi %sub3A_778, %jit3A_779 : i32
    %ne3A_797 = arith.constant 0 : i32
    %ne3A_798 = arith.cmpi ne, %rem3A_796, %ne3A_797 : i32
    %and3A_799 = arith.andi %ne3A_795, %ne3A_798 : i1
    %sub3A_800 = arith.constant 1 : i32
    %sub3A_801 = arith.subi %div3A_780, %sub3A_800 : i32
    %select_n3A_802 = arith.select %and3A_799, %sub3A_801, %div3A_780 : i32
    %mul3A_803 = arith.constant 512 : i32
    %mul3A_804 = arith.muli %select_n3A_802, %mul3A_803 : i32
    %add3A_805 = arith.addi %add3A_669, %mul3A_804 : i32
    %eq3A_806 = arith.constant 6 : i32
    %eq3A_807 = vector.broadcast %eq3A_806 : i32 to vector<8x12512xi32>
    %eq3A_808 = arith.cmpi eq, %get3A_1, %eq3A_807 : vector<8x12512xi32>
    %convert_element_type3A_809 = arith.extui %eq3A_808 : vector<8x12512xi1> to vector<8x12512xi32>
    %convert_element_type3A_810 = arith.sitofp %convert_element_type3A_809 : vector<8x12512xi32> to vector<8x12512xf32>
    %broadcast_in_dim3A_811 = arith.constant 0.000000e+00 : f32
    %broadcast_in_dim3A_812 = vector.broadcast %broadcast_in_dim3A_811 : f32 to vector<8x1xf32>
    %slice3A_813 = vector.extract_strided_slice %convert_element_type3A_810 {offsets = [0, 0], sizes = [8, 12511], strides = [1, 1]} : vector<8x12512xf32> to vector<8x12511xf32>
    %concatenate3A_814 = tpu.concatenate %broadcast_in_dim3A_812, %slice3A_813 in 1 : vector<8x1xf32>, vector<8x12511xf32> -> vector<8x12512xf32>
    %add3A_815 = arith.addf %convert_element_type3A_810, %concatenate3A_814 : vector<8x12512xf32>
    %broadcast_in_dim3A_816 = arith.constant 0.000000e+00 : f32
    %broadcast_in_dim3A_817 = vector.broadcast %broadcast_in_dim3A_816 : f32 to vector<8x2xf32>
    %slice3A_818 = vector.extract_strided_slice %add3A_815 {offsets = [0, 0], sizes = [8, 12510], strides = [1, 1]} : vector<8x12512xf32> to vector<8x12510xf32>
    %concatenate3A_819 = tpu.concatenate %broadcast_in_dim3A_817, %slice3A_818 in 1 : vector<8x2xf32>, vector<8x12510xf32> -> vector<8x12512xf32>
    %add3A_820 = arith.addf %add3A_815, %concatenate3A_819 : vector<8x12512xf32>
    %broadcast_in_dim3A_821 = arith.constant 0.000000e+00 : f32
    %broadcast_in_dim3A_822 = vector.broadcast %broadcast_in_dim3A_821 : f32 to vector<8x4xf32>
    %slice3A_823 = vector.extract_strided_slice %add3A_820 {offsets = [0, 0], sizes = [8, 12508], strides = [1, 1]} : vector<8x12512xf32> to vector<8x12508xf32>
    %concatenate3A_824 = tpu.concatenate %broadcast_in_dim3A_822, %slice3A_823 in 1 : vector<8x4xf32>, vector<8x12508xf32> -> vector<8x12512xf32>
    %add3A_825 = arith.addf %add3A_820, %concatenate3A_824 : vector<8x12512xf32>
    %broadcast_in_dim3A_826 = arith.constant 0.000000e+00 : f32
    %broadcast_in_dim3A_827 = vector.broadcast %broadcast_in_dim3A_826 : f32 to vector<8x8xf32>
    %slice3A_828 = vector.extract_strided_slice %add3A_825 {offsets = [0, 0], sizes = [8, 12504], strides = [1, 1]} : vector<8x12512xf32> to vector<8x12504xf32>
    %concatenate3A_829 = tpu.concatenate %broadcast_in_dim3A_827, %slice3A_828 in 1 : vector<8x8xf32>, vector<8x12504xf32> -> vector<8x12512xf32>
    %add3A_830 = arith.addf %add3A_825, %concatenate3A_829 : vector<8x12512xf32>
    %broadcast_in_dim3A_831 = arith.constant 0.000000e+00 : f32
    %broadcast_in_dim3A_832 = vector.broadcast %broadcast_in_dim3A_831 : f32 to vector<8x16xf32>
    %slice3A_833 = vector.extract_strided_slice %add3A_830 {offsets = [0, 0], sizes = [8, 12496], strides = [1, 1]} : vector<8x12512xf32> to vector<8x12496xf32>
    %concatenate3A_834 = tpu.concatenate %broadcast_in_dim3A_832, %slice3A_833 in 1 : vector<8x16xf32>, vector<8x12496xf32> -> vector<8x12512xf32>
    %add3A_835 = arith.addf %add3A_830, %concatenate3A_834 : vector<8x12512xf32>
    %broadcast_in_dim3A_836 = arith.constant 0.000000e+00 : f32
    %broadcast_in_dim3A_837 = vector.broadcast %broadcast_in_dim3A_836 : f32 to vector<8x32xf32>
    %slice3A_838 = vector.extract_strided_slice %add3A_835 {offsets = [0, 0], sizes = [8, 12480], strides = [1, 1]} : vector<8x12512xf32> to vector<8x12480xf32>
    %concatenate3A_839 = tpu.concatenate %broadcast_in_dim3A_837, %slice3A_838 in 1 : vector<8x32xf32>, vector<8x12480xf32> -> vector<8x12512xf32>
    %add3A_840 = arith.addf %add3A_835, %concatenate3A_839 : vector<8x12512xf32>
    %broadcast_in_dim3A_841 = arith.constant 0.000000e+00 : f32
    %broadcast_in_dim3A_842 = vector.broadcast %broadcast_in_dim3A_841 : f32 to vector<8x64xf32>
    %slice3A_843 = vector.extract_strided_slice %add3A_840 {offsets = [0, 0], sizes = [8, 12448], strides = [1, 1]} : vector<8x12512xf32> to vector<8x12448xf32>
    %concatenate3A_844 = tpu.concatenate %broadcast_in_dim3A_842, %slice3A_843 in 1 : vector<8x64xf32>, vector<8x12448xf32> -> vector<8x12512xf32>
    %add3A_845 = arith.addf %add3A_840, %concatenate3A_844 : vector<8x12512xf32>
    %broadcast_in_dim3A_846 = arith.constant 0.000000e+00 : f32
    %broadcast_in_dim3A_847 = vector.broadcast %broadcast_in_dim3A_846 : f32 to vector<8x128xf32>
    %slice3A_848 = vector.extract_strided_slice %add3A_845 {offsets = [0, 0], sizes = [8, 12384], strides = [1, 1]} : vector<8x12512xf32> to vector<8x12384xf32>
    %concatenate3A_849 = tpu.concatenate %broadcast_in_dim3A_847, %slice3A_848 in 1 : vector<8x128xf32>, vector<8x12384xf32> -> vector<8x12512xf32>
    %add3A_850 = arith.addf %add3A_845, %concatenate3A_849 : vector<8x12512xf32>
    %broadcast_in_dim3A_851 = arith.constant 0.000000e+00 : f32
    %broadcast_in_dim3A_852 = vector.broadcast %broadcast_in_dim3A_851 : f32 to vector<8x256xf32>
    %slice3A_853 = vector.extract_strided_slice %add3A_850 {offsets = [0, 0], sizes = [8, 12256], strides = [1, 1]} : vector<8x12512xf32> to vector<8x12256xf32>
    %concatenate3A_854 = tpu.concatenate %broadcast_in_dim3A_852, %slice3A_853 in 1 : vector<8x256xf32>, vector<8x12256xf32> -> vector<8x12512xf32>
    %add3A_855 = arith.addf %add3A_850, %concatenate3A_854 : vector<8x12512xf32>
    %broadcast_in_dim3A_856 = arith.constant 0.000000e+00 : f32
    %broadcast_in_dim3A_857 = vector.broadcast %broadcast_in_dim3A_856 : f32 to vector<8x512xf32>
    %slice3A_858 = vector.extract_strided_slice %add3A_855 {offsets = [0, 0], sizes = [8, 12000], strides = [1, 1]} : vector<8x12512xf32> to vector<8x12000xf32>
    %concatenate3A_859 = tpu.concatenate %broadcast_in_dim3A_857, %slice3A_858 in 1 : vector<8x512xf32>, vector<8x12000xf32> -> vector<8x12512xf32>
    %add3A_860 = arith.addf %add3A_855, %concatenate3A_859 : vector<8x12512xf32>
    %broadcast_in_dim3A_861 = arith.constant 0.000000e+00 : f32
    %broadcast_in_dim3A_862 = vector.broadcast %broadcast_in_dim3A_861 : f32 to vector<8x1024xf32>
    %slice3A_863 = vector.extract_strided_slice %add3A_860 {offsets = [0, 0], sizes = [8, 11488], strides = [1, 1]} : vector<8x12512xf32> to vector<8x11488xf32>
    %concatenate3A_864 = tpu.concatenate %broadcast_in_dim3A_862, %slice3A_863 in 1 : vector<8x1024xf32>, vector<8x11488xf32> -> vector<8x12512xf32>
    %add3A_865 = arith.addf %add3A_860, %concatenate3A_864 : vector<8x12512xf32>
    %broadcast_in_dim3A_866 = arith.constant 0.000000e+00 : f32
    %broadcast_in_dim3A_867 = vector.broadcast %broadcast_in_dim3A_866 : f32 to vector<8x2048xf32>
    %slice3A_868 = vector.extract_strided_slice %add3A_865 {offsets = [0, 0], sizes = [8, 10464], strides = [1, 1]} : vector<8x12512xf32> to vector<8x10464xf32>
    %concatenate3A_869 = tpu.concatenate %broadcast_in_dim3A_867, %slice3A_868 in 1 : vector<8x2048xf32>, vector<8x10464xf32> -> vector<8x12512xf32>
    %add3A_870 = arith.addf %add3A_865, %concatenate3A_869 : vector<8x12512xf32>
    %broadcast_in_dim3A_871 = arith.constant 0.000000e+00 : f32
    %broadcast_in_dim3A_872 = vector.broadcast %broadcast_in_dim3A_871 : f32 to vector<8x4096xf32>
    %slice3A_873 = vector.extract_strided_slice %add3A_870 {offsets = [0, 0], sizes = [8, 8416], strides = [1, 1]} : vector<8x12512xf32> to vector<8x8416xf32>
    %concatenate3A_874 = tpu.concatenate %broadcast_in_dim3A_872, %slice3A_873 in 1 : vector<8x4096xf32>, vector<8x8416xf32> -> vector<8x12512xf32>
    %add3A_875 = arith.addf %add3A_870, %concatenate3A_874 : vector<8x12512xf32>
    %broadcast_in_dim3A_876 = arith.constant 0.000000e+00 : f32
    %broadcast_in_dim3A_877 = vector.broadcast %broadcast_in_dim3A_876 : f32 to vector<8x8192xf32>
    %slice3A_878 = vector.extract_strided_slice %add3A_875 {offsets = [0, 0], sizes = [8, 4320], strides = [1, 1]} : vector<8x12512xf32> to vector<8x4320xf32>
    %concatenate3A_879 = tpu.concatenate %broadcast_in_dim3A_877, %slice3A_878 in 1 : vector<8x8192xf32>, vector<8x4320xf32> -> vector<8x12512xf32>
    %add3A_880 = arith.addf %add3A_875, %concatenate3A_879 : vector<8x12512xf32>
    %slice3A_881 = vector.extract_strided_slice %add3A_880 {offsets = [0, 12511], sizes = [8, 1], strides = [1, 1]} : vector<8x12512xf32> to vector<8x1xf32>
    %broadcast_in_dim3A_882 = arith.constant 0.000000e+00 : f32
    %broadcast_in_dim3A_883 = vector.broadcast %broadcast_in_dim3A_882 : f32 to vector<1x1xf32>
    %slice3A_884 = vector.extract_strided_slice %slice3A_881 {offsets = [0, 0], sizes = [7, 1], strides = [1, 1]} : vector<8x1xf32> to vector<7x1xf32>
    %concatenate3A_885 = tpu.concatenate %broadcast_in_dim3A_883, %slice3A_884 in 0 : vector<1x1xf32>, vector<7x1xf32> -> vector<8x1xf32>
    %add3A_886 = arith.addf %slice3A_881, %concatenate3A_885 : vector<8x1xf32>
    %broadcast_in_dim3A_887 = arith.constant 0.000000e+00 : f32
    %broadcast_in_dim3A_888 = vector.broadcast %broadcast_in_dim3A_887 : f32 to vector<2x1xf32>
    %slice3A_889 = vector.extract_strided_slice %add3A_886 {offsets = [0, 0], sizes = [6, 1], strides = [1, 1]} : vector<8x1xf32> to vector<6x1xf32>
    %concatenate3A_890 = tpu.concatenate %broadcast_in_dim3A_888, %slice3A_889 in 0 : vector<2x1xf32>, vector<6x1xf32> -> vector<8x1xf32>
    %add3A_891 = arith.addf %add3A_886, %concatenate3A_890 : vector<8x1xf32>
    %broadcast_in_dim3A_892 = arith.constant 0.000000e+00 : f32
    %broadcast_in_dim3A_893 = vector.broadcast %broadcast_in_dim3A_892 : f32 to vector<4x1xf32>
    %slice3A_894 = vector.extract_strided_slice %add3A_891 {offsets = [0, 0], sizes = [4, 1], strides = [1, 1]} : vector<8x1xf32> to vector<4x1xf32>
    %concatenate3A_895 = tpu.concatenate %broadcast_in_dim3A_893, %slice3A_894 in 0 : vector<4x1xf32>, vector<4x1xf32> -> vector<8x1xf32>
    %add3A_896 = arith.addf %add3A_891, %concatenate3A_895 : vector<8x1xf32>
    %sub3A_897 = arith.subf %add3A_896, %slice3A_881 : vector<8x1xf32>
    %add3A_898 = vector.broadcast %sub3A_897 : vector<8x1xf32> to vector<8x12512xf32>
    %add3A_899 = arith.addf %add3A_880, %add3A_898 : vector<8x12512xf32>
    %sub3A_900 = arith.subf %add3A_899, %convert_element_type3A_810 : vector<8x12512xf32>
    %slice3A_901 = vector.extract_strided_slice %sub3A_897 {offsets = [7, 0], sizes = [1, 1], strides = [1, 1]} : vector<8x1xf32> to vector<1x1xf32>
    %squeeze3A_902 = vector.extract %slice3A_901[0, 0] : f32 from vector<1x1xf32>
    %slice3A_903 = vector.extract_strided_slice %slice3A_881 {offsets = [7, 0], sizes = [1, 1], strides = [1, 1]} : vector<8x1xf32> to vector<1x1xf32>
    %squeeze3A_904 = vector.extract %slice3A_903[0, 0] : f32 from vector<1x1xf32>
    %add3A_905 = arith.addf %squeeze3A_902, %squeeze3A_904 : f32
    %convert_element_type3A_906 = arith.fptosi %add3A_905 : f32 to i32
    %convert_element_type3A_907 = arith.fptosi %sub3A_900 : vector<8x12512xf32> to vector<8x12512xi32>
    %add3A_908 = vector.broadcast %add3A_805 : i32 to vector<8x12512xi32>
    %add3A_909 = arith.addi %add3A_908, %convert_element_type3A_907 : vector<8x12512xi32>
    %select_n3A_910 = arith.select %eq3A_808, %add3A_909, %select_n3A_774 : vector<8x12512xi1>, vector<8x12512xi32>
    %add3A_911 = arith.constant 512 : i32
    %add3A_912 = arith.addi %convert_element_type3A_906, %add3A_911 : i32
    %sub3A_913 = arith.constant 1 : i32
    %sub3A_914 = arith.subi %add3A_912, %sub3A_913 : i32
    %jit3A_915 = arith.constant 512 : i32
    %div3A_916 = arith.divsi %sub3A_914, %jit3A_915 : i32
    %sign3A_917 = arith.constant 0 : i32
    %sign3A_918 = arith.cmpi sgt, %sub3A_914, %sign3A_917 : i32
    %sign3A_919 = arith.extui %sign3A_918 : i1 to i32
    %sign3A_920 = arith.constant 0 : i32
    %sign3A_921 = arith.cmpi slt, %sub3A_914, %sign3A_920 : i32
    %sign3A_922 = arith.extui %sign3A_921 : i1 to i32
    %sign3A_923 = arith.subi %sign3A_919, %sign3A_922 : i32
    %sign3A_924 = arith.constant 0 : i32
    %sign3A_925 = arith.cmpi sgt, %jit3A_915, %sign3A_924 : i32
    %sign3A_926 = arith.extui %sign3A_925 : i1 to i32
    %sign3A_927 = arith.constant 0 : i32
    %sign3A_928 = arith.cmpi slt, %jit3A_915, %sign3A_927 : i32
    %sign3A_929 = arith.extui %sign3A_928 : i1 to i32
    %sign3A_930 = arith.subi %sign3A_926, %sign3A_929 : i32
    %ne3A_931 = arith.cmpi ne, %sign3A_923, %sign3A_930 : i32
    %rem3A_932 = arith.remsi %sub3A_914, %jit3A_915 : i32
    %ne3A_933 = arith.constant 0 : i32
    %ne3A_934 = arith.cmpi ne, %rem3A_932, %ne3A_933 : i32
    %and3A_935 = arith.andi %ne3A_931, %ne3A_934 : i1
    %sub3A_936 = arith.constant 1 : i32
    %sub3A_937 = arith.subi %div3A_916, %sub3A_936 : i32
    %select_n3A_938 = arith.select %and3A_935, %sub3A_937, %div3A_916 : i32
    %mul3A_939 = arith.constant 512 : i32
    %mul3A_940 = arith.muli %select_n3A_938, %mul3A_939 : i32
    %add3A_941 = arith.addi %add3A_805, %mul3A_940 : i32
    %eq3A_942 = arith.constant 7 : i32
    %eq3A_943 = vector.broadcast %eq3A_942 : i32 to vector<8x12512xi32>
    %eq3A_944 = arith.cmpi eq, %get3A_1, %eq3A_943 : vector<8x12512xi32>
    %convert_element_type3A_945 = arith.extui %eq3A_944 : vector<8x12512xi1> to vector<8x12512xi32>
    %convert_element_type3A_946 = arith.sitofp %convert_element_type3A_945 : vector<8x12512xi32> to vector<8x12512xf32>
    %broadcast_in_dim3A_947 = arith.constant 0.000000e+00 : f32
    %broadcast_in_dim3A_948 = vector.broadcast %broadcast_in_dim3A_947 : f32 to vector<8x1xf32>
    %slice3A_949 = vector.extract_strided_slice %convert_element_type3A_946 {offsets = [0, 0], sizes = [8, 12511], strides = [1, 1]} : vector<8x12512xf32> to vector<8x12511xf32>
    %concatenate3A_950 = tpu.concatenate %broadcast_in_dim3A_948, %slice3A_949 in 1 : vector<8x1xf32>, vector<8x12511xf32> -> vector<8x12512xf32>
    %add3A_951 = arith.addf %convert_element_type3A_946, %concatenate3A_950 : vector<8x12512xf32>
    %broadcast_in_dim3A_952 = arith.constant 0.000000e+00 : f32
    %broadcast_in_dim3A_953 = vector.broadcast %broadcast_in_dim3A_952 : f32 to vector<8x2xf32>
    %slice3A_954 = vector.extract_strided_slice %add3A_951 {offsets = [0, 0], sizes = [8, 12510], strides = [1, 1]} : vector<8x12512xf32> to vector<8x12510xf32>
    %concatenate3A_955 = tpu.concatenate %broadcast_in_dim3A_953, %slice3A_954 in 1 : vector<8x2xf32>, vector<8x12510xf32> -> vector<8x12512xf32>
    %add3A_956 = arith.addf %add3A_951, %concatenate3A_955 : vector<8x12512xf32>
    %broadcast_in_dim3A_957 = arith.constant 0.000000e+00 : f32
    %broadcast_in_dim3A_958 = vector.broadcast %broadcast_in_dim3A_957 : f32 to vector<8x4xf32>
    %slice3A_959 = vector.extract_strided_slice %add3A_956 {offsets = [0, 0], sizes = [8, 12508], strides = [1, 1]} : vector<8x12512xf32> to vector<8x12508xf32>
    %concatenate3A_960 = tpu.concatenate %broadcast_in_dim3A_958, %slice3A_959 in 1 : vector<8x4xf32>, vector<8x12508xf32> -> vector<8x12512xf32>
    %add3A_961 = arith.addf %add3A_956, %concatenate3A_960 : vector<8x12512xf32>
    %broadcast_in_dim3A_962 = arith.constant 0.000000e+00 : f32
    %broadcast_in_dim3A_963 = vector.broadcast %broadcast_in_dim3A_962 : f32 to vector<8x8xf32>
    %slice3A_964 = vector.extract_strided_slice %add3A_961 {offsets = [0, 0], sizes = [8, 12504], strides = [1, 1]} : vector<8x12512xf32> to vector<8x12504xf32>
    %concatenate3A_965 = tpu.concatenate %broadcast_in_dim3A_963, %slice3A_964 in 1 : vector<8x8xf32>, vector<8x12504xf32> -> vector<8x12512xf32>
    %add3A_966 = arith.addf %add3A_961, %concatenate3A_965 : vector<8x12512xf32>
    %broadcast_in_dim3A_967 = arith.constant 0.000000e+00 : f32
    %broadcast_in_dim3A_968 = vector.broadcast %broadcast_in_dim3A_967 : f32 to vector<8x16xf32>
    %slice3A_969 = vector.extract_strided_slice %add3A_966 {offsets = [0, 0], sizes = [8, 12496], strides = [1, 1]} : vector<8x12512xf32> to vector<8x12496xf32>
    %concatenate3A_970 = tpu.concatenate %broadcast_in_dim3A_968, %slice3A_969 in 1 : vector<8x16xf32>, vector<8x12496xf32> -> vector<8x12512xf32>
    %add3A_971 = arith.addf %add3A_966, %concatenate3A_970 : vector<8x12512xf32>
    %broadcast_in_dim3A_972 = arith.constant 0.000000e+00 : f32
    %broadcast_in_dim3A_973 = vector.broadcast %broadcast_in_dim3A_972 : f32 to vector<8x32xf32>
    %slice3A_974 = vector.extract_strided_slice %add3A_971 {offsets = [0, 0], sizes = [8, 12480], strides = [1, 1]} : vector<8x12512xf32> to vector<8x12480xf32>
    %concatenate3A_975 = tpu.concatenate %broadcast_in_dim3A_973, %slice3A_974 in 1 : vector<8x32xf32>, vector<8x12480xf32> -> vector<8x12512xf32>
    %add3A_976 = arith.addf %add3A_971, %concatenate3A_975 : vector<8x12512xf32>
    %broadcast_in_dim3A_977 = arith.constant 0.000000e+00 : f32
    %broadcast_in_dim3A_978 = vector.broadcast %broadcast_in_dim3A_977 : f32 to vector<8x64xf32>
    %slice3A_979 = vector.extract_strided_slice %add3A_976 {offsets = [0, 0], sizes = [8, 12448], strides = [1, 1]} : vector<8x12512xf32> to vector<8x12448xf32>
    %concatenate3A_980 = tpu.concatenate %broadcast_in_dim3A_978, %slice3A_979 in 1 : vector<8x64xf32>, vector<8x12448xf32> -> vector<8x12512xf32>
    %add3A_981 = arith.addf %add3A_976, %concatenate3A_980 : vector<8x12512xf32>
    %broadcast_in_dim3A_982 = arith.constant 0.000000e+00 : f32
    %broadcast_in_dim3A_983 = vector.broadcast %broadcast_in_dim3A_982 : f32 to vector<8x128xf32>
    %slice3A_984 = vector.extract_strided_slice %add3A_981 {offsets = [0, 0], sizes = [8, 12384], strides = [1, 1]} : vector<8x12512xf32> to vector<8x12384xf32>
    %concatenate3A_985 = tpu.concatenate %broadcast_in_dim3A_983, %slice3A_984 in 1 : vector<8x128xf32>, vector<8x12384xf32> -> vector<8x12512xf32>
    %add3A_986 = arith.addf %add3A_981, %concatenate3A_985 : vector<8x12512xf32>
    %broadcast_in_dim3A_987 = arith.constant 0.000000e+00 : f32
    %broadcast_in_dim3A_988 = vector.broadcast %broadcast_in_dim3A_987 : f32 to vector<8x256xf32>
    %slice3A_989 = vector.extract_strided_slice %add3A_986 {offsets = [0, 0], sizes = [8, 12256], strides = [1, 1]} : vector<8x12512xf32> to vector<8x12256xf32>
    %concatenate3A_990 = tpu.concatenate %broadcast_in_dim3A_988, %slice3A_989 in 1 : vector<8x256xf32>, vector<8x12256xf32> -> vector<8x12512xf32>
    %add3A_991 = arith.addf %add3A_986, %concatenate3A_990 : vector<8x12512xf32>
    %broadcast_in_dim3A_992 = arith.constant 0.000000e+00 : f32
    %broadcast_in_dim3A_993 = vector.broadcast %broadcast_in_dim3A_992 : f32 to vector<8x512xf32>
    %slice3A_994 = vector.extract_strided_slice %add3A_991 {offsets = [0, 0], sizes = [8, 12000], strides = [1, 1]} : vector<8x12512xf32> to vector<8x12000xf32>
    %concatenate3A_995 = tpu.concatenate %broadcast_in_dim3A_993, %slice3A_994 in 1 : vector<8x512xf32>, vector<8x12000xf32> -> vector<8x12512xf32>
    %add3A_996 = arith.addf %add3A_991, %concatenate3A_995 : vector<8x12512xf32>
    %broadcast_in_dim3A_997 = arith.constant 0.000000e+00 : f32
    %broadcast_in_dim3A_998 = vector.broadcast %broadcast_in_dim3A_997 : f32 to vector<8x1024xf32>
    %slice3A_999 = vector.extract_strided_slice %add3A_996 {offsets = [0, 0], sizes = [8, 11488], strides = [1, 1]} : vector<8x12512xf32> to vector<8x11488xf32>
    %concatenate3A_1000 = tpu.concatenate %broadcast_in_dim3A_998, %slice3A_999 in 1 : vector<8x1024xf32>, vector<8x11488xf32> -> vector<8x12512xf32>
    %add3A_1001 = arith.addf %add3A_996, %concatenate3A_1000 : vector<8x12512xf32>
    %broadcast_in_dim3A_1002 = arith.constant 0.000000e+00 : f32
    %broadcast_in_dim3A_1003 = vector.broadcast %broadcast_in_dim3A_1002 : f32 to vector<8x2048xf32>
    %slice3A_1004 = vector.extract_strided_slice %add3A_1001 {offsets = [0, 0], sizes = [8, 10464], strides = [1, 1]} : vector<8x12512xf32> to vector<8x10464xf32>
    %concatenate3A_1005 = tpu.concatenate %broadcast_in_dim3A_1003, %slice3A_1004 in 1 : vector<8x2048xf32>, vector<8x10464xf32> -> vector<8x12512xf32>
    %add3A_1006 = arith.addf %add3A_1001, %concatenate3A_1005 : vector<8x12512xf32>
    %broadcast_in_dim3A_1007 = arith.constant 0.000000e+00 : f32
    %broadcast_in_dim3A_1008 = vector.broadcast %broadcast_in_dim3A_1007 : f32 to vector<8x4096xf32>
    %slice3A_1009 = vector.extract_strided_slice %add3A_1006 {offsets = [0, 0], sizes = [8, 8416], strides = [1, 1]} : vector<8x12512xf32> to vector<8x8416xf32>
    %concatenate3A_1010 = tpu.concatenate %broadcast_in_dim3A_1008, %slice3A_1009 in 1 : vector<8x4096xf32>, vector<8x8416xf32> -> vector<8x12512xf32>
    %add3A_1011 = arith.addf %add3A_1006, %concatenate3A_1010 : vector<8x12512xf32>
    %broadcast_in_dim3A_1012 = arith.constant 0.000000e+00 : f32
    %broadcast_in_dim3A_1013 = vector.broadcast %broadcast_in_dim3A_1012 : f32 to vector<8x8192xf32>
    %slice3A_1014 = vector.extract_strided_slice %add3A_1011 {offsets = [0, 0], sizes = [8, 4320], strides = [1, 1]} : vector<8x12512xf32> to vector<8x4320xf32>
    %concatenate3A_1015 = tpu.concatenate %broadcast_in_dim3A_1013, %slice3A_1014 in 1 : vector<8x8192xf32>, vector<8x4320xf32> -> vector<8x12512xf32>
    %add3A_1016 = arith.addf %add3A_1011, %concatenate3A_1015 : vector<8x12512xf32>
    %slice3A_1017 = vector.extract_strided_slice %add3A_1016 {offsets = [0, 12511], sizes = [8, 1], strides = [1, 1]} : vector<8x12512xf32> to vector<8x1xf32>
    %broadcast_in_dim3A_1018 = arith.constant 0.000000e+00 : f32
    %broadcast_in_dim3A_1019 = vector.broadcast %broadcast_in_dim3A_1018 : f32 to vector<1x1xf32>
    %slice3A_1020 = vector.extract_strided_slice %slice3A_1017 {offsets = [0, 0], sizes = [7, 1], strides = [1, 1]} : vector<8x1xf32> to vector<7x1xf32>
    %concatenate3A_1021 = tpu.concatenate %broadcast_in_dim3A_1019, %slice3A_1020 in 0 : vector<1x1xf32>, vector<7x1xf32> -> vector<8x1xf32>
    %add3A_1022 = arith.addf %slice3A_1017, %concatenate3A_1021 : vector<8x1xf32>
    %broadcast_in_dim3A_1023 = arith.constant 0.000000e+00 : f32
    %broadcast_in_dim3A_1024 = vector.broadcast %broadcast_in_dim3A_1023 : f32 to vector<2x1xf32>
    %slice3A_1025 = vector.extract_strided_slice %add3A_1022 {offsets = [0, 0], sizes = [6, 1], strides = [1, 1]} : vector<8x1xf32> to vector<6x1xf32>
    %concatenate3A_1026 = tpu.concatenate %broadcast_in_dim3A_1024, %slice3A_1025 in 0 : vector<2x1xf32>, vector<6x1xf32> -> vector<8x1xf32>
    %add3A_1027 = arith.addf %add3A_1022, %concatenate3A_1026 : vector<8x1xf32>
    %broadcast_in_dim3A_1028 = arith.constant 0.000000e+00 : f32
    %broadcast_in_dim3A_1029 = vector.broadcast %broadcast_in_dim3A_1028 : f32 to vector<4x1xf32>
    %slice3A_1030 = vector.extract_strided_slice %add3A_1027 {offsets = [0, 0], sizes = [4, 1], strides = [1, 1]} : vector<8x1xf32> to vector<4x1xf32>
    %concatenate3A_1031 = tpu.concatenate %broadcast_in_dim3A_1029, %slice3A_1030 in 0 : vector<4x1xf32>, vector<4x1xf32> -> vector<8x1xf32>
    %add3A_1032 = arith.addf %add3A_1027, %concatenate3A_1031 : vector<8x1xf32>
    %sub3A_1033 = arith.subf %add3A_1032, %slice3A_1017 : vector<8x1xf32>
    %add3A_1034 = vector.broadcast %sub3A_1033 : vector<8x1xf32> to vector<8x12512xf32>
    %add3A_1035 = arith.addf %add3A_1016, %add3A_1034 : vector<8x12512xf32>
    %sub3A_1036 = arith.subf %add3A_1035, %convert_element_type3A_946 : vector<8x12512xf32>
    %convert_element_type3A_1037 = arith.fptosi %sub3A_1036 : vector<8x12512xf32> to vector<8x12512xi32>
    %add3A_1038 = vector.broadcast %add3A_941 : i32 to vector<8x12512xi32>
    %add3A_1039 = arith.addi %add3A_1038, %convert_element_type3A_1037 : vector<8x12512xi32>
    %select_n3A_1040 = arith.select %eq3A_944, %add3A_1039, %select_n3A_910 : vector<8x12512xi1>, vector<8x12512xi32>
    %swap3A = arith.constant 0 : index
    %swap3A_1041 = arith.constant 0 : index
    %swap3A_1042 = vector.load %arg1[%swap3A, %swap3A_1041] : memref<8x12512xi32, #tpu.memory_space<vmem>>, vector<8x12512xi32>
    tpu.vector_store %arg1[%swap3A, %swap3A_1041], %select_n3A_1040 {strides = array<i32>} : memref<8x12512xi32, #tpu.memory_space<vmem>>, vector<8x12512xi32>,
    %iota3A = tpu.iota {dimensions = array<i32: 1>} : vector<1x512xi32>
    %mul3A_1043 = arith.constant 512 : i32
    %mul3A_1044 = vector.broadcast %mul3A_1043 : i32 to vector<1x512xi32>
    %mul3A_1045 = arith.muli %iota3A, %mul3A_1044 : vector<1x512xi32>
    %broadcast_in_dim3A_1046 = arith.constant 0 : i32
    %broadcast_in_dim3A_1047 = vector.broadcast %broadcast_in_dim3A_1046 : i32 to vector<1x512xi32>
    %ge3A = vector.broadcast %add3A_125 : i32 to vector<1x512xi32>
    %ge3A_1048 = arith.cmpi sge, %mul3A_1045, %ge3A : vector<1x512xi32>
    %convert_element_type3A_1049 = arith.extui %ge3A_1048 : vector<1x512xi1> to vector<1x512xi32>
    %add3A_1050 = arith.addi %broadcast_in_dim3A_1047, %convert_element_type3A_1049 : vector<1x512xi32>
    %ge3A_1051 = vector.broadcast %add3A_261 : i32 to vector<1x512xi32>
    %ge3A_1052 = arith.cmpi sge, %mul3A_1045, %ge3A_1051 : vector<1x512xi32>
    %convert_element_type3A_1053 = arith.extui %ge3A_1052 : vector<1x512xi1> to vector<1x512xi32>
    %add3A_1054 = arith.addi %add3A_1050, %convert_element_type3A_1053 : vector<1x512xi32>
    %ge3A_1055 = vector.broadcast %add3A_397 : i32 to vector<1x512xi32>
    %ge3A_1056 = arith.cmpi sge, %mul3A_1045, %ge3A_1055 : vector<1x512xi32>
    %convert_element_type3A_1057 = arith.extui %ge3A_1056 : vector<1x512xi1> to vector<1x512xi32>
    %add3A_1058 = arith.addi %add3A_1054, %convert_element_type3A_1057 : vector<1x512xi32>
    %ge3A_1059 = vector.broadcast %add3A_533 : i32 to vector<1x512xi32>
    %ge3A_1060 = arith.cmpi sge, %mul3A_1045, %ge3A_1059 : vector<1x512xi32>
    %convert_element_type3A_1061 = arith.extui %ge3A_1060 : vector<1x512xi1> to vector<1x512xi32>
    %add3A_1062 = arith.addi %add3A_1058, %convert_element_type3A_1061 : vector<1x512xi32>
    %ge3A_1063 = vector.broadcast %add3A_669 : i32 to vector<1x512xi32>
    %ge3A_1064 = arith.cmpi sge, %mul3A_1045, %ge3A_1063 : vector<1x512xi32>
    %convert_element_type3A_1065 = arith.extui %ge3A_1064 : vector<1x512xi1> to vector<1x512xi32>
    %add3A_1066 = arith.addi %add3A_1062, %convert_element_type3A_1065 : vector<1x512xi32>
    %ge3A_1067 = vector.broadcast %add3A_805 : i32 to vector<1x512xi32>
    %ge3A_1068 = arith.cmpi sge, %mul3A_1045, %ge3A_1067 : vector<1x512xi32>
    %convert_element_type3A_1069 = arith.extui %ge3A_1068 : vector<1x512xi1> to vector<1x512xi32>
    %add3A_1070 = arith.addi %add3A_1066, %convert_element_type3A_1069 : vector<1x512xi32>
    %ge3A_1071 = vector.broadcast %add3A_941 : i32 to vector<1x512xi32>
    %ge3A_1072 = arith.cmpi sge, %mul3A_1045, %ge3A_1071 : vector<1x512xi32>
    %convert_element_type3A_1073 = arith.extui %ge3A_1072 : vector<1x512xi1> to vector<1x512xi32>
    %add3A_1074 = arith.addi %add3A_1070, %convert_element_type3A_1073 : vector<1x512xi32>
    %swap3A_1075 = arith.constant 0 : index
    %swap3A_1076 = arith.constant 0 : index
    %swap3A_1077 = vector.load %arg2[%swap3A_1075, %swap3A_1076] : memref<1x512xi32, #tpu.memory_space<vmem>>, vector<1x512xi32>
    tpu.vector_store %arg2[%swap3A_1075, %swap3A_1076], %add3A_1074 {strides = array<i32>} : memref<1x512xi32, #tpu.memory_space<vmem>>, vector<1x512xi32>,
    return
  }
}

module attributes {stable_mosaic.version = 14 : i64} {
  func.func @_mlp_body(%arg0: i32, %arg1: memref<512xi32, #tpu.memory_space<smem>>, %arg2: memref<8xf32, #tpu.memory_space<smem>>, %arg3: memref<512x1024xf32, #tpu.memory_space<vmem>>, %arg4: memref<1x256x1024xbf16, #tpu.memory_space<vmem>>, %arg5: memref<1x1x256xf32, #tpu.memory_space<vmem>>, %arg6: memref<1x192x256xbf16, #tpu.memory_space<vmem>>, %arg7: memref<1x1x192xf32, #tpu.memory_space<vmem>>, %arg8: memref<1x160x192xbf16, #tpu.memory_space<vmem>>, %arg9: memref<1x1x160xf32, #tpu.memory_space<vmem>>, %arg10: memref<1x1x160xbf16, #tpu.memory_space<vmem>>, %arg11: memref<1x1x512xf32, #tpu.memory_space<vmem>>) attributes {dimension_semantics = [#tpu.dimension_semantics<arbitrary>], iteration_bounds = array<i64: 204>, scalar_prefetch = 2 : i64, scratch_operands = 0 : i64, tpu.core_type = #tpu.core_type<tc>, window_params = [{transform_indices = @transform_0, window_bounds = array<i64: 512, 1024>}, {transform_indices = @transform_1, window_bounds = array<i64: 1, 256, 1024>}, {transform_indices = @transform_2, window_bounds = array<i64: 1, 1, 256>}, {transform_indices = @transform_3, window_bounds = array<i64: 1, 192, 256>}, {transform_indices = @transform_4, window_bounds = array<i64: 1, 1, 192>}, {transform_indices = @transform_5, window_bounds = array<i64: 1, 160, 192>}, {transform_indices = @transform_6, window_bounds = array<i64: 1, 1, 160>}, {transform_indices = @transform_7, window_bounds = array<i64: 1, 1, 160>}, {transform_indices = @transform_8, window_bounds = array<i64: 1, 1, 512>}]} {
    %get3A = arith.constant 0 : index
    %get3A_0 = arith.constant 0 : index
    %get3A_1 = vector.load %arg3[%get3A, %get3A_0] : memref<512x1024xf32, #tpu.memory_space<vmem>>, vector<512x1024xf32>
    %convert_element_type3A = arith.truncf %get3A_1 : vector<512x1024xf32> to vector<512x1024xbf16>
    %get3A_2 = arith.constant 0 : index
    %get3A_3 = arith.constant 0 : index
    %get3A_4 = arith.constant 0 : index
    %get3A_5 = vector.load %arg4[%get3A_2, %get3A_3, %get3A_4] : memref<1x256x1024xbf16, #tpu.memory_space<vmem>>, vector<1x256x1024xbf16>
    %get3A_6 = vector.shape_cast %get3A_5 : vector<1x256x1024xbf16> to vector<256x1024xbf16>
    %dot_general3A = arith.constant dense<0.000000e+00> : vector<512x256xf32>
    %dot_general3A_7 = tpu.matmul %convert_element_type3A, %get3A_6, %dot_general3A {dimension_numbers = #tpu.dot_dimension_numbers<[1], [1], [0], [0], [0, 0, 1, 0], [], []>, transpose_lhs_hint = false} : vector<512x1024xbf16>, vector<256x1024xbf16>, vector<512x256xf32> -> vector<512x256xf32>
    %get3A_8 = arith.constant 0 : index
    %get3A_9 = arith.constant 0 : index
    %get3A_10 = arith.constant 0 : index
    %get3A_11 = vector.load %arg5[%get3A_8, %get3A_9, %get3A_10] : memref<1x1x256xf32, #tpu.memory_space<vmem>>, vector<1x1x256xf32>
    %get3A_12 = vector.shape_cast %get3A_11 : vector<1x1x256xf32> to vector<1x256xf32>
    %add3A = vector.broadcast %get3A_12 : vector<1x256xf32> to vector<512x256xf32>
    %add3A_13 = arith.addf %dot_general3A_7, %add3A : vector<512x256xf32>
    %gt3A = arith.constant 0.000000e+00 : f32
    %gt3A_14 = vector.broadcast %gt3A : f32 to vector<512x256xf32>
    %gt3A_15 = arith.cmpf ogt, %add3A_13, %gt3A_14 : vector<512x256xf32>
    %mul3A = arith.constant 1.000000e+01 : f32
    %mul3A_16 = vector.broadcast %mul3A : f32 to vector<512x256xf32>
    %mul3A_17 = arith.mulf %add3A_13, %mul3A_16 : vector<512x256xf32>
    %exp3A = math.exp %mul3A_17 : vector<512x256xf32>
    %sub3A = arith.constant 1.000000e+00 : f32
    %sub3A_18 = vector.broadcast %sub3A : f32 to vector<512x256xf32>
    %sub3A_19 = arith.subf %exp3A, %sub3A_18 : vector<512x256xf32>
    %mul3A_20 = arith.constant 1.000000e-01 : f32
    %mul3A_21 = vector.broadcast %mul3A_20 : f32 to vector<512x256xf32>
    %mul3A_22 = arith.mulf %mul3A_21, %sub3A_19 : vector<512x256xf32>
    %select_n3A = arith.select %gt3A_15, %add3A_13, %mul3A_22 : vector<512x256xi1>, vector<512x256xf32>
    %convert_element_type3A_23 = arith.truncf %select_n3A : vector<512x256xf32> to vector<512x256xbf16>
    %get3A_24 = arith.constant 0 : index
    %get3A_25 = arith.constant 0 : index
    %get3A_26 = arith.constant 0 : index
    %get3A_27 = vector.load %arg6[%get3A_24, %get3A_25, %get3A_26] : memref<1x192x256xbf16, #tpu.memory_space<vmem>>, vector<1x192x256xbf16>
    %get3A_28 = vector.shape_cast %get3A_27 : vector<1x192x256xbf16> to vector<192x256xbf16>
    %dot_general3A_29 = arith.constant dense<0.000000e+00> : vector<512x192xf32>
    %dot_general3A_30 = tpu.matmul %convert_element_type3A_23, %get3A_28, %dot_general3A_29 {dimension_numbers = #tpu.dot_dimension_numbers<[1], [1], [0], [0], [0, 0, 1, 0], [], []>, transpose_lhs_hint = false} : vector<512x256xbf16>, vector<192x256xbf16>, vector<512x192xf32> -> vector<512x192xf32>
    %get3A_31 = arith.constant 0 : index
    %get3A_32 = arith.constant 0 : index
    %get3A_33 = arith.constant 0 : index
    %get3A_34 = vector.load %arg7[%get3A_31, %get3A_32, %get3A_33] : memref<1x1x192xf32, #tpu.memory_space<vmem>>, vector<1x1x192xf32>
    %get3A_35 = vector.shape_cast %get3A_34 : vector<1x1x192xf32> to vector<1x192xf32>
    %add3A_36 = vector.broadcast %get3A_35 : vector<1x192xf32> to vector<512x192xf32>
    %add3A_37 = arith.addf %dot_general3A_30, %add3A_36 : vector<512x192xf32>
    %gt3A_38 = arith.constant 0.000000e+00 : f32
    %gt3A_39 = vector.broadcast %gt3A_38 : f32 to vector<512x192xf32>
    %gt3A_40 = arith.cmpf ogt, %add3A_37, %gt3A_39 : vector<512x192xf32>
    %mul3A_41 = arith.constant 1.000000e+01 : f32
    %mul3A_42 = vector.broadcast %mul3A_41 : f32 to vector<512x192xf32>
    %mul3A_43 = arith.mulf %add3A_37, %mul3A_42 : vector<512x192xf32>
    %exp3A_44 = math.exp %mul3A_43 : vector<512x192xf32>
    %sub3A_45 = arith.constant 1.000000e+00 : f32
    %sub3A_46 = vector.broadcast %sub3A_45 : f32 to vector<512x192xf32>
    %sub3A_47 = arith.subf %exp3A_44, %sub3A_46 : vector<512x192xf32>
    %mul3A_48 = arith.constant 1.000000e-01 : f32
    %mul3A_49 = vector.broadcast %mul3A_48 : f32 to vector<512x192xf32>
    %mul3A_50 = arith.mulf %mul3A_49, %sub3A_47 : vector<512x192xf32>
    %select_n3A_51 = arith.select %gt3A_40, %add3A_37, %mul3A_50 : vector<512x192xi1>, vector<512x192xf32>
    %convert_element_type3A_52 = arith.truncf %select_n3A_51 : vector<512x192xf32> to vector<512x192xbf16>
    %get3A_53 = arith.constant 0 : index
    %get3A_54 = arith.constant 0 : index
    %get3A_55 = arith.constant 0 : index
    %get3A_56 = vector.load %arg8[%get3A_53, %get3A_54, %get3A_55] : memref<1x160x192xbf16, #tpu.memory_space<vmem>>, vector<1x160x192xbf16>
    %get3A_57 = vector.shape_cast %get3A_56 : vector<1x160x192xbf16> to vector<160x192xbf16>
    %dot_general3A_58 = arith.constant dense<0.000000e+00> : vector<512x160xf32>
    %dot_general3A_59 = tpu.matmul %convert_element_type3A_52, %get3A_57, %dot_general3A_58 {dimension_numbers = #tpu.dot_dimension_numbers<[1], [1], [0], [0], [0, 0, 1, 0], [], []>, transpose_lhs_hint = false} : vector<512x192xbf16>, vector<160x192xbf16>, vector<512x160xf32> -> vector<512x160xf32>
    %get3A_60 = arith.constant 0 : index
    %get3A_61 = arith.constant 0 : index
    %get3A_62 = arith.constant 0 : index
    %get3A_63 = vector.load %arg9[%get3A_60, %get3A_61, %get3A_62] : memref<1x1x160xf32, #tpu.memory_space<vmem>>, vector<1x1x160xf32>
    %get3A_64 = vector.shape_cast %get3A_63 : vector<1x1x160xf32> to vector<1x160xf32>
    %add3A_65 = vector.broadcast %get3A_64 : vector<1x160xf32> to vector<512x160xf32>
    %add3A_66 = arith.addf %dot_general3A_59, %add3A_65 : vector<512x160xf32>
    %gt3A_67 = arith.constant 0.000000e+00 : f32
    %gt3A_68 = vector.broadcast %gt3A_67 : f32 to vector<512x160xf32>
    %gt3A_69 = arith.cmpf ogt, %add3A_66, %gt3A_68 : vector<512x160xf32>
    %mul3A_70 = arith.constant 1.000000e+01 : f32
    %mul3A_71 = vector.broadcast %mul3A_70 : f32 to vector<512x160xf32>
    %mul3A_72 = arith.mulf %add3A_66, %mul3A_71 : vector<512x160xf32>
    %exp3A_73 = math.exp %mul3A_72 : vector<512x160xf32>
    %sub3A_74 = arith.constant 1.000000e+00 : f32
    %sub3A_75 = vector.broadcast %sub3A_74 : f32 to vector<512x160xf32>
    %sub3A_76 = arith.subf %exp3A_73, %sub3A_75 : vector<512x160xf32>
    %mul3A_77 = arith.constant 1.000000e-01 : f32
    %mul3A_78 = vector.broadcast %mul3A_77 : f32 to vector<512x160xf32>
    %mul3A_79 = arith.mulf %mul3A_78, %sub3A_76 : vector<512x160xf32>
    %select_n3A_80 = arith.select %gt3A_69, %add3A_66, %mul3A_79 : vector<512x160xi1>, vector<512x160xf32>
    %convert_element_type3A_81 = arith.truncf %select_n3A_80 : vector<512x160xf32> to vector<512x160xbf16>
    %get3A_82 = arith.constant 0 : index
    %get3A_83 = arith.constant 0 : index
    %get3A_84 = arith.constant 0 : index
    %get3A_85 = vector.load %arg10[%get3A_82, %get3A_83, %get3A_84] : memref<1x1x160xbf16, #tpu.memory_space<vmem>>, vector<1x1x160xbf16>
    %get3A_86 = vector.shape_cast %get3A_85 : vector<1x1x160xbf16> to vector<1x160xbf16>
    %dot_general3A_87 = arith.constant dense<0.000000e+00> : vector<1x512xf32>
    %dot_general3A_88 = tpu.matmul %get3A_86, %convert_element_type3A_81, %dot_general3A_87 {dimension_numbers = #tpu.dot_dimension_numbers<[1], [1], [0], [0], [0, 0, 1, 0], [], []>, transpose_lhs_hint = false} : vector<1x160xbf16>, vector<512x160xbf16>, vector<1x512xf32> -> vector<1x512xf32>
    %get3A_89 = arith.index_cast %arg0 : i32 to index
    %get3A_90 = memref.load %arg1[%get3A_89] : memref<512xi32, #tpu.memory_space<smem>>
    %get3A_91 = arith.index_cast %get3A_90 : i32 to index
    %get3A_92 = memref.load %arg2[%get3A_91] : memref<8xf32, #tpu.memory_space<smem>>
    %add3A_93 = vector.broadcast %get3A_92 : f32 to vector<1x512xf32>
    %add3A_94 = arith.addf %dot_general3A_88, %add3A_93 : vector<1x512xf32>
    %reshape3A = vector.shape_cast %add3A_94 : vector<1x512xf32> to vector<1x1x512xf32>
    %swap3A = arith.constant 0 : index
    %swap3A_95 = arith.constant 0 : index
    %swap3A_96 = arith.constant 0 : index
    %swap3A_97 = vector.load %arg11[%swap3A, %swap3A_95, %swap3A_96] : memref<1x1x512xf32, #tpu.memory_space<vmem>>, vector<1x1x512xf32>
    tpu.vector_store %arg11[%swap3A, %swap3A_95, %swap3A_96], %reshape3A {strides = array<i32>} : memref<1x1x512xf32, #tpu.memory_space<vmem>>, vector<1x1x512xf32>,
    return
  }
  func.func @transform_0(%arg0: i32, %arg1: memref<512xi32, #tpu.memory_space<smem>>, %arg2: memref<8xf32, #tpu.memory_space<smem>>) -> (i32, i32) {
    %c0_i32 = arith.constant 0 : i32
    %c0_i32_0 = arith.constant 0 : i32
    return %arg0, %c0_i32 : i32, i32
  }
  func.func @transform_1(%arg0: i32, %arg1: memref<512xi32, #tpu.memory_space<smem>>, %arg2: memref<8xf32, #tpu.memory_space<smem>>) -> (i32, i32, i32) {
    %get3A = arith.index_cast %arg0 : i32 to index
    %get3A_0 = memref.load %arg1[%get3A] : memref<512xi32, #tpu.memory_space<smem>>
    %c0_i32 = arith.constant 0 : i32
    %c0_i32_1 = arith.constant 0 : i32
    %c0_i32_2 = arith.constant 0 : i32
    return %get3A_0, %c0_i32, %c0_i32_1 : i32, i32, i32
  }
  func.func @transform_2(%arg0: i32, %arg1: memref<512xi32, #tpu.memory_space<smem>>, %arg2: memref<8xf32, #tpu.memory_space<smem>>) -> (i32, i32, i32) {
    %get3A = arith.index_cast %arg0 : i32 to index
    %get3A_0 = memref.load %arg1[%get3A] : memref<512xi32, #tpu.memory_space<smem>>
    %c0_i32 = arith.constant 0 : i32
    %c0_i32_1 = arith.constant 0 : i32
    %c0_i32_2 = arith.constant 0 : i32
    return %get3A_0, %c0_i32, %c0_i32_1 : i32, i32, i32
  }
  func.func @transform_3(%arg0: i32, %arg1: memref<512xi32, #tpu.memory_space<smem>>, %arg2: memref<8xf32, #tpu.memory_space<smem>>) -> (i32, i32, i32) {
    %get3A = arith.index_cast %arg0 : i32 to index
    %get3A_0 = memref.load %arg1[%get3A] : memref<512xi32, #tpu.memory_space<smem>>
    %c0_i32 = arith.constant 0 : i32
    %c0_i32_1 = arith.constant 0 : i32
    %c0_i32_2 = arith.constant 0 : i32
    return %get3A_0, %c0_i32, %c0_i32_1 : i32, i32, i32
  }
  func.func @transform_4(%arg0: i32, %arg1: memref<512xi32, #tpu.memory_space<smem>>, %arg2: memref<8xf32, #tpu.memory_space<smem>>) -> (i32, i32, i32) {
    %get3A = arith.index_cast %arg0 : i32 to index
    %get3A_0 = memref.load %arg1[%get3A] : memref<512xi32, #tpu.memory_space<smem>>
    %c0_i32 = arith.constant 0 : i32
    %c0_i32_1 = arith.constant 0 : i32
    %c0_i32_2 = arith.constant 0 : i32
    return %get3A_0, %c0_i32, %c0_i32_1 : i32, i32, i32
  }
  func.func @transform_5(%arg0: i32, %arg1: memref<512xi32, #tpu.memory_space<smem>>, %arg2: memref<8xf32, #tpu.memory_space<smem>>) -> (i32, i32, i32) {
    %get3A = arith.index_cast %arg0 : i32 to index
    %get3A_0 = memref.load %arg1[%get3A] : memref<512xi32, #tpu.memory_space<smem>>
    %c0_i32 = arith.constant 0 : i32
    %c0_i32_1 = arith.constant 0 : i32
    %c0_i32_2 = arith.constant 0 : i32
    return %get3A_0, %c0_i32, %c0_i32_1 : i32, i32, i32
  }
  func.func @transform_6(%arg0: i32, %arg1: memref<512xi32, #tpu.memory_space<smem>>, %arg2: memref<8xf32, #tpu.memory_space<smem>>) -> (i32, i32, i32) {
    %get3A = arith.index_cast %arg0 : i32 to index
    %get3A_0 = memref.load %arg1[%get3A] : memref<512xi32, #tpu.memory_space<smem>>
    %c0_i32 = arith.constant 0 : i32
    %c0_i32_1 = arith.constant 0 : i32
    %c0_i32_2 = arith.constant 0 : i32
    return %get3A_0, %c0_i32, %c0_i32_1 : i32, i32, i32
  }
  func.func @transform_7(%arg0: i32, %arg1: memref<512xi32, #tpu.memory_space<smem>>, %arg2: memref<8xf32, #tpu.memory_space<smem>>) -> (i32, i32, i32) {
    %get3A = arith.index_cast %arg0 : i32 to index
    %get3A_0 = memref.load %arg1[%get3A] : memref<512xi32, #tpu.memory_space<smem>>
    %c0_i32 = arith.constant 0 : i32
    %c0_i32_1 = arith.constant 0 : i32
    %c0_i32_2 = arith.constant 0 : i32
    return %get3A_0, %c0_i32, %c0_i32_1 : i32, i32, i32
  }
  func.func @transform_8(%arg0: i32, %arg1: memref<512xi32, #tpu.memory_space<smem>>, %arg2: memref<8xf32, #tpu.memory_space<smem>>) -> (i32, i32, i32) {
    %c0_i32 = arith.constant 0 : i32
    %c0_i32_0 = arith.constant 0 : i32
    %c0_i32_1 = arith.constant 0 : i32
    return %arg0, %c0_i32, %c0_i32_0 : i32, i32, i32
  }
}

</mosaic_0001>

<sc_bundles>
// kernel: kernel.10.cloned.1.call-start
scs
__scs_entry_jumppad:
0x0: {  	(pc) =	sbr.rel $0x88, $3  }
0x1: {  	(tag) =	ssettag $0x0;
	lr =	simm.s32 $0x1  }
0x2: {  	[smem:$0x3F67] =	sst lr;
	_ =	strace $0xD0000000  }
0x3: {  	_ = 	snop  }
0x4: {  	_ = 	snop  }
0x5: {  	_ = 	snop  }
0x6: {  	_ = 	snop  }
0x7: {  	_ = 	snop  }
__scs_overlays_trampoline_lowered:
0x8: {  	[smem:$0x3F76] =	sst s0  }
0x9: {  	[smem:$0x3F77] =	sst s1  }
0xa: {  	[smem:$0x3F78] =	sst s2  }
0xb: {  	[smem:$0x3F79] =	sst s3  }
0xc: {  	[smem:$0x3F7A] =	sst s4  }
0xd: {  	[smem:$0x3F7B] =	sst s5  }
0xe: {  	[smem:$0x3F7C] =	sst s6  }
0xf: {  	[smem:$0x3F7D] =	sst s7  }
0x10: {  	[smem:$0x3F7E] =	sst s8  }
0x11: {  	[smem:$0x3F7F] =	sst s9;
	s0 =	simm.s32 @!p0 $0x0  }
0x12: {  	s1 =	sld [smem:$0x3F65];
	s0 =	simm.s32 @p0 $0x1  }
0x13: {  	[smem:$0x3F80] =	sst s0;
	s0 =	simm.s32 @!p1 $0x0  }
0x14: {  	s2 =	sld [smem:$0x3F64];
	s0 =	simm.s32 @p1 $0x1  }
0x15: {  	[smem:$0x3F81] =	sst s0;
	s0 =	simm.s32 @!p2 $0x0  }
0x16: {  	s3 =	sld [smem:$0x3FDB];
	s0 =	simm.s32 @p2 $0x1  }
0x17: {  	s4 =	simm.s32 $0x1BF5;
	[smem:$0x3F83] =	sst s0  }
0x18: {  	s0 =	sld [smem:$0x3F66];
	_ =	swait.ge [sflag:s4], $0x0  }
0x19: {  	s7 =	sld [smem:$0x3F67]  }
0x1a: {  	s8 =	sadd.s32 $0xFFFFE003, lr  }
0x1b: {  	s9 =	sadd.s32 $0xFFFFFEF7, lr;
	s5 =	simm.s32 $0xFFFFFFFF;
	p2 =	slt.u32 s8, $0xFFFFF086  }
0x1c: {  	p1 =	slt.u32 s9, $0xF7A;
	s5 =	simm.s32 @!p2 $0x0  }
0x1d: {  	s5 =	simm.s32 @p1 $0x1;
	p0 =	seq.s32 s7, s2  }
0x1e: {  	s7 =	smul.u32 @!p0 $0xF7A, s2;
	p2 =	seq.s32 @!p0 s5, $0x0  }
0x1f: {  	s9 =	smul.u32 $0xF7A, s1;
	s8 =	simm.s32 @!p0 $0x1BF5;
	p2 =	por !p2, p0  }
0x20: {  	[sflag:s8] =	ssyncset.s32 @!p0 $0xFFFFF086;
	s6 =	sadd.s32 @!p0 s3, s7;
	s7 =	simm.s32 @!p0 $0x108  }
0x21: {  	s3 =	sadd.s32 s3, s9;
	s6 =	sadd.s32 @!p0 $0x88, s6;
	s7 =	simm.s32 @p2 $0x1082  }
0x22: {  	[simem:s7], [sflag:s8] =	dma.local @!p0 [hbm:s6], $0xF7A  }
0x23: {  	s9 =	sor.u32 $0xD0000000, s2;
	s6 =	simm.s32 $0x108;
	_ =	swait.ge @!p0 [sflag:s8], $0x0  }
0x24: {  	s3 =	sadd.s32 $0x88, s3;
	s6 =	simm.s32 @!p1 $0x1082;
	[sflag:s4] =	ssyncset.s32 $0xFFFFF086  }
0x25: {  	[simem:s6], [sflag:s4] =	dma.local [hbm:s3], $0xF7A  }
0x26: {  	[smem:$0x3F67] =	sst s1;
	(tag) =	ssettag s2;
	_ =	strace s9  }
0x27: {  	s1 =	sld [smem:$0x3F77]  }
0x28: {  	s2 =	sld [smem:$0x3F78]  }
0x29: {  	s4 =	sld [smem:$0x3F7A]  }
0x2a: {  	p0 =	seq.s32 s5, $0x0;
	s5 =	sld [smem:$0x3F7B]  }
0x2b: {  	s6 =	sld [smem:$0x3F7C]  }
0x2c: {  	s7 =	sld [smem:$0x3F7D]  }
0x2d: {  	s3 =	simm.s32 $0x108;
	s8 =	sld [smem:$0x3F7E]  }
0x2e: {  	s3 =	simm.s32 @!p0 $0x1082;
	s9 =	sld [smem:$0x3F7F]  }
0x2f: {  	lr =	sadd.s32 s0, s3;
	s0 =	sld [smem:$0x3F76]  }
0x30: {  	s3 =	sld [smem:$0x3F79]  }
0x31: {  	[smem:$0x3F82] =	sst s10  }
0x32: {  	s10 =	sld [smem:$0x3F80];
	_ =	sdelay $0x3  }
0x33: {  	p0 =	seq.s32 s10, $0x1;
	s10 =	sld [smem:$0x3F82];
	_ =	sdelay $0x3  }
0x34: {  	[smem:$0x3F82] =	sst s10  }
0x35: {  	s10 =	sld [smem:$0x3F81];
	_ =	sdelay $0x3  }
0x36: {  	p1 =	seq.s32 s10, $0x1;
	s10 =	sld [smem:$0x3F82];
	_ =	sdelay $0x3  }
0x37: {  	[smem:$0x3F82] =	sst s10  }
0x38: {  	s10 =	sld [smem:$0x3F83]  }
0x39: {  	_ = 	snop;
	(pc) =	sbr.ind lr, $3  }
0x3a: {  	_ = 	snop  }
0x3b: {  	_ = 	snop  }
0x3c: {  	p2 =	seq.s32 s10, $0x1;
	s10 =	sld [smem:$0x3F82]  }
0x3d: {  	_ =	shalt  }
0x3e: {  	_ =	shalt  }
0x3f: {  	_ =	shalt  }
0x40: {  	_ =	shalt  }
0x41: {  	_ =	shalt  }
0x42: {  	_ =	shalt  }
0x43: {  	_ =	shalt  }
0x44: {  	_ =	shalt  }
0x45: {  	_ =	shalt  }
0x46: {  	_ =	shalt  }
0x47: {  	_ =	shalt  }
0x48: {  	_ =	shalt  }
0x49: {  	_ =	shalt  }
0x4a: {  	_ =	shalt  }
0x4b: {  	_ =	shalt  }
0x4c: {  	_ =	shalt  }
0x4d: {  	_ =	shalt  }
0x4e: {  	_ =	shalt  }
0x4f: {  	_ =	shalt  }
0x50: {  	_ =	shalt  }
0x51: {  	_ =	shalt  }
0x52: {  	_ =	shalt  }
0x53: {  	_ =	shalt  }
0x54: {  	_ =	shalt  }
0x55: {  	_ =	shalt  }
0x56: {  	_ =	shalt  }
0x57: {  	_ =	shalt  }
0x58: {  	_ =	shalt  }
0x59: {  	_ =	shalt  }
0x5a: {  	_ =	shalt  }
0x5b: {  	_ =	shalt  }
0x5c: {  	_ =	shalt  }
0x5d: {  	_ =	shalt  }
0x5e: {  	_ =	shalt  }
0x5f: {  	_ =	shalt  }
0x60: {  	_ =	shalt  }
0x61: {  	_ =	shalt  }
0x62: {  	_ =	shalt  }
0x63: {  	_ =	shalt  }
0x64: {  	_ =	shalt  }
0x65: {  	_ =	shalt  }
0x66: {  	_ =	shalt  }
0x67: {  	_ =	shalt  }
0x68: {  	_ =	shalt  }
0x69: {  	_ =	shalt  }
0x6a: {  	_ =	shalt  }
0x6b: {  	_ =	shalt  }
0x6c: {  	_ =	shalt  }
0x6d: {  	_ =	shalt  }
0x6e: {  	_ =	shalt  }
0x6f: {  	_ =	shalt  }
0x70: {  	_ =	shalt  }
0x71: {  	_ =	shalt  }
0x72: {  	_ =	shalt  }
0x73: {  	_ =	shalt  }
0x74: {  	_ =	shalt  }
0x75: {  	_ =	shalt  }
0x76: {  	_ =	shalt  }
0x77: {  	_ =	shalt  }
0x78: {  	_ =	shalt  }
0x79: {  	_ =	shalt  }
0x7a: {  	_ =	shalt  }
0x7b: {  	_ =	shalt  }
0x7c: {  	_ =	shalt  }
0x7d: {  	_ =	shalt  }
0x7e: {  	_ =	shalt  }
0x7f: {  	_ =	shalt  }
0x80: {  	_ =	shalt  }
0x81: {  	_ =	shalt  }
0x82: {  	_ =	shalt  }
0x83: {  	_ =	shalt  }
0x84: {  	_ =	shalt  }
0x85: {  	_ =	shalt  }
0x86: {  	_ =	shalt  }
0x87: {  	_ =	shalt  }
.Lfunc_end0:
.L_simem_size_0:
called_computation.1_lowered:
.L_overlay_start_0:
0x88: {  	s2 =	sld [smem:$0x3FD9]  }
0x89: {  	s3 =	sld [smem:$0x3FFE];
	_ =	sdelay $0x1  }
0x8a: {  	s1 =	srdreg.scid  }
0x8b: {  	s0 =	sand.u32 $0x1, s1  }
0x8c: {  	s16 =	sshll.u32 s0, $0xA;
	s2 =	sadd.s32 s3, s2  }
0x8d: {  	s2 =	sadd.s32 s2, s16  }
0x8e: {  	[smem:$0x3F8E] =	sst s2  }
0x8f: {  	_ = 	snop  }
0x90: {  	(tm) =	ssettm $0x1  }
0x91: {  	s17 =	sld [smem:$0x3FFB];
	_ =	sdelay $0x3  }
0x92: {  	_ =	strace s17  }
0x93: {  	s2 =	sld [smem:$0x3FFC];
	_ =	sdelay $0x3  }
0x94: {  	_ =	strace s2  }
0x95: {  	s2 =	sld [smem:$0x3FFD];
	_ =	sdelay $0x3  }
0x96: {  	_ =	strace s2  }
0x97: {  	_ =	strace $0x8FFFFFFF  }
0x98: {  	s18 =	sld [smem:$0x3FDB];
	_ =	sdelay $0x1  }
0x99: {  	s19 =	simm.s32 $_scs_section_size  }
0x9a: {  	s4 =	simm.s32 $_size__tile_overlayer_lowered;
	s5 =	simm.s32 $_tile_overlayer_lowered  }
0x9b: {  	s22 =	simm.s32 $0x1BFF;
	s21 =	sshll.u32 s5, $0x1;
	s2 =	sadd.s32 s19, s18  }
0x9c: {  	s6 =	simm.s32 $0x0;
	s20 =	sshll.u32 s4, $0x1;
	s4 =	sadd.s32 s21, s2  }
0x9d: {  	[timem:s6], [sflag:s22] =	dma.local [hbm:s4], s20  }
0x9e: {  	_ =	swait.ge [sflag:s22], s20  }
0x9f: {  	s3 =	ssub.s32 $0x0, s20;
	[sflag:s22] =	ssyncset.done $0x0  }
0xa0: {  	[sflag:s22] =	ssyncadd.s32 s3;
	_ =	sdelay $0x1  }
0xa1: {  	s23 =	simm.s32 $0x1B8B  }
0xa2: {  	_ =	swait.ge [sflag:s23], $0x1  }
0xa3: {  	[sflag:s23] =	ssyncset.done $0x0  }
0xa4: {  	s25 =	simm.s32 $0x1B8E;
	s24 =	sld [smem:$0x3FFE];
	[sflag:s23] =	ssyncadd.s32 $0xFFFFFFFF  }
0xa5: {  	s26 =	simm.s32 $execute0_lowered;
	[smem:$0x3FD2] =	sst s25  }
0xa6: {  	s4 =	sshll.u32 s26, $0x1;
	_ =	strace $0x8000004F;
	[dreg:$0x1] =	wrdreg $0xFFFFFFFF  }
0xa7: {  	s28 =	simm.s32 $_size_execute0_lowered;
	s2 =	sadd.s32 s2, s4;
	[dreg:$0x0] =	wrdreg $0x0  }
0xa8: {  	s4 =	sshll.u32 s28, $0x1;
	[dreg:$0x2] =	wrdreg s2  }
0xa9: {  	[dreg:$0x3] =	wrdreg s4  }
0xaa: {  	[dreg:$0x4] =	wrdreg $0xC0  }
0xab: {  	_ =	task [dreg:s6], $0x5FFFF  }
0xac: {  	[dreg:$0x1] =	wrdreg $0xFFFFFFFF  }
0xad: {  	[dreg:$0x0] =	wrdreg $0x60  }
0xae: {  	[dreg:$0x2] =	wrdreg s24  }
0xaf: {  	[dreg:$0x3] =	wrdreg $0x9  }
0xb0: {  	_ =	task.clear_ibuf [dreg:s6], $0x4FFFF;
	_ =	strace $0x9000004F  }
0xb1: {  	s29 =	simm.s32 $0x9;
	_ =	strace $0x80000051  }
0xb2: {  	_ =	swait.ge [sflag:s29], $0x1  }
0xb3: {  	[sflag:s29] =	ssyncadd.s32 $0xFFFFFFFF  }
0xb4: {  	_ =	strace $0x90000051  }
0xb5: {  	_ =	sfence  }
0xb6: {  	s30 =	sld [smem:$0x0];
	_ =	sdelay $0x2  }
0xb7: {  	s31 =	sshll.u32 s1, $0xD;
	s1 =	sshrl.u32 s1, $0x2  }
0xb8: {  	s3 =	sand.u32 $0x4000, s31;
	s1 =	sadd.s32 s1, s30  }
0xb9: {  	s0 =	sor.u32 s3, s0;
	s1 =	sshll.u32 s1, $0x11  }
0xba: {  	s0 =	sor.u32 s1, s0  }
0xbb: {  	s0 =	sadd.s32 $0x8F2B, s0  }
0xbc: {  	[sflag:s0] =	ssyncadd.remote.s32 $0x1  }
0xbd: {  	_ =	sfence.sel $0xFFFF  }
0xbe: {  	[dreg:$0x0] =	wrdreg $0xFFFFFFFF;
	(pc) =	sbr.abs _section_cstart, $3  }
0xbf: {  	[dreg:$0x1] =	wrdreg $0xFFFFFFFF  }
0xc0: {  	_ =	task.clear_ibuf [dreg:s6], $0x2FFFF;
	_ =	strace $0x9FFFFFFF  }
0xc1: {  	(tm) =	ssettm $0x7FFFFFFF  }
tec
execute0_lowered:
.L_overlay_start_1:
0x0: {  	(tag) =	ssettag $0x1  }
0x1: {  	s0 =	srdreg.scid;
	s4 =	rddreg [dreg:$0x0]  }
0x2: {  	s2 =	simm.s32 $0x0;
	s8 =	simm.s32 $0x19800;
	s3 =	sand.u32 $0x1, s0  }
0x3: {  	s9 =	simm.s32 $0x1A500;
	s0 =	stileid.u32;
	s1 =	sshll.u32 s3, $0x4  }
0x4: {  	s10 =	simm.s32 $0x0;
	[smem:$0x7FF] =	sst s2;
	s5 =	sor.u32 s0, s1  }
0x5: {  	s6 =	ssub.s32 $0x2, s3;
	s3 =	sadd.s32 $0x5C00, s4;
	s5 =	smul.u32 $0x198, s5  }
0x6: {  	s1 =	rddreg [dreg:$0x1];
	_ =	strace $0x80000050;
	s7 =	sshrl.u32 s6, $0x1  }
0x7: {  	s6 =	ssub.s32 s6, s7;
	s7 =	simm.s32 $0x1;
	s5 =	sadd.s32 s5, s4  }
0x8: {  	s6 =	smax.u32 s6, $0x1;
	s4 =	sadd.s32 $0x1905A00, s5;
	s5 =	sadd.s32 $0x9000, s5  }
.LBB2_1:
0x9: {  	[tilespmem:s2], [sflag:$0x1] =	stream.linear.gather [hbm4b:s3+s2], $0x19800, $0x38;
	[tilespmem:$0x1B200] =	vst v63  }
0xa: {  	_ =	swait.ge [sflag:s7], $0x19800  }
0xb: {  	[sflag:s7] =	ssyncset.done $0x0  }
0xc: {  	[sflag:s7] =	ssyncadd.s32 $0xFFFE6800  }
0xd: {  	[tilespmem:s8], [sflag:$0x1] =	stream.linear.gather [hbm4b:s4+s2], $0xCC0, $0x38;
	[tilespmem:$0x1B200] =	vst v63  }
0xe: {  	_ =	swait.ge [sflag:s7], $0xCC0  }
0xf: {  	[sflag:s7] =	ssyncset.done $0x0  }
0x10: {  	s11 =	simm.s32 $0x0;
	[sflag:s7] =	ssyncadd.s32 $0xFFFFF340  }
0x11: {  	v0 =	vld [tilespmem:s11+$0x19800];
	_ =	sdelay $0x7  }
0x12: {  	s12 =	simm.s32 $0x10;
	s13 =	simm.s32 $0x80;
	v0 =	vld.idx.msk [tilespmem:v0+s2+$0x0], $0xffff  }
.LBB2_2:
0x13: {  	p0 =	sne.s32 s13, $0x32C0;
	v1 =	vld [tilespmem:s12+$0x19800];
	_ =	sdelay $0x3  }
.Ltmp0:
0x14: {  	(pc) =	sbr.rel @p0 .LBB2_2-.Ltmp0, $2  }
0x15: {  	[tilespmem:s11+$0x1A500] =	vst v0;
	s11 =	smov.u32 s12;
	_ =	sdelay $0x2  }
0x16: {  	s12 =	sshra.s32 s13, $0x2;
	s13 =	sadd.s32 $0x40, s13;
	v0 =	vld.idx.msk [tilespmem:v1+s2+$0x0], $0xffff  }
0x17: {  	v1 =	vld [tilespmem:s12+$0x19800];
	_ =	sdelay $0x6  }
0x18: {  	[tilespmem:s11+$0x1A500] =	vst v0  }
0x19: {  	v0 =	vld.idx.msk [tilespmem:v1+s2+$0x0], $0xffff;
	_ =	sdelay $0x2  }
0x1a: {  	s10 =	sadd.s32 $0x1, s10  }
0x1b: {  	p0 =	sne.s32 s10, s6  }
.Ltmp1:
0x1c: {  	[tilespmem:s12+$0x1A500] =	vst v0;
	(pc) =	sbr.rel @p0 .LBB2_1-.Ltmp1, $4  }
0x1d: {  	[hbm4b:s5+s2] =	stream.linear.scatter [tilespmem:s9], [sflag:$0x1], $0xCC0, $0x38;
	[tilespmem:$0x1B200] =	vst v63  }
0x1e: {  	_ =	swait.ge [sflag:s7], $0xCC0  }
0x1f: {  	[sflag:s7] =	ssyncset.done $0x0  }
0x20: {  	[sflag:s7] =	ssyncadd.s32 $0xFFFFF340  }
0x21: {  	_ =	sfence.sel $0x180000  }
0x22: {  	[bflag:$0x0] =	sbarrier.arrive $0xFFFF  }
0x23: {  	p0 =	sne.s32 s0, $0x0;
	_ =	strace $0x90000050  }
0x24: {  	s0 =	sadd.s32 @!p0 $0x100000, s1;
	[bflag:$0x2] =	sbarrier.arrive $0xFFFF  }
0x25: {  	[sflag:s0] =	ssyncadd.tile.s32 @!p0 $0x1;
	_ =	shalt  }
.Lfunc_end2:
_tile_overlayer_lowered:
.L_overlay_start_2:
0x26: {  	(tag) =	ssettag $0x2  }
0x27: {  	s0 =	rddreg [dreg:$0x0];
	s2 =	stileid.u32  }
0x28: {  	s1 =	rddreg [dreg:$0x1];
	p0 =	sne.s32 s2, $0x0  }
0x29: {  	s3 =	rddreg [dreg:$0x2];
	[bflag:$0x3] =	sbarrier.arrive $0xFFFF;
	s2 =	simm.s32 @!p0 $0x1C02  }
0x2a: {  	[timem:s3], [sflag:s2] =	dma.local @!p0 [hbm:s0], s1  }
0x2b: {  	s0 =	simm.s32 @!p0 $0x2  }
0x2c: {  	_ =	swait.ge @!p0 [sflag:s0], s1  }
0x2d: {  	s1 =	ssub.s32 @!p0 $0x0, s1;
	[sflag:s0] =	ssyncset.done @!p0 $0x0  }
0x2e: {  	[sflag:s0] =	ssyncadd.s32 @!p0 s1  }
0x2f: {  	[bflag:$0x3] =	sbarrier.arrive $0xFFFF  }
0x30: {  	_ =	shalt  }

// kernel: kernel.7.cloned.1.call-start
scs
__scs_entry_jumppad:
0x0: {  	(pc) =	sbr.rel $0x88, $3  }
0x1: {  	(tag) =	ssettag $0x0;
	lr =	simm.s32 $0x1  }
0x2: {  	[smem:$0x3F67] =	sst lr;
	_ =	strace $0xD0000000  }
0x3: {  	_ = 	snop  }
0x4: {  	_ = 	snop  }
0x5: {  	_ = 	snop  }
0x6: {  	_ = 	snop  }
0x7: {  	_ = 	snop  }
__scs_overlays_trampoline_lowered:
0x8: {  	[smem:$0x3F76] =	sst s0  }
0x9: {  	[smem:$0x3F77] =	sst s1  }
0xa: {  	[smem:$0x3F78] =	sst s2  }
0xb: {  	[smem:$0x3F79] =	sst s3  }
0xc: {  	[smem:$0x3F7A] =	sst s4  }
0xd: {  	[smem:$0x3F7B] =	sst s5  }
0xe: {  	[smem:$0x3F7C] =	sst s6  }
0xf: {  	[smem:$0x3F7D] =	sst s7  }
0x10: {  	[smem:$0x3F7E] =	sst s8  }
0x11: {  	[smem:$0x3F7F] =	sst s9;
	s0 =	simm.s32 @!p0 $0x0  }
0x12: {  	s1 =	sld [smem:$0x3F65];
	s0 =	simm.s32 @p0 $0x1  }
0x13: {  	[smem:$0x3F80] =	sst s0;
	s0 =	simm.s32 @!p1 $0x0  }
0x14: {  	s2 =	sld [smem:$0x3F64];
	s0 =	simm.s32 @p1 $0x1  }
0x15: {  	[smem:$0x3F81] =	sst s0;
	s0 =	simm.s32 @!p2 $0x0  }
0x16: {  	s3 =	sld [smem:$0x3FDB];
	s0 =	simm.s32 @p2 $0x1  }
0x17: {  	s4 =	simm.s32 $0x1BF5;
	[smem:$0x3F83] =	sst s0  }
0x18: {  	s0 =	sld [smem:$0x3F66];
	_ =	swait.ge [sflag:s4], $0x0  }
0x19: {  	s7 =	sld [smem:$0x3F67]  }
0x1a: {  	s8 =	sadd.s32 $0xFFFFE003, lr  }
0x1b: {  	s9 =	sadd.s32 $0xFFFFFEF7, lr;
	s5 =	simm.s32 $0xFFFFFFFF;
	p2 =	slt.u32 s8, $0xFFFFF086  }
0x1c: {  	p1 =	slt.u32 s9, $0xF7A;
	s5 =	simm.s32 @!p2 $0x0  }
0x1d: {  	s5 =	simm.s32 @p1 $0x1;
	p0 =	seq.s32 s7, s2  }
0x1e: {  	s7 =	smul.u32 @!p0 $0xF7A, s2;
	p2 =	seq.s32 @!p0 s5, $0x0  }
0x1f: {  	s9 =	smul.u32 $0xF7A, s1;
	s8 =	simm.s32 @!p0 $0x1BF5;
	p2 =	por !p2, p0  }
0x20: {  	[sflag:s8] =	ssyncset.s32 @!p0 $0xFFFFF086;
	s6 =	sadd.s32 @!p0 s3, s7;
	s7 =	simm.s32 @!p0 $0x108  }
0x21: {  	s3 =	sadd.s32 s3, s9;
	s6 =	sadd.s32 @!p0 $0x88, s6;
	s7 =	simm.s32 @p2 $0x1082  }
0x22: {  	[simem:s7], [sflag:s8] =	dma.local @!p0 [hbm:s6], $0xF7A  }
0x23: {  	s9 =	sor.u32 $0xD0000000, s2;
	s6 =	simm.s32 $0x108;
	_ =	swait.ge @!p0 [sflag:s8], $0x0  }
0x24: {  	s3 =	sadd.s32 $0x88, s3;
	s6 =	simm.s32 @!p1 $0x1082;
	[sflag:s4] =	ssyncset.s32 $0xFFFFF086  }
0x25: {  	[simem:s6], [sflag:s4] =	dma.local [hbm:s3], $0xF7A  }
0x26: {  	[smem:$0x3F67] =	sst s1;
	(tag) =	ssettag s2;
	_ =	strace s9  }
0x27: {  	s1 =	sld [smem:$0x3F77]  }
0x28: {  	s2 =	sld [smem:$0x3F78]  }
0x29: {  	s4 =	sld [smem:$0x3F7A]  }
0x2a: {  	p0 =	seq.s32 s5, $0x0;
	s5 =	sld [smem:$0x3F7B]  }
0x2b: {  	s6 =	sld [smem:$0x3F7C]  }
0x2c: {  	s7 =	sld [smem:$0x3F7D]  }
0x2d: {  	s3 =	simm.s32 $0x108;
	s8 =	sld [smem:$0x3F7E]  }
0x2e: {  	s3 =	simm.s32 @!p0 $0x1082;
	s9 =	sld [smem:$0x3F7F]  }
0x2f: {  	lr =	sadd.s32 s0, s3;
	s0 =	sld [smem:$0x3F76]  }
0x30: {  	s3 =	sld [smem:$0x3F79]  }
0x31: {  	[smem:$0x3F82] =	sst s10  }
0x32: {  	s10 =	sld [smem:$0x3F80];
	_ =	sdelay $0x3  }
0x33: {  	p0 =	seq.s32 s10, $0x1;
	s10 =	sld [smem:$0x3F82];
	_ =	sdelay $0x3  }
0x34: {  	[smem:$0x3F82] =	sst s10  }
0x35: {  	s10 =	sld [smem:$0x3F81];
	_ =	sdelay $0x3  }
0x36: {  	p1 =	seq.s32 s10, $0x1;
	s10 =	sld [smem:$0x3F82];
	_ =	sdelay $0x3  }
0x37: {  	[smem:$0x3F82] =	sst s10  }
0x38: {  	s10 =	sld [smem:$0x3F83]  }
0x39: {  	_ = 	snop;
	(pc) =	sbr.ind lr, $3  }
0x3a: {  	_ = 	snop  }
0x3b: {  	_ = 	snop  }
0x3c: {  	p2 =	seq.s32 s10, $0x1;
	s10 =	sld [smem:$0x3F82]  }
0x3d: {  	_ =	shalt  }
0x3e: {  	_ =	shalt  }
0x3f: {  	_ =	shalt  }
0x40: {  	_ =	shalt  }
0x41: {  	_ =	shalt  }
0x42: {  	_ =	shalt  }
0x43: {  	_ =	shalt  }
0x44: {  	_ =	shalt  }
0x45: {  	_ =	shalt  }
0x46: {  	_ =	shalt  }
0x47: {  	_ =	shalt  }
0x48: {  	_ =	shalt  }
0x49: {  	_ =	shalt  }
0x4a: {  	_ =	shalt  }
0x4b: {  	_ =	shalt  }
0x4c: {  	_ =	shalt  }
0x4d: {  	_ =	shalt  }
0x4e: {  	_ =	shalt  }
0x4f: {  	_ =	shalt  }
0x50: {  	_ =	shalt  }
0x51: {  	_ =	shalt  }
0x52: {  	_ =	shalt  }
0x53: {  	_ =	shalt  }
0x54: {  	_ =	shalt  }
0x55: {  	_ =	shalt  }
0x56: {  	_ =	shalt  }
0x57: {  	_ =	shalt  }
0x58: {  	_ =	shalt  }
0x59: {  	_ =	shalt  }
0x5a: {  	_ =	shalt  }
0x5b: {  	_ =	shalt  }
0x5c: {  	_ =	shalt  }
0x5d: {  	_ =	shalt  }
0x5e: {  	_ =	shalt  }
0x5f: {  	_ =	shalt  }
0x60: {  	_ =	shalt  }
0x61: {  	_ =	shalt  }
0x62: {  	_ =	shalt  }
0x63: {  	_ =	shalt  }
0x64: {  	_ =	shalt  }
0x65: {  	_ =	shalt  }
0x66: {  	_ =	shalt  }
0x67: {  	_ =	shalt  }
0x68: {  	_ =	shalt  }
0x69: {  	_ =	shalt  }
0x6a: {  	_ =	shalt  }
0x6b: {  	_ =	shalt  }
0x6c: {  	_ =	shalt  }
0x6d: {  	_ =	shalt  }
0x6e: {  	_ =	shalt  }
0x6f: {  	_ =	shalt  }
0x70: {  	_ =	shalt  }
0x71: {  	_ =	shalt  }
0x72: {  	_ =	shalt  }
0x73: {  	_ =	shalt  }
0x74: {  	_ =	shalt  }
0x75: {  	_ =	shalt  }
0x76: {  	_ =	shalt  }
0x77: {  	_ =	shalt  }
0x78: {  	_ =	shalt  }
0x79: {  	_ =	shalt  }
0x7a: {  	_ =	shalt  }
0x7b: {  	_ =	shalt  }
0x7c: {  	_ =	shalt  }
0x7d: {  	_ =	shalt  }
0x7e: {  	_ =	shalt  }
0x7f: {  	_ =	shalt  }
0x80: {  	_ =	shalt  }
0x81: {  	_ =	shalt  }
0x82: {  	_ =	shalt  }
0x83: {  	_ =	shalt  }
0x84: {  	_ =	shalt  }
0x85: {  	_ =	shalt  }
0x86: {  	_ =	shalt  }
0x87: {  	_ =	shalt  }
.Lfunc_end0:
.L_simem_size_0:
called_computation_lowered:
.L_overlay_start_0:
0x88: {  	s2 =	sld [smem:$0x3FD9]  }
0x89: {  	s3 =	sld [smem:$0x3FFE];
	_ =	sdelay $0x1  }
0x8a: {  	s1 =	srdreg.scid  }
0x8b: {  	s0 =	sand.u32 $0x1, s1  }
0x8c: {  	s16 =	sshll.u32 s0, $0xA;
	s2 =	sadd.s32 s3, s2  }
0x8d: {  	s2 =	sadd.s32 s2, s16  }
0x8e: {  	[smem:$0x3F8E] =	sst s2  }
0x8f: {  	_ = 	snop  }
0x90: {  	(tm) =	ssettm $0x1  }
0x91: {  	s17 =	sld [smem:$0x3FFB];
	_ =	sdelay $0x3  }
0x92: {  	_ =	strace s17  }
0x93: {  	s2 =	sld [smem:$0x3FFC];
	_ =	sdelay $0x3  }
0x94: {  	_ =	strace s2  }
0x95: {  	s2 =	sld [smem:$0x3FFD];
	_ =	sdelay $0x3  }
0x96: {  	_ =	strace s2  }
0x97: {  	_ =	strace $0x8FFFFFFF  }
0x98: {  	s18 =	sld [smem:$0x3FDB];
	_ =	sdelay $0x1  }
0x99: {  	s19 =	simm.s32 $_scs_section_size  }
0x9a: {  	s4 =	simm.s32 $_size__tile_overlayer_lowered;
	s5 =	simm.s32 $_tile_overlayer_lowered  }
0x9b: {  	s22 =	simm.s32 $0x1BFF;
	s21 =	sshll.u32 s5, $0x1;
	s2 =	sadd.s32 s19, s18  }
0x9c: {  	s6 =	simm.s32 $0x0;
	s20 =	sshll.u32 s4, $0x1;
	s4 =	sadd.s32 s21, s2  }
0x9d: {  	[timem:s6], [sflag:s22] =	dma.local [hbm:s4], s20  }
0x9e: {  	_ =	swait.ge [sflag:s22], s20  }
0x9f: {  	s3 =	ssub.s32 $0x0, s20;
	[sflag:s22] =	ssyncset.done $0x0  }
0xa0: {  	[sflag:s22] =	ssyncadd.s32 s3;
	_ =	sdelay $0x1  }
0xa1: {  	s23 =	simm.s32 $0x1B8B  }
0xa2: {  	_ =	swait.ge [sflag:s23], $0x1  }
0xa3: {  	[sflag:s23] =	ssyncset.done $0x0  }
0xa4: {  	s25 =	simm.s32 $0x1B8E;
	s24 =	sld [smem:$0x3FFE];
	[sflag:s23] =	ssyncadd.s32 $0xFFFFFFFF  }
0xa5: {  	s26 =	simm.s32 $execute0_lowered;
	[smem:$0x3FD2] =	sst s25  }
0xa6: {  	s4 =	sshll.u32 s26, $0x1;
	_ =	strace $0x80000046;
	[dreg:$0x1] =	wrdreg $0xFFFFFFFF  }
0xa7: {  	s28 =	simm.s32 $_size_execute0_lowered;
	s2 =	sadd.s32 s2, s4;
	[dreg:$0x0] =	wrdreg $0x0  }
0xa8: {  	s4 =	sshll.u32 s28, $0x1;
	[dreg:$0x2] =	wrdreg s2  }
0xa9: {  	[dreg:$0x3] =	wrdreg s4  }
0xaa: {  	[dreg:$0x4] =	wrdreg $0xC0  }
0xab: {  	_ =	task [dreg:s6], $0x5FFFF  }
0xac: {  	[dreg:$0x1] =	wrdreg $0xFFFFFFFF  }
0xad: {  	[dreg:$0x0] =	wrdreg $0x60  }
0xae: {  	[dreg:$0x2] =	wrdreg s24  }
0xaf: {  	[dreg:$0x3] =	wrdreg $0x9  }
0xb0: {  	_ =	task.clear_ibuf [dreg:s6], $0x4FFFF;
	_ =	strace $0x90000046  }
0xb1: {  	s29 =	simm.s32 $0x9;
	_ =	strace $0x8000004E  }
0xb2: {  	_ =	swait.ge [sflag:s29], $0x1  }
0xb3: {  	[sflag:s29] =	ssyncadd.s32 $0xFFFFFFFF  }
0xb4: {  	_ =	strace $0x9000004E  }
0xb5: {  	_ =	sfence  }
0xb6: {  	s30 =	sld [smem:$0x0];
	_ =	sdelay $0x2  }
0xb7: {  	s31 =	sshll.u32 s1, $0xD;
	s1 =	sshrl.u32 s1, $0x2  }
0xb8: {  	s3 =	sand.u32 $0x4000, s31;
	s1 =	sadd.s32 s1, s30  }
0xb9: {  	s0 =	sor.u32 s3, s0;
	s1 =	sshll.u32 s1, $0x11  }
0xba: {  	s0 =	sor.u32 s1, s0  }
0xbb: {  	s0 =	sadd.s32 $0x8F2B, s0  }
0xbc: {  	[sflag:s0] =	ssyncadd.remote.s32 $0x1  }
0xbd: {  	_ =	sfence.sel $0xFFFF  }
0xbe: {  	[dreg:$0x0] =	wrdreg $0xFFFFFFFF;
	(pc) =	sbr.abs _section_cstart, $3  }
0xbf: {  	[dreg:$0x1] =	wrdreg $0xFFFFFFFF  }
0xc0: {  	_ =	task.clear_ibuf [dreg:s6], $0x2FFFF;
	_ =	strace $0x9FFFFFFF  }
0xc1: {  	(tm) =	ssettm $0x7FFFFFFF  }
tec
execute0_lowered:
.L_overlay_start_1:
0x0: {  	(tag) =	ssettag $0x1  }
0x1: {  	s0 =	srdreg.scid  }
0x2: {  	s2 =	stileid.u32;
	s8 =	rddreg [dreg:$0x0]  }
0x3: {  	s7 =	simm.s32 $0x4F;
	s31 =	simm.s32 $0xA000;
	s16 =	simm.s32 $0x5  }
0x4: {  	s25 =	simm.s32 $0x1;
	s21 =	simm.s32 $0x0;
	s0 =	sand.u32 $0x1, s0  }
0x5: {  	s4 =	sadd.s32 $0x5E00, s8;
	s6 =	sadd.s32 $0xC44C00, s8;
	s1 =	sshll.u32 s0, $0x4  }
0x6: {  	s10 =	sadd.s32 $0xC44D00, s8;
	s0 =	ssub.s32 $0x2, s0;
	s1 =	sor.u32 s2, s1  }
0x7: {  	s2 =	simm.s32 $0x0;
	s28 =	sshrl.u32 s0, $0x1;
	s3 =	smul.u32 $0x4E, s1  }
0x8: {  	[smem:$0x7FF] =	sst s2;
	s5 =	smul.u32 $0x4F, s1;
	p0 =	slt.u32 s1, $0x4  }
0x9: {  	s0 =	ssub.s32 s0, s28;
	_ =	strace $0x80000047;
	s3 =	sadd.s32 $0x4, s3  }
0xa: {  	s0 =	smax.u32 s0, $0x1;
	[dreg:$0x2] =	wrdreg s31;
	s3 =	smov.u32 @p0 s5  }
0xb: {  	s5 =	sadd.s32 $0xC3AE00, s8;
	s9 =	smul.u32 $0x1400, s3;
	s30 =	sshll.u32 s3, $0x4  }
0xc: {  	v2 =	vlaneseq.u32;
	s11 =	sadd.s32 $0xC44E00, s8;
	[dreg:$0x5] =	wrdreg s0;
	s1 =	sadd.s32 s5, s30  }
0xd: {  	vm0 =	vmmov $0xffff;
	v1 =	vshrl.u32 v2, $0x3;
	s7 =	simm.s32 @!p0 $0x4E;
	s29 =	sadd.s32 s4, s9;
	[dreg:$0x4] =	wrdreg s1  }
0xe: {  	s13 =	sadd.s32 $0xC44F00, s8;
	v0 =	vand.u32 $0x7, v2;
	v2 =	vor.u32 $0x8, v2;
	v1 =	vmul.u32 $0x8, v1;
	s12 =	sadd.s32 $0xFFFFFFFF, s7;
	[dreg:$0x3] =	wrdreg s29  }
.LBB2_1:
0xf: {  	_ =	strace $0x80000048  }
0x10: {  	s1 =	simm.s32 $0x14000;
	s19 =	simm.s32 $0x1;
	p0 =	seq.s32 s7, $0x1  }
0x11: {  	p2 =	sle.u32 s12, $0x0;
	s20 =	sand.u32 $0x1, s2;
	s23 =	simm.s32 $0x0  }
0x12: {  	p6 =	sne.s32 s7, $0x1;
	s0 =	rddreg [dreg:$0x3];
	s19 =	simm.s32 @p0 $0x0  }
0x13: {  	[tilespmem:s2], [sflag:$0x1] =	stream.linear.gather [hbm4b:s0+s2], $0xA000, $0x200038;
	[tilespmem:$0x14100] =	vst v63  }
.Ltmp0:
0x14: {  	p3 =	seq.s32 s12, $0x0;
	p5 =	seq.s32 @!p2 s19, $0x0;
	(pc) =	sbr.rel @!p6 .LBB2_2-.Ltmp0, $4  }
0x15: {  	s31 =	rddreg [dreg:$0x4];
	p0 =	por $0x0, $0x0;
	p1 =	por p5, p2  }
0x16: {  	[tilespmem:s1], [sflag:$0x3] =	stream.linear.gather [hbm4b:s31+s2], $0x80, $0x200038;
	[tilespmem:$0x14100] =	vst v63  }
0x17: {  	p4 =	sne.s32 s19, $0x0;
	s1 =	sadd.s32 $0x1, s20;
	s8 =	sadd.s32 @!p1 s3, s19  }
0x18: {  	s15 =	sand.u32 @!p1 $0x1, s25;
	s0 =	sand.u32 @!p1 $0x1, s25;
	_ =	strace $0x90000048  }
0x19: {  	[dreg:$0x6] =	wrdreg s21;
	s9 =	smul.u32 @!p1 $0xA000, s8  }
0x1a: {  	s21 =	sadd.s32 @!p1 $0x3, s0;
	s22 =	simm.s32 @!p1 $0x0;
	s24 =	smul.u32 @!p1 $0x28000, s15  }
0x1b: {  	s8 =	sshll.u32 @!p1 s8, $0x4;
	s15 =	sadd.s32 @!p1 $0x1, s15;
	s9 =	sshrl.u32 @!p1 s9, $0x3  }
0x1c: {  	_ =	strace @!p1 $0x80000049;
	s24 =	sshrl.u32 @!p1 s24, $0x2;
	s9 =	sadd.s32 @!p1 s4, s9  }
0x1d: {  	[tilespmem:s24], [sflag:s15] =	stream.linear.gather @!p1 [hbm4b:s9+s22], $0xA000, $0x200038;
	[tilespmem:$0x14100] =	vst v63  }
0x1e: {  	s0 =	sshll.u32 @!p1 s0, $0x7;
	s8 =	sand.u32 @!p1 $0x1FFFFFF0, s8;
	_ =	strace @!p1 $0x90000049  }
0x1f: {  	s0 =	sor.u32 @!p1 $0x14000, s0;
	s8 =	sadd.s32 @!p1 s5, s8;
	_ =	strace @!p1 $0x8000004A  }
0x20: {  	[tilespmem:s0], [sflag:s21] =	stream.linear.gather @!p1 [hbm4b:s8+s22], $0x80, $0x200038;
	[tilespmem:$0x14100] =	vst v63  }
0x21: {  	_ =	strace @!p1 $0x9000004A  }
0x22: {  	_ =	strace $0x8000004B  }
0x23: {  	_ =	swait.ge [sflag:s1], $0xA000  }
0x24: {  	[sflag:s1] =	ssyncset.done $0x0  }
0x25: {  	[sflag:s1] =	ssyncadd.s32 $0xFFFF6000  }
0x26: {  	_ =	strace $0x9000004B  }
0x27: {  	s21 =	sadd.s32 $0x3, s20;
	_ =	strace $0x8000004C  }
0x28: {  	_ =	swait.ge [sflag:s21], $0x80  }
0x29: {  	[sflag:s21] =	ssyncset.done $0x0  }
0x2a: {  	[sflag:s21] =	ssyncadd.s32 $0xFFFFFF80  }
0x2b: {  	_ =	strace $0x9000004C  }
0x2c: {  	s0 =	sand.u32 $0x80, s23;
	_ =	strace $0x8000004D  }
0x2d: {  	v3 =	vld [tilespmem:s0+$0x14000];
	_ =	sdelay $0x4  }
0x2e: {  	v4 =	vshll.u32 v3, $0x3  }
0x2f: {  	v3 =	vand.u32 $0x7, v3;
	v4 =	vand.u32 $0xFFFFFFC0, v4  }
0x30: {  	v3 =	vor.u32 v3, v4  }
0x31: {  	v4 =	vperm.xlane v3, v0;
	_ =	sdelay $0x1  }
0x32: {  	v4 =	vadd.s32 v1, v4;
	_ =	sdelay $0x2  }
0x33: {  	p0 =	seq.s32 s20, $0x1;
	s26 =	rddreg [dreg:$0x2]  }
0x34: {  	s26 =	simm.s32 @!p0 $0x0  }
0x35: {  	[hbm4b:s6+s2] =	stream.indirect_vreg.scatter [tilespmem:s26], [sflag:$0x5], $0x80, v4, vm0, $0x2000b8;
	[tilespmem:$0x14100] =	vst v63  }
0x36: {  	s22 =	sor.u32 $0x800, s26;
	v3 =	vperm.xlane v3, v2  }
0x37: {  	[hbm4b:s10+s2] =	stream.indirect_vreg.scatter [tilespmem:s22], [sflag:$0x5], $0x80, v4, vm0, $0x2000b8;
	[tilespmem:$0x14100] =	vst v63  }
0x38: {  	s23 =	sor.u32 $0x1000, s26;
	v3 =	vadd.s32 v1, v3  }
0x39: {  	[hbm4b:s11+s2] =	stream.indirect_vreg.scatter [tilespmem:s23], [sflag:$0x5], $0x80, v4, vm0, $0x2000b8;
	[tilespmem:$0x14100] =	vst v63  }
0x3a: {  	s24 =	sor.u32 $0x1800, s26  }
0x3b: {  	[hbm4b:s13+s2] =	stream.indirect_vreg.scatter [tilespmem:s24], [sflag:$0x5], $0x80, v4, vm0, $0x2000b8;
	[tilespmem:$0x14100] =	vst v63  }
0x3c: {  	s31 =	sadd.s32 $0x2000, s26  }
0x3d: {  	[hbm4b:s6+s2] =	stream.indirect_vreg.scatter [tilespmem:s31], [sflag:$0x5], $0x80, v3, vm0, $0x2000b8;
	[tilespmem:$0x14100] =	vst v63  }
0x3e: {  	s8 =	sadd.s32 $0x2800, s26  }
0x3f: {  	[hbm4b:s10+s2] =	stream.indirect_vreg.scatter [tilespmem:s8], [sflag:$0x5], $0x80, v3, vm0, $0x2000b8;
	[tilespmem:$0x14100] =	vst v63  }
0x40: {  	s9 =	sadd.s32 $0x3000, s26  }
0x41: {  	[hbm4b:s11+s2] =	stream.indirect_vreg.scatter [tilespmem:s9], [sflag:$0x5], $0x80, v3, vm0, $0x2000b8;
	[tilespmem:$0x14100] =	vst v63  }
0x42: {  	s14 =	sadd.s32 $0x3800, s26  }
0x43: {  	[hbm4b:s13+s2] =	stream.indirect_vreg.scatter [tilespmem:s14], [sflag:$0x5], $0x80, v3, vm0, $0x2000b8;
	[tilespmem:$0x14100] =	vst v63  }
0x44: {  	v3 =	vld [tilespmem:s0+$0x14010];
	_ =	sdelay $0x4  }
0x45: {  	v4 =	vshll.u32 v3, $0x3  }
0x46: {  	v3 =	vand.u32 $0x7, v3;
	v4 =	vand.u32 $0xFFFFFFC0, v4  }
0x47: {  	v3 =	vor.u32 v3, v4  }
0x48: {  	v4 =	vperm.xlane v3, v0;
	_ =	sdelay $0x1  }
0x49: {  	v4 =	vadd.s32 v1, v4;
	_ =	sdelay $0x3  }
0x4a: {  	s15 =	sor.u32 $0x4000, s26  }
0x4b: {  	[hbm4b:s6+s2] =	stream.indirect_vreg.scatter [tilespmem:s15], [sflag:$0x5], $0x80, v4, vm0, $0x2000b8;
	[tilespmem:$0x14100] =	vst v63  }
0x4c: {  	s17 =	sor.u32 $0x4800, s26;
	v3 =	vperm.xlane v3, v2  }
0x4d: {  	[hbm4b:s10+s2] =	stream.indirect_vreg.scatter [tilespmem:s17], [sflag:$0x5], $0x80, v4, vm0, $0x2000b8;
	[tilespmem:$0x14100] =	vst v63  }
0x4e: {  	s18 =	sor.u32 $0x5000, s26;
	v3 =	vadd.s32 v1, v3  }
0x4f: {  	[hbm4b:s11+s2] =	stream.indirect_vreg.scatter [tilespmem:s18], [sflag:$0x5], $0x80, v4, vm0, $0x2000b8;
	[tilespmem:$0x14100] =	vst v63  }
0x50: {  	s20 =	sor.u32 $0x5800, s26  }
0x51: {  	[hbm4b:s13+s2] =	stream.indirect_vreg.scatter [tilespmem:s20], [sflag:$0x5], $0x80, v4, vm0, $0x2000b8;
	[tilespmem:$0x14100] =	vst v63  }
0x52: {  	s21 =	sadd.s32 $0x6000, s26  }
0x53: {  	[hbm4b:s6+s2] =	stream.indirect_vreg.scatter [tilespmem:s21], [sflag:$0x5], $0x80, v3, vm0, $0x2000b8;
	[tilespmem:$0x14100] =	vst v63  }
0x54: {  	s22 =	sadd.s32 $0x6800, s26  }
0x55: {  	[hbm4b:s10+s2] =	stream.indirect_vreg.scatter [tilespmem:s22], [sflag:$0x5], $0x80, v3, vm0, $0x2000b8;
	[tilespmem:$0x14100] =	vst v63  }
0x56: {  	s23 =	sadd.s32 $0x7000, s26  }
0x57: {  	[hbm4b:s11+s2] =	stream.indirect_vreg.scatter [tilespmem:s23], [sflag:$0x5], $0x80, v3, vm0, $0x2000b8;
	[tilespmem:$0x14100] =	vst v63  }
0x58: {  	s24 =	sadd.s32 $0x7800, s26;
	s0 =	sor.u32 $0x14020, s0  }
0x59: {  	[hbm4b:s13+s2] =	stream.indirect_vreg.scatter [tilespmem:s24], [sflag:$0x5], $0x80, v3, vm0, $0x2000b8;
	[tilespmem:$0x14100] =	vst v63  }
0x5a: {  	v3 =	vld.msk [tilespmem:s0+$0x0], $0xff;
	_ =	sdelay $0x2  }
0x5b: {  	s1 =	simm.s32 $0x0;
	p0 =	por !p5, p2  }
0x5c: {  	s29 =	simm.s32 $0x1;
	s1 =	simm.s32 @p0 $0x1;
	s30 =	sadd.s32 $0x8800, s26  }
0x5d: {  	s1 =	simm.s32 @p2 $0x0;
	s31 =	sadd.s32 $0x8000, s26;
	s0 =	simm.s32 @!p1 $0x2;
	v4 =	vshll.u32 v3, $0x3  }
0x5e: {  	s20 =	sadd.s32 $0x1, s1;
	s24 =	sadd.s32 $0x1, s19;
	s29 =	smov.u32 @p0 s0;
	v3 =	vand.u32 $0x7, v3;
	v4 =	vand.u32 $0xFFFFFFC0, v4  }
0x5f: {  	p0 =	por p3, p4;
	s0 =	simm.s32 $0x1;
	p3 =	sle.u32 s12, $0x1;
	v3 =	vor.u32 v3, v4  }
0x60: {  	p4 =	seq.s32 s12, $0x1;
	s29 =	smov.u32 @p2 s25;
	s0 =	simm.s32 @!p0 $0x0;
	v3 =	vperm.xlane v3, v0  }
0x61: {  	p0 =	seq.s32 s24, s7;
	s25 =	simm.s32 $0x2;
	p2 =	sne.s32 s7, $0x2  }
0x62: {  	s22 =	sadd.s32 $0x0, s0;
	s24 =	simm.s32 @p0 $0x0;
	p0 =	por $0x1, $0x1;
	v3 =	vadd.s32 v1, v3  }
.Ltmp1:
0x63: {  	s21 =	sand.u32 $0x1, s22;
	s23 =	sshll.u32 s22, $0x7;
	(pc) =	sbr.rel @!p2 .LBB2_4-.Ltmp1, $4  }
0x64: {  	p6 =	seq.s32 @!p3 s19, s24;
	p5 =	sne.s32 s19, s24;
	s28 =	smov.u32 s22  }
0x65: {  	p1 =	por p6, p3;
	s1 =	sadd.s32 $0x1, s21;
	s19 =	smov.u32 s21  }
0x66: {  	s8 =	sadd.s32 @!p1 s3, s24;
	s15 =	sand.u32 @!p1 $0x1, s29;
	s0 =	sand.u32 @!p1 $0x1, s20  }
0x67: {  	[hbm4b:s6+s2] =	stream.indirect_vreg.scatter [tilespmem:s31], [sflag:$0x5], $0x80, v3, vm0, $0x2000b8;
	[tilespmem:$0x14100] =	vst v63  }
.LBB2_5:
0x68: {  	[hbm4b:s10+s2] =	stream.indirect_vreg.scatter [tilespmem:s30], [sflag:$0x5], $0x80, v3, vm0, $0x2000b8;
	[tilespmem:$0x14100] =	vst v63  }
0x69: {  	s14 =	sadd.s32 @!p1 $0x1, s29;
	p2 =	por !p6, p3;
	s9 =	sadd.s32 $0x9000, s26  }
0x6a: {  	[hbm4b:s11+s2] =	stream.indirect_vreg.scatter [tilespmem:s9], [sflag:$0x5], $0x80, v3, vm0, $0x2000b8;
	[tilespmem:$0x14100] =	vst v63  }
0x6b: {  	s18 =	sadd.s32 $0x9800, s26;
	s26 =	sadd.s32 @!p1 $0x3, s0;
	s9 =	smov.u32 s29  }
0x6c: {  	[hbm4b:s13+s2] =	stream.indirect_vreg.scatter [tilespmem:s18], [sflag:$0x5], $0x80, v3, vm0, $0x2000b8;
	[tilespmem:$0x14100] =	vst v63  }
0x6d: {  	s17 =	simm.s32 @!p1 $0x0;
	s9 =	smov.u32 @p2 s14;
	_ =	swait.ge [sflag:s16], $0xA000  }
0x6e: {  	s9 =	smov.u32 @p3 s29;
	s29 =	smul.u32 @!p1 $0xA000, s8;
	[sflag:s16] =	ssyncset.done $0x0  }
0x6f: {  	s18 =	smul.u32 @!p1 $0x28000, s15;
	s8 =	sshll.u32 @!p1 s8, $0x4;
	[sflag:s16] =	ssyncadd.s32 $0xFFFF6000  }
0x70: {  	s15 =	sadd.s32 @!p1 $0x1, s15;
	s29 =	sshrl.u32 @!p1 s29, $0x3;
	_ =	strace $0x9000004D  }
0x71: {  	s18 =	sshrl.u32 @!p1 s18, $0x2;
	s29 =	sadd.s32 @!p1 s4, s29;
	_ =	strace @!p1 $0x80000049  }
0x72: {  	[tilespmem:s18], [sflag:s15] =	stream.linear.gather @!p1 [hbm4b:s29+s17], $0xA000, $0x200038;
	[tilespmem:$0x14100] =	vst v63  }
0x73: {  	s0 =	sshll.u32 @!p1 s0, $0x7;
	s8 =	sand.u32 @!p1 $0x1FFFFFF0, s8;
	_ =	strace @!p1 $0x90000049  }
0x74: {  	s0 =	sor.u32 @!p1 $0x14000, s0;
	s8 =	sadd.s32 @!p1 s5, s8;
	_ =	strace @!p1 $0x8000004A  }
0x75: {  	[tilespmem:s0], [sflag:s26] =	stream.linear.gather @!p1 [hbm4b:s8+s17], $0x80, $0x200038;
	[tilespmem:$0x14100] =	vst v63  }
0x76: {  	_ =	strace @!p1 $0x9000004A  }
0x77: {  	_ =	strace $0x8000004B  }
0x78: {  	_ =	swait.ge [sflag:s1], $0xA000  }
0x79: {  	[sflag:s1] =	ssyncset.done $0x0  }
0x7a: {  	[sflag:s1] =	ssyncadd.s32 $0xFFFF6000  }
0x7b: {  	_ =	strace $0x9000004B  }
0x7c: {  	s26 =	sadd.s32 $0x3, s21;
	_ =	strace $0x8000004C  }
0x7d: {  	_ =	swait.ge [sflag:s26], $0x80  }
0x7e: {  	[sflag:s26] =	ssyncset.done $0x0  }
0x7f: {  	[sflag:s26] =	ssyncadd.s32 $0xFFFFFF80  }
0x80: {  	_ =	strace $0x9000004C  }
0x81: {  	s1 =	sand.u32 $0x80, s23;
	_ =	strace $0x8000004D  }
0x82: {  	v3 =	vld [tilespmem:s1+$0x14000];
	_ =	sdelay $0x4  }
0x83: {  	v4 =	vshll.u32 v3, $0x3  }
0x84: {  	v3 =	vand.u32 $0x7, v3;
	v4 =	vand.u32 $0xFFFFFFC0, v4  }
0x85: {  	v3 =	vor.u32 v3, v4  }
0x86: {  	v4 =	vperm.xlane v3, v0;
	_ =	sdelay $0x1  }
0x87: {  	v4 =	vadd.s32 v1, v4  }
0x88: {  	s14 =	simm.s32 $0x0  }
0x89: {  	s14 =	simm.s32 @p2 $0x1;
	s0 =	simm.s32 $0x1;
	p1 =	por p4, p5  }
0x8a: {  	s0 =	simm.s32 @!p1 $0x0;
	p1 =	seq.s32 s19, $0x1;
	s26 =	rddreg [dreg:$0x2]  }
0x8b: {  	s14 =	simm.s32 @p3 $0x0;
	s26 =	simm.s32 @!p1 $0x0  }
0x8c: {  	[hbm4b:s6+s2] =	stream.indirect_vreg.scatter [tilespmem:s26], [sflag:$0x5], $0x80, v4, vm0, $0x2000b8;
	[tilespmem:$0x14100] =	vst v63  }
0x8d: {  	s20 =	sadd.s32 s20, s14;
	s22 =	sadd.s32 s0, s22;
	s8 =	sor.u32 $0x800, s26;
	v3 =	vperm.xlane v3, v2  }
0x8e: {  	[hbm4b:s10+s2] =	stream.indirect_vreg.scatter [tilespmem:s8], [sflag:$0x5], $0x80, v4, vm0, $0x2000b8;
	[tilespmem:$0x14100] =	vst v63  }
0x8f: {  	s28 =	sadd.s32 s0, s28;
	s15 =	sand.u32 $0x1, s22;
	s14 =	sor.u32 $0x1000, s26;
	v3 =	vadd.s32 v1, v3  }
0x90: {  	[hbm4b:s11+s2] =	stream.indirect_vreg.scatter [tilespmem:s14], [sflag:$0x5], $0x80, v4, vm0, $0x2000b8;
	[tilespmem:$0x14100] =	vst v63  }
0x91: {  	s17 =	sand.u32 $0x1, s28;
	s19 =	smov.u32 s15;
	s15 =	sor.u32 $0x1800, s26  }
0x92: {  	[hbm4b:s13+s2] =	stream.indirect_vreg.scatter [tilespmem:s15], [sflag:$0x5], $0x80, v4, vm0, $0x2000b8;
	[tilespmem:$0x14100] =	vst v63  }
0x93: {  	s18 =	sshll.u32 s28, $0x7;
	s21 =	smov.u32 s17;
	s17 =	sadd.s32 $0x2000, s26  }
0x94: {  	[hbm4b:s6+s2] =	stream.indirect_vreg.scatter [tilespmem:s17], [sflag:$0x5], $0x80, v3, vm0, $0x2000b8;
	[tilespmem:$0x14100] =	vst v63  }
0x95: {  	s23 =	smov.u32 s18;
	s18 =	sadd.s32 $0x2800, s26  }
0x96: {  	[hbm4b:s10+s2] =	stream.indirect_vreg.scatter [tilespmem:s18], [sflag:$0x5], $0x80, v3, vm0, $0x2000b8;
	[tilespmem:$0x14100] =	vst v63  }
0x97: {  	s8 =	sadd.s32 $0x3000, s26  }
0x98: {  	[hbm4b:s11+s2] =	stream.indirect_vreg.scatter [tilespmem:s8], [sflag:$0x5], $0x80, v3, vm0, $0x2000b8;
	[tilespmem:$0x14100] =	vst v63  }
0x99: {  	s14 =	sadd.s32 $0x3800, s26  }
0x9a: {  	[hbm4b:s13+s2] =	stream.indirect_vreg.scatter [tilespmem:s14], [sflag:$0x5], $0x80, v3, vm0, $0x2000b8;
	[tilespmem:$0x14100] =	vst v63  }
0x9b: {  	v3 =	vld [tilespmem:s1+$0x14010];
	_ =	sdelay $0x4  }
0x9c: {  	v4 =	vshll.u32 v3, $0x3  }
0x9d: {  	v3 =	vand.u32 $0x7, v3;
	v4 =	vand.u32 $0xFFFFFFC0, v4  }
0x9e: {  	v3 =	vor.u32 v3, v4  }
0x9f: {  	v4 =	vperm.xlane v3, v0;
	_ =	sdelay $0x1  }
0xa0: {  	v4 =	vadd.s32 v1, v4;
	_ =	sdelay $0x3  }
0xa1: {  	s15 =	sor.u32 $0x4000, s26  }
0xa2: {  	[hbm4b:s6+s2] =	stream.indirect_vreg.scatter [tilespmem:s15], [sflag:$0x5], $0x80, v4, vm0, $0x2000b8;
	[tilespmem:$0x14100] =	vst v63  }
0xa3: {  	s17 =	sor.u32 $0x4800, s26;
	v3 =	vperm.xlane v3, v2  }
0xa4: {  	[hbm4b:s10+s2] =	stream.indirect_vreg.scatter [tilespmem:s17], [sflag:$0x5], $0x80, v4, vm0, $0x2000b8;
	[tilespmem:$0x14100] =	vst v63  }
0xa5: {  	s18 =	sor.u32 $0x5000, s26;
	v3 =	vadd.s32 v1, v3  }
0xa6: {  	[hbm4b:s11+s2] =	stream.indirect_vreg.scatter [tilespmem:s18], [sflag:$0x5], $0x80, v4, vm0, $0x2000b8;
	[tilespmem:$0x14100] =	vst v63  }
0xa7: {  	s8 =	sor.u32 $0x5800, s26  }
0xa8: {  	[hbm4b:s13+s2] =	stream.indirect_vreg.scatter [tilespmem:s8], [sflag:$0x5], $0x80, v4, vm0, $0x2000b8;
	[tilespmem:$0x14100] =	vst v63  }
0xa9: {  	s14 =	sadd.s32 $0x6000, s26  }
0xaa: {  	[hbm4b:s6+s2] =	stream.indirect_vreg.scatter [tilespmem:s14], [sflag:$0x5], $0x80, v3, vm0, $0x2000b8;
	[tilespmem:$0x14100] =	vst v63  }
0xab: {  	s15 =	sadd.s32 $0x6800, s26  }
0xac: {  	[hbm4b:s10+s2] =	stream.indirect_vreg.scatter [tilespmem:s15], [sflag:$0x5], $0x80, v3, vm0, $0x2000b8;
	[tilespmem:$0x14100] =	vst v63  }
0xad: {  	s17 =	sadd.s32 $0x7000, s26  }
0xae: {  	[hbm4b:s11+s2] =	stream.indirect_vreg.scatter [tilespmem:s17], [sflag:$0x5], $0x80, v3, vm0, $0x2000b8;
	[tilespmem:$0x14100] =	vst v63  }
0xaf: {  	s1 =	sor.u32 $0x14020, s1;
	s18 =	sadd.s32 $0x7800, s26  }
0xb0: {  	[hbm4b:s13+s2] =	stream.indirect_vreg.scatter [tilespmem:s18], [sflag:$0x5], $0x80, v3, vm0, $0x2000b8;
	[tilespmem:$0x14100] =	vst v63  }
0xb1: {  	v3 =	vld.msk [tilespmem:s1+$0x0], $0xff;
	_ =	sdelay $0x4  }
0xb2: {  	v4 =	vshll.u32 v3, $0x3  }
0xb3: {  	v3 =	vand.u32 $0x7, v3;
	v4 =	vand.u32 $0xFFFFFFC0, v4  }
0xb4: {  	v3 =	vor.u32 v3, v4  }
0xb5: {  	s30 =	smov.u32 s24;
	s24 =	sadd.s32 $0x1, s24;
	v3 =	vperm.xlane v3, v0  }
0xb6: {  	s31 =	smov.u32 s25;
	s25 =	sadd.s32 $0x1, s25;
	p1 =	seq.s32 s24, s7  }
0xb7: {  	p2 =	sne.s32 s7, s25;
	p3 =	sge.u32 s31, s12;
	s24 =	simm.s32 @p1 $0x0;
	v3 =	vadd.s32 v1, v3  }
.Ltmp2:
0xb8: {  	s29 =	smov.u32 s9;
	p6 =	seq.s32 @!p3 s30, s24;
	(pc) =	sbr.rel @p2 .LBB2_5-.Ltmp2, $4  }
0xb9: {  	p4 =	seq.s32 s12, s31;
	s31 =	sadd.s32 $0x8000, s26;
	p1 =	por p6, p3  }
0xba: {  	p5 =	sne.s32 s30, s24;
	s30 =	sadd.s32 $0x8800, s26;
	s0 =	sand.u32 @!p1 $0x1, s20  }
0xbb: {  	s8 =	sadd.s32 @!p1 s3, s24;
	s15 =	sand.u32 @!p1 $0x1, s9;
	s1 =	sadd.s32 $0x1, s19  }
0xbc: {  	[hbm4b:s6+s2] =	stream.indirect_vreg.scatter [tilespmem:s31], [sflag:$0x5], $0x80, v3, vm0, $0x2000b8;
	[tilespmem:$0x14100] =	vst v63  }
0xbd: {  	s20 =	smov.u32 s21;
	s25 =	simm.s32 $0x1;
	s21 =	rddreg [dreg:$0x6]  }
.LBB2_7:
0xbe: {  	_ =	sdelay $0x3  }
0xbf: {  	[hbm4b:s10+s2] =	stream.indirect_vreg.scatter @p0 [tilespmem:s30], [sflag:$0x5], $0x80, v3, vm0, $0x2000b8;
	[tilespmem:$0x14100] =	vst v63  }
0xc0: {  	s9 =	sadd.s32 @p0 $0x9000, s26  }
0xc1: {  	[hbm4b:s11+s2] =	stream.indirect_vreg.scatter @p0 [tilespmem:s9], [sflag:$0x5], $0x80, v3, vm0, $0x2000b8;
	[tilespmem:$0x14100] =	vst v63  }
0xc2: {  	s9 =	sadd.s32 @p0 $0x9800, s26  }
0xc3: {  	[hbm4b:s13+s2] =	stream.indirect_vreg.scatter @p0 [tilespmem:s9], [sflag:$0x5], $0x80, v3, vm0, $0x2000b8;
	[tilespmem:$0x14100] =	vst v63  }
0xc4: {  	s14 =	smul.u32 @!p1 $0xA000, s8;
	_ =	swait.ge @p0 [sflag:s16], $0xA000  }
0xc5: {  	s17 =	simm.s32 @!p1 $0x0;
	s18 =	smul.u32 @!p1 $0x28000, s15;
	[sflag:s16] =	ssyncset.done @p0 $0x0  }
0xc6: {  	s8 =	sshll.u32 @!p1 s8, $0x4;
	s15 =	sadd.s32 @!p1 $0x1, s15;
	[sflag:s16] =	ssyncadd.s32 @p0 $0xFFFF6000  }
0xc7: {  	s8 =	sand.u32 @!p1 $0x1FFFFFF0, s8;
	s14 =	sshrl.u32 @!p1 s14, $0x3;
	_ =	strace @p0 $0x9000004D  }
0xc8: {  	s18 =	sshrl.u32 @!p1 s18, $0x2;
	s14 =	sadd.s32 @!p1 s4, s14;
	_ =	strace @!p1 $0x80000049  }
0xc9: {  	[tilespmem:s18], [sflag:s15] =	stream.linear.gather @!p1 [hbm4b:s14+s17], $0xA000, $0x200038;
	[tilespmem:$0x14100] =	vst v63  }
0xca: {  	s9 =	sadd.s32 @!p1 $0x3, s0;
	s0 =	sshll.u32 @!p1 s0, $0x7;
	_ =	strace @!p1 $0x90000049  }
0xcb: {  	s8 =	sadd.s32 @!p1 s5, s8;
	s0 =	sor.u32 @!p1 $0x14000, s0;
	_ =	strace @!p1 $0x8000004A  }
0xcc: {  	[tilespmem:s0], [sflag:s9] =	stream.linear.gather @!p1 [hbm4b:s8+s17], $0x80, $0x200038;
	[tilespmem:$0x14100] =	vst v63  }
0xcd: {  	_ =	strace @!p1 $0x9000004A  }
0xce: {  	_ =	strace $0x8000004B  }
0xcf: {  	_ =	swait.ge [sflag:s1], $0xA000  }
0xd0: {  	[sflag:s1] =	ssyncset.done $0x0  }
0xd1: {  	[sflag:s1] =	ssyncadd.s32 $0xFFFF6000  }
0xd2: {  	_ =	strace $0x9000004B  }
0xd3: {  	s24 =	sadd.s32 $0x3, s20;
	_ =	strace $0x8000004C  }
0xd4: {  	_ =	swait.ge [sflag:s24], $0x80  }
0xd5: {  	[sflag:s24] =	ssyncset.done $0x0  }
0xd6: {  	[sflag:s24] =	ssyncadd.s32 $0xFFFFFF80  }
0xd7: {  	_ =	strace $0x9000004C  }
0xd8: {  	s0 =	sand.u32 $0x80, s23;
	_ =	strace $0x8000004D  }
0xd9: {  	v3 =	vld [tilespmem:s0+$0x14000];
	_ =	sdelay $0x4  }
0xda: {  	v4 =	vshll.u32 v3, $0x3  }
0xdb: {  	v3 =	vand.u32 $0x7, v3;
	v4 =	vand.u32 $0xFFFFFFC0, v4  }
0xdc: {  	v3 =	vor.u32 v3, v4  }
0xdd: {  	v4 =	vperm.xlane v3, v0;
	_ =	sdelay $0x1  }
0xde: {  	v4 =	vadd.s32 v1, v4;
	_ =	sdelay $0x2  }
0xdf: {  	p0 =	seq.s32 s19, $0x1;
	s1 =	rddreg [dreg:$0x2]  }
0xe0: {  	s1 =	simm.s32 @!p0 $0x0  }
0xe1: {  	[hbm4b:s6+s2] =	stream.indirect_vreg.scatter [tilespmem:s1], [sflag:$0x5], $0x80, v4, vm0, $0x2000b8;
	[tilespmem:$0x14100] =	vst v63  }
0xe2: {  	s26 =	sor.u32 $0x800, s1;
	v3 =	vperm.xlane v3, v2  }
0xe3: {  	[hbm4b:s10+s2] =	stream.indirect_vreg.scatter [tilespmem:s26], [sflag:$0x5], $0x80, v4, vm0, $0x2000b8;
	[tilespmem:$0x14100] =	vst v63  }
0xe4: {  	s28 =	sor.u32 $0x1000, s1;
	v3 =	vadd.s32 v1, v3  }
0xe5: {  	[hbm4b:s11+s2] =	stream.indirect_vreg.scatter [tilespmem:s28], [sflag:$0x5], $0x80, v4, vm0, $0x2000b8;
	[tilespmem:$0x14100] =	vst v63  }
0xe6: {  	s29 =	sor.u32 $0x1800, s1  }
0xe7: {  	[hbm4b:s13+s2] =	stream.indirect_vreg.scatter [tilespmem:s29], [sflag:$0x5], $0x80, v4, vm0, $0x2000b8;
	[tilespmem:$0x14100] =	vst v63  }
0xe8: {  	s30 =	sadd.s32 $0x2000, s1  }
0xe9: {  	[hbm4b:s6+s2] =	stream.indirect_vreg.scatter [tilespmem:s30], [sflag:$0x5], $0x80, v3, vm0, $0x2000b8;
	[tilespmem:$0x14100] =	vst v63  }
0xea: {  	s31 =	sadd.s32 $0x2800, s1  }
0xeb: {  	[hbm4b:s10+s2] =	stream.indirect_vreg.scatter [tilespmem:s31], [sflag:$0x5], $0x80, v3, vm0, $0x2000b8;
	[tilespmem:$0x14100] =	vst v63  }
0xec: {  	s9 =	sadd.s32 $0x3000, s1  }
0xed: {  	[hbm4b:s11+s2] =	stream.indirect_vreg.scatter [tilespmem:s9], [sflag:$0x5], $0x80, v3, vm0, $0x2000b8;
	[tilespmem:$0x14100] =	vst v63  }
0xee: {  	s14 =	sadd.s32 $0x3800, s1  }
0xef: {  	[hbm4b:s13+s2] =	stream.indirect_vreg.scatter [tilespmem:s14], [sflag:$0x5], $0x80, v3, vm0, $0x2000b8;
	[tilespmem:$0x14100] =	vst v63  }
0xf0: {  	v3 =	vld [tilespmem:s0+$0x14010];
	_ =	sdelay $0x4  }
0xf1: {  	v62 =	vshll.u32 v3, $0x3  }
0xf2: {  	v3 =	vand.u32 $0x7, v3;
	v4 =	vand.u32 $0xFFFFFFC0, v62  }
0xf3: {  	v3 =	vor.u32 v3, v4  }
0xf4: {  	v4 =	vperm.xlane v3, v0;
	_ =	sdelay $0x1  }
0xf5: {  	v4 =	vadd.s32 v1, v4;
	_ =	sdelay $0x3  }
0xf6: {  	s15 =	sor.u32 $0x4000, s1  }
0xf7: {  	[hbm4b:s6+s2] =	stream.indirect_vreg.scatter [tilespmem:s15], [sflag:$0x5], $0x80, v4, vm0, $0x2000b8;
	[tilespmem:$0x14100] =	vst v63  }
0xf8: {  	s17 =	sor.u32 $0x4800, s1;
	v3 =	vperm.xlane v3, v2  }
0xf9: {  	[hbm4b:s10+s2] =	stream.indirect_vreg.scatter [tilespmem:s17], [sflag:$0x5], $0x80, v4, vm0, $0x2000b8;
	[tilespmem:$0x14100] =	vst v63  }
0xfa: {  	s18 =	sor.u32 $0x5000, s1;
	v3 =	vadd.s32 v1, v3  }
0xfb: {  	[hbm4b:s11+s2] =	stream.indirect_vreg.scatter [tilespmem:s18], [sflag:$0x5], $0x80, v4, vm0, $0x2000b8;
	[tilespmem:$0x14100] =	vst v63  }
0xfc: {  	s19 =	sor.u32 $0x5800, s1  }
0xfd: {  	[hbm4b:s13+s2] =	stream.indirect_vreg.scatter [tilespmem:s19], [sflag:$0x5], $0x80, v4, vm0, $0x2000b8;
	[tilespmem:$0x14100] =	vst v63  }
0xfe: {  	s20 =	sadd.s32 $0x6000, s1  }
0xff: {  	[hbm4b:s6+s2] =	stream.indirect_vreg.scatter [tilespmem:s20], [sflag:$0x5], $0x80, v3, vm0, $0x2000b8;
	[tilespmem:$0x14100] =	vst v63  }
0x100: {  	s22 =	sadd.s32 $0x6800, s1  }
0x101: {  	[hbm4b:s10+s2] =	stream.indirect_vreg.scatter [tilespmem:s22], [sflag:$0x5], $0x80, v3, vm0, $0x2000b8;
	[tilespmem:$0x14100] =	vst v63  }
0x102: {  	s23 =	sadd.s32 $0x7000, s1  }
0x103: {  	[hbm4b:s11+s2] =	stream.indirect_vreg.scatter [tilespmem:s23], [sflag:$0x5], $0x80, v3, vm0, $0x2000b8;
	[tilespmem:$0x14100] =	vst v63  }
0x104: {  	s24 =	sadd.s32 $0x7800, s1;
	s0 =	sor.u32 $0x14020, s0  }
0x105: {  	[hbm4b:s13+s2] =	stream.indirect_vreg.scatter [tilespmem:s24], [sflag:$0x5], $0x80, v3, vm0, $0x2000b8;
	[tilespmem:$0x14100] =	vst v63  }
0x106: {  	v3 =	vld.msk [tilespmem:s0+$0x0], $0xff;
	_ =	sdelay $0x4  }
0x107: {  	v63 =	vshll.u32 v3, $0x3  }
0x108: {  	v3 =	vand.u32 $0x7, v3;
	v4 =	vand.u32 $0xFFFFFFC0, v63  }
0x109: {  	v3 =	vor.u32 v3, v4  }
0x10a: {  	v3 =	vperm.xlane v3, v0;
	_ =	sdelay $0x1  }
0x10b: {  	v3 =	vadd.s32 v1, v3;
	_ =	sdelay $0x3  }
0x10c: {  	s26 =	sadd.s32 $0x8000, s1  }
0x10d: {  	[hbm4b:s6+s2] =	stream.indirect_vreg.scatter [tilespmem:s26], [sflag:$0x5], $0x80, v3, vm0, $0x2000b8;
	[tilespmem:$0x14100] =	vst v63  }
0x10e: {  	s28 =	sadd.s32 $0x8800, s1  }
0x10f: {  	[hbm4b:s10+s2] =	stream.indirect_vreg.scatter [tilespmem:s28], [sflag:$0x5], $0x80, v3, vm0, $0x2000b8;
	[tilespmem:$0x14100] =	vst v63  }
0x110: {  	s29 =	sadd.s32 $0x9000, s1  }
0x111: {  	[hbm4b:s11+s2] =	stream.indirect_vreg.scatter [tilespmem:s29], [sflag:$0x5], $0x80, v3, vm0, $0x2000b8;
	[tilespmem:$0x14100] =	vst v63  }
0x112: {  	s30 =	sadd.s32 $0x9800, s1  }
0x113: {  	[hbm4b:s13+s2] =	stream.indirect_vreg.scatter [tilespmem:s30], [sflag:$0x5], $0x80, v3, vm0, $0x2000b8;
	[tilespmem:$0x14100] =	vst v63  }
0x114: {  	_ =	swait.ge [sflag:s16], $0xA000  }
0x115: {  	s21 =	sadd.s32 $0x1, s21;
	s31 =	rddreg [dreg:$0x5]  }
0x116: {  	p0 =	sne.s32 s21, s31  }
.Ltmp3:
0x117: {  	_ = 	snop;
	(pc) =	sbr.rel @p0 .LBB2_1-.Ltmp3, $4  }
.Ltmp4:
0x118: {  	_ = 	snop;
	(pc) =	sbr.rel @!p0 .LBB2_8-.Ltmp4, $4  }
0x119: {  	[sflag:s16] =	ssyncset.done $0x0  }
0x11a: {  	[sflag:s16] =	ssyncadd.s32 $0xFFFF6000  }
0x11b: {  	_ =	strace $0x9000004D  }
0x11c: {  	_ = 	snop  }
.LBB2_2:
.Ltmp5:
0x11d: {  	(pc) =	sbr.rel .LBB2_7-.Ltmp5, $2  }
0x11e: {  	_ =	sdelay $0x2  }
0x11f: {  	s19 =	smov.u32 s20  }
.LBB2_4:
.Ltmp6:
0x120: {  	(pc) =	sbr.rel .LBB2_7-.Ltmp6, $3  }
0x121: {  	_ =	sdelay $0x1  }
0x122: {  	s20 =	smov.u32 s21  }
0x123: {  	s19 =	smov.u32 s21;
	s25 =	simm.s32 $0x1;
	s21 =	rddreg [dreg:$0x6]  }
.LBB2_8:
0x124: {  	_ =	sfence.sel $0x180000  }
0x125: {  	[bflag:$0x0] =	sbarrier.arrive $0xFFFF  }
0x126: {  	_ =	strace $0x90000047  }
0x127: {  	s0 =	stileid.u32;
	[bflag:$0x2] =	sbarrier.arrive $0xFFFF  }
0x128: {  	p0 =	sne.s32 s0, $0x0;
	s0 =	rddreg [dreg:$0x1]  }
0x129: {  	s0 =	sadd.s32 @!p0 $0x100000, s0  }
0x12a: {  	[sflag:s0] =	ssyncadd.tile.s32 @!p0 $0x1;
	_ =	shalt  }
.Lfunc_end2:
_tile_overlayer_lowered:
.L_overlay_start_2:
0x12b: {  	(tag) =	ssettag $0x2  }
0x12c: {  	s0 =	rddreg [dreg:$0x0];
	s2 =	stileid.u32  }
0x12d: {  	s1 =	rddreg [dreg:$0x1];
	p0 =	sne.s32 s2, $0x0  }
0x12e: {  	s3 =	rddreg [dreg:$0x2];
	[bflag:$0x3] =	sbarrier.arrive $0xFFFF;
	s2 =	simm.s32 @!p0 $0x1C01  }
0x12f: {  	[timem:s3], [sflag:s2] =	dma.local @!p0 [hbm:s0], s1  }
0x130: {  	s0 =	simm.s32 @!p0 $0x1  }
0x131: {  	_ =	swait.ge @!p0 [sflag:s0], s1  }
0x132: {  	s1 =	ssub.s32 @!p0 $0x0, s1;
	[sflag:s0] =	ssyncset.done @!p0 $0x0  }
0x133: {  	[sflag:s0] =	ssyncadd.s32 @!p0 s1  }
0x134: {  	[bflag:$0x3] =	sbarrier.arrive $0xFFFF  }
0x135: {  	_ =	shalt  }

</sc_bundles>
